<compile_context>
chip_gen: v7x
topology: tpu7x:2x2x1
jax: 0.10.2.dev20260603
libtpu: 0.0.44.dev20260713+nightly
codegen_flags: <defaults>
</compile_context>

<pallas_src>
import functools

import jax
import jax.numpy as jnp
from jax import lax
from jax.experimental import pallas as pl
from jax.experimental.pallas import tpu as pltpu
from jax.experimental.pallas import tpu_sc as plsc

NC = 2
NS = 16
NW = NC * NS
L = 16


def _mesh():
    return plsc.VectorSubcoreMesh(
        core_axis_name="c", subcore_axis_name="s", num_cores=NC, num_subcores=NS
    )


def _sc_params():
    return pltpu.CompilerParams(needs_layout_passes=False)


def _wid():
    return lax.axis_index("s") * NC + lax.axis_index("c")




def _make_deg_kernel(n, e):
    ept = e // NW
    ch = 2000

    @functools.partial(
        pl.kernel,
        out_type=jax.ShapeDtypeStruct((NW * n,), jnp.float32),
        mesh=_mesh(),
        compiler_params=_sc_params(),
        scratch_types=[
            pltpu.VMEM((ch,), jnp.int32),
            pltpu.VMEM((ch,), jnp.float32),
            pltpu.VMEM((n,), jnp.float32),
        ],
    )
    def deg_kernel(dst_hbm, w_hbm, zero_hbm, out_hbm, dst_v, w_v, acc):
        wid = _wid()
        base = wid * ept
        pltpu.sync_copy(zero_hbm.at[pl.ds(0, n)], acc)

        def chunk(g, _):
            off = base + g * ch
            pltpu.sync_copy(dst_hbm.at[pl.ds(off, ch)], dst_v)
            pltpu.sync_copy(w_hbm.at[pl.ds(off, ch)], w_v)

            @plsc.parallel_loop(0, ch, step=L, unroll=8)
            def body(j):
                d = dst_v[pl.ds(j, L)]
                v = w_v[pl.ds(j, L)]
                plsc.addupdate_scatter(acc, [d], v)

            return 0

        lax.fori_loop(0, ept // ch, chunk, 0)
        pltpu.sync_copy(acc, out_hbm.at[pl.ds(wid * n, n)])

    return deg_kernel


def _make_norm_kernel(n, e):
    ept = e // NW
    ch = 2000

    @functools.partial(
        pl.kernel,
        out_type=(jax.ShapeDtypeStruct((e,), jnp.float32),
                  jax.ShapeDtypeStruct((e,), jnp.int32)),
        mesh=_mesh(),
        compiler_params=_sc_params(),
        scratch_types=[
            pltpu.VMEM((n,), jnp.float32),
            pltpu.VMEM((ch,), jnp.int32),
            pltpu.VMEM((ch,), jnp.int32),
            pltpu.VMEM((ch,), jnp.float32),
            pltpu.VMEM((ch,), jnp.float32),
            pltpu.VMEM((ch,), jnp.int32),
        ],
    )
    def norm_kernel(src_hbm, dst_hbm, w_hbm, dis_hbm, out_hbm, pk_hbm,
                    dis_v, src_v, dst_v, w_v, nrm_v, pk_v):
        wid = _wid()
        base = wid * ept
        pltpu.sync_copy(dis_hbm, dis_v)

        def chunk(g, _):
            off = base + g * ch
            pltpu.sync_copy(src_hbm.at[pl.ds(off, ch)], src_v)
            pltpu.sync_copy(dst_hbm.at[pl.ds(off, ch)], dst_v)
            pltpu.sync_copy(w_hbm.at[pl.ds(off, ch)], w_v)

            @plsc.parallel_loop(0, ch, step=L, unroll=8)
            def body(j):
                s = src_v[pl.ds(j, L)]
                d = dst_v[pl.ds(j, L)]
                wv = w_v[pl.ds(j, L)]
                ds_ = plsc.load_gather(dis_v, [s])
                dd_ = plsc.load_gather(dis_v, [d])
                nrm_v[pl.ds(j, L)] = ds_ * wv * dd_
                pk_v[pl.ds(j, L)] = lax.bitwise_or(s, lax.shift_left(d, 16))

            pltpu.sync_copy(nrm_v, out_hbm.at[pl.ds(off, ch)])
            pltpu.sync_copy(pk_v, pk_hbm.at[pl.ds(off, ch)])
            return 0

        lax.fori_loop(0, ept // ch, chunk, 0)

    return norm_kernel


def _make_agg_kernel(n, e, f):
    fpt = f // NW
    npp = fpt // 2
    fh = f // 2
    ch = 8000
    nch = e // ch
    assert e % ch == 0 and nch % 2 == 0 and ch % L == 0

    @functools.partial(
        pl.kernel,
        out_type=jax.ShapeDtypeStruct((f * n,), jnp.float32),
        mesh=_mesh(),
        compiler_params=_sc_params(),
        scratch_types=[
            pltpu.VMEM((npp * n,), jnp.int32),
            pltpu.VMEM((fpt * n,), jnp.float32),
            pltpu.VMEM((ch,), jnp.int32),
            pltpu.VMEM((ch,), jnp.int32),
            pltpu.VMEM((ch,), jnp.float32),
            pltpu.VMEM((ch,), jnp.float32),
            pltpu.SemaphoreType.DMA,
            pltpu.SemaphoreType.DMA,
        ],
    )
    def agg_kernel(hP_hbm, pk_hbm, nrm_hbm, zero_hbm, out_hbm,
                   h_v, acc, pk0, pk1, nrm0, nrm1, sem0, sem1):
        wid = _wid()
        pltpu.sync_copy(hP_hbm.at[pl.ds(wid * (npp * n), npp * n)], h_v)
        pltpu.sync_copy(zero_hbm, acc)
        bufs = ((pk0, nrm0, sem0), (pk1, nrm1, sem1))

        def start(g, p):
            off = g * ch
            pv, nv, sem = bufs[p]
            pltpu.async_copy(pk_hbm.at[pl.ds(off, ch)], pv, sem)
            pltpu.async_copy(nrm_hbm.at[pl.ds(off, ch)], nv, sem)

        def wait(g, p):
            off = g * ch
            pv, nv, sem = bufs[p]
            pltpu.make_async_copy(pk_hbm.at[pl.ds(off, ch)], pv, sem).wait()
            pltpu.make_async_copy(nrm_hbm.at[pl.ds(off, ch)], nv, sem).wait()

        def compute(p):
            pv, nv, _ = bufs[p]

            @plsc.parallel_loop(0, ch, step=L, unroll=8)
            def body(i):
                pk = pv[pl.ds(i, L)]
                nrm = nv[pl.ds(i, L)]
                s = lax.bitwise_and(pk, 0xFFFF)
                d = lax.shift_right_logical(pk, 16)
                for pp in range(npp):
                    si = s + (pp * n) if pp else s
                    w = plsc.load_gather(h_v, [si])
                    lo = plsc.bitcast(lax.shift_left(w, 16), jnp.float32)
                    hi = plsc.bitcast(lax.bitwise_and(w, jnp.int32(-65536)),
                                      jnp.float32)
                    dlo = d + (pp * n) if pp else d
                    plsc.addupdate_scatter(acc, [dlo], nrm * lo)
                    plsc.addupdate_scatter(acc, [d + ((npp + pp) * n)], nrm * hi)

        start(0, 0)

        def outer(g2, _):
            g0 = g2 * 2
            start(g0 + 1, 1)
            wait(g0, 0)
            compute(0)

            @pl.when(g2 + 1 < nch // 2)
            def _prefetch():
                start(g0 + 2, 0)

            wait(g0 + 1, 1)
            compute(1)
            return 0

        lax.fori_loop(0, nch // 2, outer, 0)
        pltpu.sync_copy(acc.at[pl.ds(0, npp * n)],
                        out_hbm.at[pl.ds((npp * wid) * n, npp * n)])
        pltpu.sync_copy(acc.at[pl.ds(npp * n, npp * n)],
                        out_hbm.at[pl.ds((fh + npp * wid) * n, npp * n)])

    return agg_kernel


def _make_agg2_kernel(n, e, f):
    nchunks = NW // f
    ept = e // nchunks
    ch = 4000

    @functools.partial(
        pl.kernel,
        out_type=jax.ShapeDtypeStruct((NW * n,), jnp.float32),
        mesh=_mesh(),
        compiler_params=_sc_params(),
        scratch_types=[
            pltpu.VMEM((n,), jnp.float32),
            pltpu.VMEM((n,), jnp.float32),
            pltpu.VMEM((ch,), jnp.int32),
            pltpu.VMEM((ch,), jnp.float32),
        ],
    )
    def agg2_kernel(hT_hbm, pk_hbm, nrm_hbm, zero_hbm, out_hbm,
                    h_v, acc, pk_v, nrm_v):
        wid = _wid()
        ff = lax.rem(wid, f)
        cc = lax.div(wid, f)
        base = cc * ept
        pltpu.sync_copy(hT_hbm.at[pl.ds(ff * n, n)], h_v)
        pltpu.sync_copy(zero_hbm.at[pl.ds(0, n)], acc)

        def chunk(g, _):
            off = base + g * ch
            pltpu.sync_copy(pk_hbm.at[pl.ds(off, ch)], pk_v)
            pltpu.sync_copy(nrm_hbm.at[pl.ds(off, ch)], nrm_v)

            @plsc.parallel_loop(0, ch, step=L, unroll=8)
            def body(i):
                pk = pk_v[pl.ds(i, L)]
                nv = nrm_v[pl.ds(i, L)]
                s = lax.bitwise_and(pk, 0xFFFF)
                d = lax.shift_right_logical(pk, 16)
                hv = plsc.load_gather(h_v, [s])
                plsc.addupdate_scatter(acc, [d], nv * hv)

            return 0

        lax.fori_loop(0, ept // ch, chunk, 0)
        pltpu.sync_copy(acc, out_hbm.at[pl.ds(wid * n, n)])

    return agg2_kernel




def _pack_pairs(hT):
    fh = hT.shape[0] // 2
    hb = hT.astype(jnp.bfloat16)
    u = lax.bitcast_convert_type(hb, jnp.uint16).astype(jnp.uint32)
    w = lax.bitwise_or(u[:fh], lax.shift_left(u[fh:], jnp.uint32(16)))
    return lax.bitcast_convert_type(w, jnp.int32)


def _unpack_pairs(wp):
    lo = lax.bitcast_convert_type(lax.shift_left(wp, 16), jnp.float32)
    hi = lax.bitcast_convert_type(
        lax.bitwise_and(wp, jnp.int32(-65536)), jnp.float32)
    return jnp.concatenate([lo, hi], axis=0)


def _degfin_body(p_ref, dis_ref, dis2_ref):
    deg = jnp.sum(p_ref[...], axis=0) + 1.0
    dis = jnp.where(deg > 0, lax.rsqrt(jnp.maximum(deg, 1e-12)), 0.0)
    dis_ref[...] = dis
    dis2_ref[...] = dis * dis


def _mm1_body(w_ref, x_ref, p_ref):
    hT = lax.dot_general(
        w_ref[...], x_ref[...], (([0], [1]), ([], [])),
        preferred_element_type=jnp.float32)
    p_ref[...] = _pack_pairs(hT)


def _layer_body(agg_ref, hp_ref, dis2_ref, b_ref, w_ref, p_ref):
    h = _unpack_pairs(hp_ref[...])
    z = jnp.maximum(agg_ref[...] + dis2_ref[...] * h + b_ref[...], 0.0)
    hT = lax.dot_general(
        w_ref[...], z, (([0], [0]), ([], [])),
        preferred_element_type=jnp.float32)
    p_ref[...] = _pack_pairs(hT)


def _layer3_body(agg_ref, hp_ref, dis2_ref, b_ref, w3_ref, wlin_ref, o_ref):
    h = _unpack_pairs(hp_ref[...])
    z = jnp.maximum(agg_ref[...] + dis2_ref[...] * h + b_ref[...], 0.0)
    w3p = lax.dot_general(
        w3_ref[...], wlin_ref[...], (([1], [0]), ([], [])),
        preferred_element_type=jnp.float32)
    o_ref[...] = lax.dot_general(
        w3p, z, (([0], [0]), ([], [])),
        preferred_element_type=jnp.float32)


def _final_body(p_ref, h3_ref, dis2_ref, batch_ref, b3_ref, wlin_ref, blin_ref,
                o_ref, *, n, g):
    f = h3_ref.shape[0]
    agg3 = jnp.sum(p_ref[...].reshape(NW // f, f, n), axis=0)
    z3 = agg3 + dis2_ref[...] * h3_ref[...]
    gi = lax.broadcasted_iota(jnp.int32, (g, n), 0)
    m = (gi == batch_ref[...][None, :]).astype(jnp.float32)
    sums = lax.dot_general(m, z3, (([1], [1]), ([], [])),
                           preferred_element_type=jnp.float32)
    counts = lax.dot_general(m, jnp.ones((1, n), jnp.float32),
                             (([1], [1]), ([], [])),
                             preferred_element_type=jnp.float32)
    const = lax.dot_general(b3_ref[...], wlin_ref[...], (([1], [0]), ([], [])),
                            preferred_element_type=jnp.float32)
    o_ref[...] = sums / jnp.maximum(counts, 1.0) + const + blin_ref[...][None, :]




def kernel(x, edge_index, edge_weight, batch, W1, b1, W2, b2, W3, b3, Wlin, blin):
    n, d = x.shape
    e = edge_index.shape[1]
    h = W1.shape[1]
    c = Wlin.shape[1]
    g = 64
    fpt = h // NW

    src = edge_index[0].astype(jnp.int32)
    dst = edge_index[1].astype(jnp.int32)
    zeros_flat = jnp.zeros((fpt * n,), jnp.float32)

    deg_k = _make_deg_kernel(n, e)
    norm_k = _make_norm_kernel(n, e)
    agg_k = _make_agg_kernel(n, e, h)
    agg2_k = _make_agg2_kernel(n, e, c)

    partials = deg_k(dst, edge_weight, zeros_flat).reshape(NW, n)
    dis, dis2 = pl.pallas_call(
        _degfin_body,
        out_shape=(jax.ShapeDtypeStruct((n,), jnp.float32),
                   jax.ShapeDtypeStruct((n,), jnp.float32)),
    )(partials)
    norm, pk = norm_k(src, dst, edge_weight, dis)

    dis2r = dis2[None, :]
    h1P = pl.pallas_call(
        _mm1_body,
        out_shape=jax.ShapeDtypeStruct((h // 2, n), jnp.int32))(W1, x)
    a1T = agg_k(h1P.reshape(-1), pk, norm, zeros_flat).reshape(h, n)
    h2P = pl.pallas_call(
        _layer_body,
        out_shape=jax.ShapeDtypeStruct((h // 2, n), jnp.int32))(
        a1T, h1P, dis2r, b1[:, None], W2)
    a2T = agg_k(h2P.reshape(-1), pk, norm, zeros_flat).reshape(h, n)
    h3T = pl.pallas_call(
        _layer3_body, out_shape=jax.ShapeDtypeStruct((c, n), jnp.float32))(
        a2T, h2P, dis2r, b2[:, None], W3, Wlin)
    p3 = agg2_k(h3T.reshape(-1), pk, norm, zeros_flat).reshape(NW, n)
    out = pl.pallas_call(
        functools.partial(_final_body, n=n, g=g),
        out_shape=jax.ShapeDtypeStruct((g, c), jnp.float32),
    )(p3, h3T, dis2r, batch.astype(jnp.int32), b3[None, :], Wlin, blin)
    return out

# --- scband reference (transcript-rebuilt; emitter-appended) ---
"""Pipeline reference for scband-gcn-32908039422437 (READ-ONLY COPY).

The authoritative reference and input builder live on the scoring server;
editing this copy changes nothing except your own understanding.
"""

import jax, jax.numpy as jnp
import numpy as np

N = 10000
E = 320000
D = 128
H = 128
C = 2
G = 64


def setup_inputs(seed: int = 0) -> dict:
    key = jax.random.key(seed)
    ks = jax.random.split(key, 12)
    x = jax.random.normal(ks[0], (N, D), dtype=jnp.float32)
    edge_index = jax.random.randint(ks[1], (2, E), 0, N)
    edge_weight = jax.random.uniform(ks[2], (E,), dtype=jnp.float32)
    batch = jnp.sort(jax.random.randint(ks[3], (N,), 0, G))
    def lin_w(k, fi, fo):
        return jax.random.normal(k, (fi, fo), dtype=jnp.float32) / np.sqrt(fi)
    W1 = lin_w(ks[4], D, H)
    b1 = jnp.zeros((H,), jnp.float32)
    W2 = lin_w(ks[5], H, H)
    b2 = jnp.zeros((H,), jnp.float32)
    W3 = lin_w(ks[6], H, H)
    b3 = jnp.zeros((H,), jnp.float32)
    Wlin = lin_w(ks[7], H, C)
    blin = jnp.zeros((C,), jnp.float32)
    return {"x": x, "edge_index": edge_index, "edge_weight": edge_weight, "batch": batch,
            "W1": W1, "b1": b1, "W2": W2, "b2": b2, "W3": W3, "b3": b3,
            "Wlin": Wlin, "blin": blin}


def gcn_conv(x, edge_index, edge_weight, W, b):
    # GCNConv: add self-loops (weight 1), symmetric normalization, scatter-add aggregation
    n = x.shape[0]
    src = edge_index[0]
    dst = edge_index[1]
    loop = jnp.arange(n)
    src2 = jnp.concatenate([src, loop])
    dst2 = jnp.concatenate([dst, loop])
    w2 = jnp.concatenate([edge_weight, jnp.ones((n,), edge_weight.dtype)])
    deg = jnp.zeros((n,), x.dtype).at[dst2].add(w2)
    dis = jnp.where(deg > 0, jax.lax.rsqrt(jnp.maximum(deg, 1e-12)), 0.0)
    norm = dis[src2] * w2 * dis[dst2]
    h = x @ W
    msg = h[src2] * norm[:, None]
    out = jnp.zeros((n, W.shape[1]), x.dtype).at[dst2].add(msg)
    return out + b


def reference(x, edge_index, edge_weight, batch, W1, b1, W2, b2, W3, b3, Wlin, blin):
    h = jax.nn.relu(gcn_conv(x, edge_index, edge_weight, W1, b1))
    h = jax.nn.relu(gcn_conv(h, edge_index, edge_weight, W2, b2))
    h = gcn_conv(h, edge_index, edge_weight, W3, b3)
    sums = jax.ops.segment_sum(h, batch, num_segments=G)
    counts = jax.ops.segment_sum(jnp.ones((h.shape[0],), h.dtype), batch, num_segments=G)
    pooled = sums / jnp.maximum(counts, 1.0)[:, None]
    # dropout is identity in eval mode
    return pooled @ Wlin + blin

if __name__ == "__main__":
    import jax
    _d = setup_inputs()
    print(jax.jit(kernel)(*tuple(_d.values())))

</pallas_src>

<mosaic_0001>
#map = affine_map<(d0, d1) -> (0)>
module attributes {stable_mosaic.version = 14 : i64} {
  func.func @norm_kernel(%arg0: i32, %arg1: i32, %arg2: memref<320000xi32, #tpu.memory_space<hbm>>, %arg3: memref<320000xi32, #tpu.memory_space<hbm>>, %arg4: memref<320000xf32, #tpu.memory_space<hbm>>, %arg5: memref<10000xf32, #tpu.memory_space<hbm>>, %arg6: memref<320000xf32, #tpu.memory_space<hbm>>, %arg7: memref<320000xi32, #tpu.memory_space<hbm>>, %arg8: memref<10000xf32, #tpu.memory_space<vmem>>, %arg9: memref<2000xi32, #tpu.memory_space<vmem>>, %arg10: memref<2000xi32, #tpu.memory_space<vmem>>, %arg11: memref<2000xf32, #tpu.memory_space<vmem>>, %arg12: memref<2000xf32, #tpu.memory_space<vmem>>, %arg13: memref<2000xi32, #tpu.memory_space<vmem>>) attributes {dimension_semantics = [#tpu.dimension_semantics<core_parallel>, #tpu.dimension_semantics<subcore_parallel>], iteration_bounds = array<i64: 2, 16>, scalar_prefetch = 0 : i64, scratch_operands = 6 : i64, tpu.core_type = #tpu.core_type<sc_vector_subcore>, window_params = [{transform_indices = #map}, {transform_indices = #map}, {transform_indices = #map}, {transform_indices = #map}, {transform_indices = #map}, {transform_indices = #map}]} {
    %mul3A = arith.constant 2 : i32
    %mul3A_0 = arith.muli %arg1, %mul3A : i32
    %add3A = arith.addi %mul3A_0, %arg0 : i32
    %mul3A_1 = arith.constant 10000 : i32
    %mul3A_2 = arith.muli %add3A, %mul3A_1 : i32
    "tpu.region"() ({
      %run_scoped3A = tpu.sem_alloc : memref<!tpu.dma_semaphore, #tpu.memory_space<semaphore_mem>>
      tpu.enqueue_dma source(%arg5 : memref<10000xf32, #tpu.memory_space<hbm>>) target(%arg8 : memref<10000xf32, #tpu.memory_space<vmem>>) target_semaphore(%run_scoped3A : memref<!tpu.dma_semaphore, #tpu.memory_space<semaphore_mem>>)
      tpu.wait_dma2 semaphore(%run_scoped3A : memref<!tpu.dma_semaphore, #tpu.memory_space<semaphore_mem>>) src(%arg5 : memref<10000xf32, #tpu.memory_space<hbm>>) dst(%arg8 : memref<10000xf32, #tpu.memory_space<vmem>>)
      tpu.yield
    }) : () -> ()
    %scan3A = arith.constant 0 : i32
    %scan3A_3 = arith.constant 0 : i32
    %scan3A_4 = arith.constant 5 : i32
    %scan3A_5 = arith.addi %scan3A_3, %scan3A_4 : i32
    %scan3A_6 = arith.constant 1 : i32
    %scan3A_7 = scf.for %scan3A_9 = %scan3A_3 to %scan3A_5 step %scan3A_6 iter_args(%scan3A_10 = %scan3A) -> (i32)  : i32 {
      %mul3A_11 = arith.constant 2000 : i32
      %mul3A_12 = arith.muli %scan3A_9, %mul3A_11 : i32
      %add3A_13 = arith.addi %mul3A_2, %mul3A_12 : i32
      "tpu.region"() ({
        %run_scoped3A = tpu.sem_alloc : memref<!tpu.dma_semaphore, #tpu.memory_space<semaphore_mem>>
        %dma_start3A = tpu.memref_slice %arg2[%add3A_13] : memref<320000xi32, #tpu.memory_space<hbm>> -> memref<2000xi32, #tpu.memory_space<hbm>>
        %dma_start3A_17 = tpu.memref_slice %arg2[%add3A_13] : memref<320000xi32, #tpu.memory_space<hbm>> -> memref<2000xi32, #tpu.memory_space<hbm>>
        tpu.enqueue_dma source(%dma_start3A_17 : memref<2000xi32, #tpu.memory_space<hbm>>) target(%arg9 : memref<2000xi32, #tpu.memory_space<vmem>>) target_semaphore(%run_scoped3A : memref<!tpu.dma_semaphore, #tpu.memory_space<semaphore_mem>>)
        %dma_wait3A = tpu.memref_slice %arg2[%add3A_13] : memref<320000xi32, #tpu.memory_space<hbm>> -> memref<2000xi32, #tpu.memory_space<hbm>>
        %dma_wait3A_18 = tpu.memref_slice %arg2[%add3A_13] : memref<320000xi32, #tpu.memory_space<hbm>> -> memref<2000xi32, #tpu.memory_space<hbm>>
        tpu.wait_dma2 semaphore(%run_scoped3A : memref<!tpu.dma_semaphore, #tpu.memory_space<semaphore_mem>>) src(%dma_wait3A_18 : memref<2000xi32, #tpu.memory_space<hbm>>) dst(%arg9 : memref<2000xi32, #tpu.memory_space<vmem>>)
        tpu.yield
      }) : () -> ()
      "tpu.region"() ({
        %run_scoped3A = tpu.sem_alloc : memref<!tpu.dma_semaphore, #tpu.memory_space<semaphore_mem>>
        %dma_start3A = tpu.memref_slice %arg3[%add3A_13] : memref<320000xi32, #tpu.memory_space<hbm>> -> memref<2000xi32, #tpu.memory_space<hbm>>
        %dma_start3A_17 = tpu.memref_slice %arg3[%add3A_13] : memref<320000xi32, #tpu.memory_space<hbm>> -> memref<2000xi32, #tpu.memory_space<hbm>>
        tpu.enqueue_dma source(%dma_start3A_17 : memref<2000xi32, #tpu.memory_space<hbm>>) target(%arg10 : memref<2000xi32, #tpu.memory_space<vmem>>) target_semaphore(%run_scoped3A : memref<!tpu.dma_semaphore, #tpu.memory_space<semaphore_mem>>)
        %dma_wait3A = tpu.memref_slice %arg3[%add3A_13] : memref<320000xi32, #tpu.memory_space<hbm>> -> memref<2000xi32, #tpu.memory_space<hbm>>
        %dma_wait3A_18 = tpu.memref_slice %arg3[%add3A_13] : memref<320000xi32, #tpu.memory_space<hbm>> -> memref<2000xi32, #tpu.memory_space<hbm>>
        tpu.wait_dma2 semaphore(%run_scoped3A : memref<!tpu.dma_semaphore, #tpu.memory_space<semaphore_mem>>) src(%dma_wait3A_18 : memref<2000xi32, #tpu.memory_space<hbm>>) dst(%arg10 : memref<2000xi32, #tpu.memory_space<vmem>>)
        tpu.yield
      }) : () -> ()
      "tpu.region"() ({
        %run_scoped3A = tpu.sem_alloc : memref<!tpu.dma_semaphore, #tpu.memory_space<semaphore_mem>>
        %dma_start3A = tpu.memref_slice %arg4[%add3A_13] : memref<320000xf32, #tpu.memory_space<hbm>> -> memref<2000xf32, #tpu.memory_space<hbm>>
        %dma_start3A_17 = tpu.memref_slice %arg4[%add3A_13] : memref<320000xf32, #tpu.memory_space<hbm>> -> memref<2000xf32, #tpu.memory_space<hbm>>
        tpu.enqueue_dma source(%dma_start3A_17 : memref<2000xf32, #tpu.memory_space<hbm>>) target(%arg11 : memref<2000xf32, #tpu.memory_space<vmem>>) target_semaphore(%run_scoped3A : memref<!tpu.dma_semaphore, #tpu.memory_space<semaphore_mem>>)
        %dma_wait3A = tpu.memref_slice %arg4[%add3A_13] : memref<320000xf32, #tpu.memory_space<hbm>> -> memref<2000xf32, #tpu.memory_space<hbm>>
        %dma_wait3A_18 = tpu.memref_slice %arg4[%add3A_13] : memref<320000xf32, #tpu.memory_space<hbm>> -> memref<2000xf32, #tpu.memory_space<hbm>>
        tpu.wait_dma2 semaphore(%run_scoped3A : memref<!tpu.dma_semaphore, #tpu.memory_space<semaphore_mem>>) src(%dma_wait3A_18 : memref<2000xf32, #tpu.memory_space<hbm>>) dst(%arg11 : memref<2000xf32, #tpu.memory_space<vmem>>)
        tpu.yield
      }) : () -> ()
      %parallel_loop3A = arith.constant 0 : i32
      %parallel_loop3A_14 = arith.constant 2000 : i32
      %parallel_loop3A_15 = arith.constant 16 : i32
      scf.for %parallel_loop3A_17 = %parallel_loop3A to %parallel_loop3A_14 step %parallel_loop3A_15  : i32 {
        %parallel_loop3A_18 = arith.index_cast %parallel_loop3A_17 : i32 to index
        %parallel_loop3A_19 = tpu.vector_load %arg9[%parallel_loop3A_18] {strides = array<i32>} : memref<2000xi32, #tpu.memory_space<vmem>>, vector<16xi32>,
        %parallel_loop3A_20 = arith.index_cast %parallel_loop3A_17 : i32 to index
        %parallel_loop3A_21 = tpu.vector_load %arg10[%parallel_loop3A_20] {strides = array<i32>} : memref<2000xi32, #tpu.memory_space<vmem>>, vector<16xi32>,
        %parallel_loop3A_22 = arith.index_cast %parallel_loop3A_17 : i32 to index
        %parallel_loop3A_23 = tpu.vector_load %arg11[%parallel_loop3A_22] {strides = array<i32>} : memref<2000xf32, #tpu.memory_space<vmem>>, vector<16xf32>,
        %parallel_loop3A_24 = tpu.vector_load_idx %arg8[%parallel_loop3A_19] : memref<10000xf32, #tpu.memory_space<vmem>>[vector<16xi32>], vector<16xf32>,
        %parallel_loop3A_25 = tpu.vector_load_idx %arg8[%parallel_loop3A_21] : memref<10000xf32, #tpu.memory_space<vmem>>[vector<16xi32>], vector<16xf32>,
        %parallel_loop3A_26 = arith.mulf %parallel_loop3A_24, %parallel_loop3A_23 : vector<16xf32>
        %parallel_loop3A_27 = arith.mulf %parallel_loop3A_26, %parallel_loop3A_25 : vector<16xf32>
        %parallel_loop3A_28 = arith.index_cast %parallel_loop3A_17 : i32 to index
        %parallel_loop3A_29 = tpu.vector_load %arg12[%parallel_loop3A_28] {strides = array<i32>} : memref<2000xf32, #tpu.memory_space<vmem>>, vector<16xf32>,
        tpu.vector_store %arg12[%parallel_loop3A_28], %parallel_loop3A_27 {strides = array<i32>} : memref<2000xf32, #tpu.memory_space<vmem>>, vector<16xf32>,
        %parallel_loop3A_30 = arith.constant 16 : i32
        %parallel_loop3A_31 = vector.broadcast %parallel_loop3A_30 : i32 to vector<16xi32>
        %parallel_loop3A_32 = arith.shli %parallel_loop3A_21, %parallel_loop3A_31 : vector<16xi32>
        %parallel_loop3A_33 = arith.ori %parallel_loop3A_19, %parallel_loop3A_32 : vector<16xi32>
        %parallel_loop3A_34 = arith.index_cast %parallel_loop3A_17 : i32 to index
        %parallel_loop3A_35 = tpu.vector_load %arg13[%parallel_loop3A_34] {strides = array<i32>} : memref<2000xi32, #tpu.memory_space<vmem>>, vector<16xi32>,
        tpu.vector_store %arg13[%parallel_loop3A_34], %parallel_loop3A_33 {strides = array<i32>} : memref<2000xi32, #tpu.memory_space<vmem>>, vector<16xi32>,
      } {sc.loop_unroll_factor = 8 : i64, sc.parallel_access}
      "tpu.region"() ({
        %run_scoped3A = tpu.sem_alloc : memref<!tpu.dma_semaphore, #tpu.memory_space<semaphore_mem>>
        %dma_start3A = tpu.memref_slice %arg6[%add3A_13] : memref<320000xf32, #tpu.memory_space<hbm>> -> memref<2000xf32, #tpu.memory_space<hbm>>
        %dma_start3A_17 = tpu.memref_slice %arg6[%add3A_13] : memref<320000xf32, #tpu.memory_space<hbm>> -> memref<2000xf32, #tpu.memory_space<hbm>>
        tpu.enqueue_dma source(%arg12 : memref<2000xf32, #tpu.memory_space<vmem>>) target(%dma_start3A_17 : memref<2000xf32, #tpu.memory_space<hbm>>) target_semaphore(%run_scoped3A : memref<!tpu.dma_semaphore, #tpu.memory_space<semaphore_mem>>)
        %dma_wait3A = tpu.memref_slice %arg6[%add3A_13] : memref<320000xf32, #tpu.memory_space<hbm>> -> memref<2000xf32, #tpu.memory_space<hbm>>
        %dma_wait3A_18 = tpu.memref_slice %arg6[%add3A_13] : memref<320000xf32, #tpu.memory_space<hbm>> -> memref<2000xf32, #tpu.memory_space<hbm>>
        tpu.wait_dma2 semaphore(%run_scoped3A : memref<!tpu.dma_semaphore, #tpu.memory_space<semaphore_mem>>) src(%arg12 : memref<2000xf32, #tpu.memory_space<vmem>>) dst(%dma_wait3A_18 : memref<2000xf32, #tpu.memory_space<hbm>>)
        tpu.yield
      }) : () -> ()
      "tpu.region"() ({
        %run_scoped3A = tpu.sem_alloc : memref<!tpu.dma_semaphore, #tpu.memory_space<semaphore_mem>>
        %dma_start3A = tpu.memref_slice %arg7[%add3A_13] : memref<320000xi32, #tpu.memory_space<hbm>> -> memref<2000xi32, #tpu.memory_space<hbm>>
        %dma_start3A_17 = tpu.memref_slice %arg7[%add3A_13] : memref<320000xi32, #tpu.memory_space<hbm>> -> memref<2000xi32, #tpu.memory_space<hbm>>
        tpu.enqueue_dma source(%arg13 : memref<2000xi32, #tpu.memory_space<vmem>>) target(%dma_start3A_17 : memref<2000xi32, #tpu.memory_space<hbm>>) target_semaphore(%run_scoped3A : memref<!tpu.dma_semaphore, #tpu.memory_space<semaphore_mem>>)
        %dma_wait3A = tpu.memref_slice %arg7[%add3A_13] : memref<320000xi32, #tpu.memory_space<hbm>> -> memref<2000xi32, #tpu.memory_space<hbm>>
        %dma_wait3A_18 = tpu.memref_slice %arg7[%add3A_13] : memref<320000xi32, #tpu.memory_space<hbm>> -> memref<2000xi32, #tpu.memory_space<hbm>>
        tpu.wait_dma2 semaphore(%run_scoped3A : memref<!tpu.dma_semaphore, #tpu.memory_space<semaphore_mem>>) src(%arg13 : memref<2000xi32, #tpu.memory_space<vmem>>) dst(%dma_wait3A_18 : memref<2000xi32, #tpu.memory_space<hbm>>)
        tpu.yield
      }) : () -> ()
      %scan3A_16 = arith.constant 0 : i32
      scf.yield %scan3A_16 : i32
    }
    %scan3A_8 = arith.constant 5 : i32
    return
  }
}

#map = affine_map<(d0, d1) -> (0)>
module attributes {stable_mosaic.version = 14 : i64} {
  func.func @agg_kernel(%arg0: i32, %arg1: i32, %arg2: memref<640000xi32, #tpu.memory_space<hbm>>, %arg3: memref<320000xi32, #tpu.memory_space<hbm>>, %arg4: memref<320000xf32, #tpu.memory_space<hbm>>, %arg5: memref<40000xf32, #tpu.memory_space<hbm>>, %arg6: memref<1280000xf32, #tpu.memory_space<hbm>>, %arg7: memref<20000xi32, #tpu.memory_space<vmem>>, %arg8: memref<40000xf32, #tpu.memory_space<vmem>>, %arg9: memref<8000xi32, #tpu.memory_space<vmem>>, %arg10: memref<8000xi32, #tpu.memory_space<vmem>>, %arg11: memref<8000xf32, #tpu.memory_space<vmem>>, %arg12: memref<8000xf32, #tpu.memory_space<vmem>>, %arg13: memref<!tpu.dma_semaphore, #tpu.memory_space<semaphore_mem>>, %arg14: memref<!tpu.dma_semaphore, #tpu.memory_space<semaphore_mem>>) attributes {dimension_semantics = [#tpu.dimension_semantics<core_parallel>, #tpu.dimension_semantics<subcore_parallel>], iteration_bounds = array<i64: 2, 16>, scalar_prefetch = 0 : i64, scratch_operands = 8 : i64, tpu.core_type = #tpu.core_type<sc_vector_subcore>, window_params = [{transform_indices = #map}, {transform_indices = #map}, {transform_indices = #map}, {transform_indices = #map}, {transform_indices = #map}]} {
    %mul3A = arith.constant 2 : i32
    %mul3A_0 = arith.muli %arg1, %mul3A : i32
    %add3A = arith.addi %mul3A_0, %arg0 : i32
    %mul3A_1 = arith.constant 20000 : i32
    %mul3A_2 = arith.muli %add3A, %mul3A_1 : i32
    "tpu.region"() ({
      %run_scoped3A = tpu.sem_alloc : memref<!tpu.dma_semaphore, #tpu.memory_space<semaphore_mem>>
      %dma_start3A_26 = tpu.memref_slice %arg2[%mul3A_2] : memref<640000xi32, #tpu.memory_space<hbm>> -> memref<20000xi32, #tpu.memory_space<hbm>>
      %dma_start3A_27 = tpu.memref_slice %arg2[%mul3A_2] : memref<640000xi32, #tpu.memory_space<hbm>> -> memref<20000xi32, #tpu.memory_space<hbm>>
      tpu.enqueue_dma source(%dma_start3A_27 : memref<20000xi32, #tpu.memory_space<hbm>>) target(%arg7 : memref<20000xi32, #tpu.memory_space<vmem>>) target_semaphore(%run_scoped3A : memref<!tpu.dma_semaphore, #tpu.memory_space<semaphore_mem>>)
      %dma_wait3A = tpu.memref_slice %arg2[%mul3A_2] : memref<640000xi32, #tpu.memory_space<hbm>> -> memref<20000xi32, #tpu.memory_space<hbm>>
      %dma_wait3A_28 = tpu.memref_slice %arg2[%mul3A_2] : memref<640000xi32, #tpu.memory_space<hbm>> -> memref<20000xi32, #tpu.memory_space<hbm>>
      tpu.wait_dma2 semaphore(%run_scoped3A : memref<!tpu.dma_semaphore, #tpu.memory_space<semaphore_mem>>) src(%dma_wait3A_28 : memref<20000xi32, #tpu.memory_space<hbm>>) dst(%arg7 : memref<20000xi32, #tpu.memory_space<vmem>>)
      tpu.yield
    }) : () -> ()
    "tpu.region"() ({
      %run_scoped3A = tpu.sem_alloc : memref<!tpu.dma_semaphore, #tpu.memory_space<semaphore_mem>>
      tpu.enqueue_dma source(%arg5 : memref<40000xf32, #tpu.memory_space<hbm>>) target(%arg8 : memref<40000xf32, #tpu.memory_space<vmem>>) target_semaphore(%run_scoped3A : memref<!tpu.dma_semaphore, #tpu.memory_space<semaphore_mem>>)
      tpu.wait_dma2 semaphore(%run_scoped3A : memref<!tpu.dma_semaphore, #tpu.memory_space<semaphore_mem>>) src(%arg5 : memref<40000xf32, #tpu.memory_space<hbm>>) dst(%arg8 : memref<40000xf32, #tpu.memory_space<vmem>>)
      tpu.yield
    }) : () -> ()
    %dma_start3A = arith.constant 0 : i32
    %dma_start3A_3 = tpu.memref_slice %arg3[%dma_start3A] : memref<320000xi32, #tpu.memory_space<hbm>> -> memref<8000xi32, #tpu.memory_space<hbm>>
    %dma_start3A_4 = arith.constant 0 : i32
    %dma_start3A_5 = tpu.memref_slice %arg3[%dma_start3A_4] : memref<320000xi32, #tpu.memory_space<hbm>> -> memref<8000xi32, #tpu.memory_space<hbm>>
    tpu.enqueue_dma source(%dma_start3A_5 : memref<8000xi32, #tpu.memory_space<hbm>>) target(%arg9 : memref<8000xi32, #tpu.memory_space<vmem>>) target_semaphore(%arg13 : memref<!tpu.dma_semaphore, #tpu.memory_space<semaphore_mem>>)
    %dma_start3A_6 = arith.constant 0 : i32
    %dma_start3A_7 = tpu.memref_slice %arg4[%dma_start3A_6] : memref<320000xf32, #tpu.memory_space<hbm>> -> memref<8000xf32, #tpu.memory_space<hbm>>
    %dma_start3A_8 = arith.constant 0 : i32
    %dma_start3A_9 = tpu.memref_slice %arg4[%dma_start3A_8] : memref<320000xf32, #tpu.memory_space<hbm>> -> memref<8000xf32, #tpu.memory_space<hbm>>
    tpu.enqueue_dma source(%dma_start3A_9 : memref<8000xf32, #tpu.memory_space<hbm>>) target(%arg11 : memref<8000xf32, #tpu.memory_space<vmem>>) target_semaphore(%arg13 : memref<!tpu.dma_semaphore, #tpu.memory_space<semaphore_mem>>)
    %scan3A = arith.constant 0 : i32
    %scan3A_10 = arith.constant 0 : i32
    %scan3A_11 = arith.constant 20 : i32
    %scan3A_12 = arith.addi %scan3A_10, %scan3A_11 : i32
    %scan3A_13 = arith.constant 1 : i32
    %scan3A_14 = scf.for %scan3A_26 = %scan3A_10 to %scan3A_12 step %scan3A_13 iter_args(%scan3A_27 = %scan3A) -> (i32)  : i32 {
      %mul3A_28 = arith.constant 2 : i32
      %mul3A_29 = arith.muli %scan3A_26, %mul3A_28 : i32
      %add3A_30 = arith.constant 1 : i32
      %add3A_31 = arith.addi %mul3A_29, %add3A_30 : i32
      %mul3A_32 = arith.constant 8000 : i32
      %mul3A_33 = arith.muli %add3A_31, %mul3A_32 : i32
      %dma_start3A_34 = tpu.memref_slice %arg3[%mul3A_33] : memref<320000xi32, #tpu.memory_space<hbm>> -> memref<8000xi32, #tpu.memory_space<hbm>>
      %dma_start3A_35 = tpu.memref_slice %arg3[%mul3A_33] : memref<320000xi32, #tpu.memory_space<hbm>> -> memref<8000xi32, #tpu.memory_space<hbm>>
      tpu.enqueue_dma source(%dma_start3A_35 : memref<8000xi32, #tpu.memory_space<hbm>>) target(%arg10 : memref<8000xi32, #tpu.memory_space<vmem>>) target_semaphore(%arg14 : memref<!tpu.dma_semaphore, #tpu.memory_space<semaphore_mem>>)
      %dma_start3A_36 = tpu.memref_slice %arg4[%mul3A_33] : memref<320000xf32, #tpu.memory_space<hbm>> -> memref<8000xf32, #tpu.memory_space<hbm>>
      %dma_start3A_37 = tpu.memref_slice %arg4[%mul3A_33] : memref<320000xf32, #tpu.memory_space<hbm>> -> memref<8000xf32, #tpu.memory_space<hbm>>
      tpu.enqueue_dma source(%dma_start3A_37 : memref<8000xf32, #tpu.memory_space<hbm>>) target(%arg12 : memref<8000xf32, #tpu.memory_space<vmem>>) target_semaphore(%arg14 : memref<!tpu.dma_semaphore, #tpu.memory_space<semaphore_mem>>)
      %mul3A_38 = arith.constant 8000 : i32
      %mul3A_39 = arith.muli %mul3A_29, %mul3A_38 : i32
      %dma_wait3A = tpu.memref_slice %arg3[%mul3A_39] : memref<320000xi32, #tpu.memory_space<hbm>> -> memref<8000xi32, #tpu.memory_space<hbm>>
      %dma_wait3A_40 = tpu.memref_slice %arg3[%mul3A_39] : memref<320000xi32, #tpu.memory_space<hbm>> -> memref<8000xi32, #tpu.memory_space<hbm>>
      tpu.wait_dma2 semaphore(%arg13 : memref<!tpu.dma_semaphore, #tpu.memory_space<semaphore_mem>>) src(%dma_wait3A_40 : memref<8000xi32, #tpu.memory_space<hbm>>) dst(%arg9 : memref<8000xi32, #tpu.memory_space<vmem>>)
      %dma_wait3A_41 = tpu.memref_slice %arg4[%mul3A_39] : memref<320000xf32, #tpu.memory_space<hbm>> -> memref<8000xf32, #tpu.memory_space<hbm>>
      %dma_wait3A_42 = tpu.memref_slice %arg4[%mul3A_39] : memref<320000xf32, #tpu.memory_space<hbm>> -> memref<8000xf32, #tpu.memory_space<hbm>>
      tpu.wait_dma2 semaphore(%arg13 : memref<!tpu.dma_semaphore, #tpu.memory_space<semaphore_mem>>) src(%dma_wait3A_42 : memref<8000xf32, #tpu.memory_space<hbm>>) dst(%arg11 : memref<8000xf32, #tpu.memory_space<vmem>>)
      %parallel_loop3A = arith.constant 0 : i32
      %parallel_loop3A_43 = arith.constant 8000 : i32
      %parallel_loop3A_44 = arith.constant 16 : i32
      scf.for %parallel_loop3A_61 = %parallel_loop3A to %parallel_loop3A_43 step %parallel_loop3A_44  : i32 {
        %parallel_loop3A_62 = arith.index_cast %parallel_loop3A_61 : i32 to index
        %parallel_loop3A_63 = tpu.vector_load %arg9[%parallel_loop3A_62] {strides = array<i32>} : memref<8000xi32, #tpu.memory_space<vmem>>, vector<16xi32>,
        %parallel_loop3A_64 = arith.index_cast %parallel_loop3A_61 : i32 to index
        %parallel_loop3A_65 = tpu.vector_load %arg11[%parallel_loop3A_64] {strides = array<i32>} : memref<8000xf32, #tpu.memory_space<vmem>>, vector<16xf32>,
        %parallel_loop3A_66 = arith.constant 65535 : i32
        %parallel_loop3A_67 = vector.broadcast %parallel_loop3A_66 : i32 to vector<16xi32>
        %parallel_loop3A_68 = arith.andi %parallel_loop3A_63, %parallel_loop3A_67 : vector<16xi32>
        %parallel_loop3A_69 = arith.constant 16 : i32
        %parallel_loop3A_70 = vector.broadcast %parallel_loop3A_69 : i32 to vector<16xi32>
        %parallel_loop3A_71 = arith.shrui %parallel_loop3A_63, %parallel_loop3A_70 : vector<16xi32>
        %parallel_loop3A_72 = tpu.vector_load_idx %arg7[%parallel_loop3A_68] : memref<20000xi32, #tpu.memory_space<vmem>>[vector<16xi32>], vector<16xi32>,
        %parallel_loop3A_73 = arith.constant 16 : i32
        %parallel_loop3A_74 = vector.broadcast %parallel_loop3A_73 : i32 to vector<16xi32>
        %parallel_loop3A_75 = arith.shli %parallel_loop3A_72, %parallel_loop3A_74 : vector<16xi32>
        %parallel_loop3A_76 = vector.bitcast %parallel_loop3A_75 : vector<16xi32> to vector<16xf32>
        %parallel_loop3A_77 = arith.constant -65536 : i32
        %parallel_loop3A_78 = vector.broadcast %parallel_loop3A_77 : i32 to vector<16xi32>
        %parallel_loop3A_79 = arith.andi %parallel_loop3A_72, %parallel_loop3A_78 : vector<16xi32>
        %parallel_loop3A_80 = vector.bitcast %parallel_loop3A_79 : vector<16xi32> to vector<16xf32>
        %parallel_loop3A_81 = arith.mulf %parallel_loop3A_65, %parallel_loop3A_76 : vector<16xf32>
        tpu.vector_store_idx %arg8[%parallel_loop3A_71], %parallel_loop3A_81 {add = true} : memref<40000xf32, #tpu.memory_space<vmem>>[vector<16xi32>], vector<16xf32>,
        %parallel_loop3A_82 = arith.constant 20000 : i32
        %parallel_loop3A_83 = vector.broadcast %parallel_loop3A_82 : i32 to vector<16xi32>
        %parallel_loop3A_84 = arith.addi %parallel_loop3A_71, %parallel_loop3A_83 : vector<16xi32>
        %parallel_loop3A_85 = arith.mulf %parallel_loop3A_65, %parallel_loop3A_80 : vector<16xf32>
        tpu.vector_store_idx %arg8[%parallel_loop3A_84], %parallel_loop3A_85 {add = true} : memref<40000xf32, #tpu.memory_space<vmem>>[vector<16xi32>], vector<16xf32>,
        %parallel_loop3A_86 = arith.constant 10000 : i32
        %parallel_loop3A_87 = vector.broadcast %parallel_loop3A_86 : i32 to vector<16xi32>
        %parallel_loop3A_88 = arith.addi %parallel_loop3A_68, %parallel_loop3A_87 : vector<16xi32>
        %parallel_loop3A_89 = tpu.vector_load_idx %arg7[%parallel_loop3A_88] : memref<20000xi32, #tpu.memory_space<vmem>>[vector<16xi32>], vector<16xi32>,
        %parallel_loop3A_90 = arith.constant 16 : i32
        %parallel_loop3A_91 = vector.broadcast %parallel_loop3A_90 : i32 to vector<16xi32>
        %parallel_loop3A_92 = arith.shli %parallel_loop3A_89, %parallel_loop3A_91 : vector<16xi32>
        %parallel_loop3A_93 = vector.bitcast %parallel_loop3A_92 : vector<16xi32> to vector<16xf32>
        %parallel_loop3A_94 = arith.constant -65536 : i32
        %parallel_loop3A_95 = vector.broadcast %parallel_loop3A_94 : i32 to vector<16xi32>
        %parallel_loop3A_96 = arith.andi %parallel_loop3A_89, %parallel_loop3A_95 : vector<16xi32>
        %parallel_loop3A_97 = vector.bitcast %parallel_loop3A_96 : vector<16xi32> to vector<16xf32>
        %parallel_loop3A_98 = arith.constant 10000 : i32
        %parallel_loop3A_99 = vector.broadcast %parallel_loop3A_98 : i32 to vector<16xi32>
        %parallel_loop3A_100 = arith.addi %parallel_loop3A_71, %parallel_loop3A_99 : vector<16xi32>
        %parallel_loop3A_101 = arith.mulf %parallel_loop3A_65, %parallel_loop3A_93 : vector<16xf32>
        tpu.vector_store_idx %arg8[%parallel_loop3A_100], %parallel_loop3A_101 {add = true} : memref<40000xf32, #tpu.memory_space<vmem>>[vector<16xi32>], vector<16xf32>,
        %parallel_loop3A_102 = arith.constant 30000 : i32
        %parallel_loop3A_103 = vector.broadcast %parallel_loop3A_102 : i32 to vector<16xi32>
        %parallel_loop3A_104 = arith.addi %parallel_loop3A_71, %parallel_loop3A_103 : vector<16xi32>
        %parallel_loop3A_105 = arith.mulf %parallel_loop3A_65, %parallel_loop3A_97 : vector<16xf32>
        tpu.vector_store_idx %arg8[%parallel_loop3A_104], %parallel_loop3A_105 {add = true} : memref<40000xf32, #tpu.memory_space<vmem>>[vector<16xi32>], vector<16xf32>,
      } {sc.loop_unroll_factor = 8 : i64, sc.parallel_access}
      %add3A_45 = arith.constant 1 : i32
      %add3A_46 = arith.addi %scan3A_26, %add3A_45 : i32
      %lt3A = arith.constant 20 : i32
      %lt3A_47 = arith.cmpi slt, %add3A_46, %lt3A : i32
      %convert_element_type3A = arith.extui %lt3A_47 : i1 to i32
      %cond3A = arith.constant 0 : i32
      %cond3A_48 = arith.cmpi ne, %convert_element_type3A, %cond3A : i32
      scf.if %cond3A_48 {
        %add3A_61 = arith.constant 2 : i32
        %add3A_62 = arith.addi %mul3A_29, %add3A_61 : i32
        %mul3A_63 = arith.constant 8000 : i32
        %mul3A_64 = arith.muli %add3A_62, %mul3A_63 : i32
        %dma_start3A_65 = tpu.memref_slice %arg3[%mul3A_64] : memref<320000xi32, #tpu.memory_space<hbm>> -> memref<8000xi32, #tpu.memory_space<hbm>>
        %dma_start3A_66 = tpu.memref_slice %arg3[%mul3A_64] : memref<320000xi32, #tpu.memory_space<hbm>> -> memref<8000xi32, #tpu.memory_space<hbm>>
        tpu.enqueue_dma source(%dma_start3A_66 : memref<8000xi32, #tpu.memory_space<hbm>>) target(%arg9 : memref<8000xi32, #tpu.memory_space<vmem>>) target_semaphore(%arg13 : memref<!tpu.dma_semaphore, #tpu.memory_space<semaphore_mem>>)
        %dma_start3A_67 = tpu.memref_slice %arg4[%mul3A_64] : memref<320000xf32, #tpu.memory_space<hbm>> -> memref<8000xf32, #tpu.memory_space<hbm>>
        %dma_start3A_68 = tpu.memref_slice %arg4[%mul3A_64] : memref<320000xf32, #tpu.memory_space<hbm>> -> memref<8000xf32, #tpu.memory_space<hbm>>
        tpu.enqueue_dma source(%dma_start3A_68 : memref<8000xf32, #tpu.memory_space<hbm>>) target(%arg11 : memref<8000xf32, #tpu.memory_space<vmem>>) target_semaphore(%arg13 : memref<!tpu.dma_semaphore, #tpu.memory_space<semaphore_mem>>)
      } else {
      }
      %add3A_49 = arith.constant 1 : i32
      %add3A_50 = arith.addi %mul3A_29, %add3A_49 : i32
      %mul3A_51 = arith.constant 8000 : i32
      %mul3A_52 = arith.muli %add3A_50, %mul3A_51 : i32
      %dma_wait3A_53 = tpu.memref_slice %arg3[%mul3A_52] : memref<320000xi32, #tpu.memory_space<hbm>> -> memref<8000xi32, #tpu.memory_space<hbm>>
      %dma_wait3A_54 = tpu.memref_slice %arg3[%mul3A_52] : memref<320000xi32, #tpu.memory_space<hbm>> -> memref<8000xi32, #tpu.memory_space<hbm>>
      tpu.wait_dma2 semaphore(%arg14 : memref<!tpu.dma_semaphore, #tpu.memory_space<semaphore_mem>>) src(%dma_wait3A_54 : memref<8000xi32, #tpu.memory_space<hbm>>) dst(%arg10 : memref<8000xi32, #tpu.memory_space<vmem>>)
      %dma_wait3A_55 = tpu.memref_slice %arg4[%mul3A_52] : memref<320000xf32, #tpu.memory_space<hbm>> -> memref<8000xf32, #tpu.memory_space<hbm>>
      %dma_wait3A_56 = tpu.memref_slice %arg4[%mul3A_52] : memref<320000xf32, #tpu.memory_space<hbm>> -> memref<8000xf32, #tpu.memory_space<hbm>>
      tpu.wait_dma2 semaphore(%arg14 : memref<!tpu.dma_semaphore, #tpu.memory_space<semaphore_mem>>) src(%dma_wait3A_56 : memref<8000xf32, #tpu.memory_space<hbm>>) dst(%arg12 : memref<8000xf32, #tpu.memory_space<vmem>>)
      %parallel_loop3A_57 = arith.constant 0 : i32
      %parallel_loop3A_58 = arith.constant 8000 : i32
      %parallel_loop3A_59 = arith.constant 16 : i32
      scf.for %parallel_loop3A_61 = %parallel_loop3A_57 to %parallel_loop3A_58 step %parallel_loop3A_59  : i32 {
        %parallel_loop3A_62 = arith.index_cast %parallel_loop3A_61 : i32 to index
        %parallel_loop3A_63 = tpu.vector_load %arg10[%parallel_loop3A_62] {strides = array<i32>} : memref<8000xi32, #tpu.memory_space<vmem>>, vector<16xi32>,
        %parallel_loop3A_64 = arith.index_cast %parallel_loop3A_61 : i32 to index
        %parallel_loop3A_65 = tpu.vector_load %arg12[%parallel_loop3A_64] {strides = array<i32>} : memref<8000xf32, #tpu.memory_space<vmem>>, vector<16xf32>,
        %parallel_loop3A_66 = arith.constant 65535 : i32
        %parallel_loop3A_67 = vector.broadcast %parallel_loop3A_66 : i32 to vector<16xi32>
        %parallel_loop3A_68 = arith.andi %parallel_loop3A_63, %parallel_loop3A_67 : vector<16xi32>
        %parallel_loop3A_69 = arith.constant 16 : i32
        %parallel_loop3A_70 = vector.broadcast %parallel_loop3A_69 : i32 to vector<16xi32>
        %parallel_loop3A_71 = arith.shrui %parallel_loop3A_63, %parallel_loop3A_70 : vector<16xi32>
        %parallel_loop3A_72 = tpu.vector_load_idx %arg7[%parallel_loop3A_68] : memref<20000xi32, #tpu.memory_space<vmem>>[vector<16xi32>], vector<16xi32>,
        %parallel_loop3A_73 = arith.constant 16 : i32
        %parallel_loop3A_74 = vector.broadcast %parallel_loop3A_73 : i32 to vector<16xi32>
        %parallel_loop3A_75 = arith.shli %parallel_loop3A_72, %parallel_loop3A_74 : vector<16xi32>
        %parallel_loop3A_76 = vector.bitcast %parallel_loop3A_75 : vector<16xi32> to vector<16xf32>
        %parallel_loop3A_77 = arith.constant -65536 : i32
        %parallel_loop3A_78 = vector.broadcast %parallel_loop3A_77 : i32 to vector<16xi32>
        %parallel_loop3A_79 = arith.andi %parallel_loop3A_72, %parallel_loop3A_78 : vector<16xi32>
        %parallel_loop3A_80 = vector.bitcast %parallel_loop3A_79 : vector<16xi32> to vector<16xf32>
        %parallel_loop3A_81 = arith.mulf %parallel_loop3A_65, %parallel_loop3A_76 : vector<16xf32>
        tpu.vector_store_idx %arg8[%parallel_loop3A_71], %parallel_loop3A_81 {add = true} : memref<40000xf32, #tpu.memory_space<vmem>>[vector<16xi32>], vector<16xf32>,
        %parallel_loop3A_82 = arith.constant 20000 : i32
        %parallel_loop3A_83 = vector.broadcast %parallel_loop3A_82 : i32 to vector<16xi32>
        %parallel_loop3A_84 = arith.addi %parallel_loop3A_71, %parallel_loop3A_83 : vector<16xi32>
        %parallel_loop3A_85 = arith.mulf %parallel_loop3A_65, %parallel_loop3A_80 : vector<16xf32>
        tpu.vector_store_idx %arg8[%parallel_loop3A_84], %parallel_loop3A_85 {add = true} : memref<40000xf32, #tpu.memory_space<vmem>>[vector<16xi32>], vector<16xf32>,
        %parallel_loop3A_86 = arith.constant 10000 : i32
        %parallel_loop3A_87 = vector.broadcast %parallel_loop3A_86 : i32 to vector<16xi32>
        %parallel_loop3A_88 = arith.addi %parallel_loop3A_68, %parallel_loop3A_87 : vector<16xi32>
        %parallel_loop3A_89 = tpu.vector_load_idx %arg7[%parallel_loop3A_88] : memref<20000xi32, #tpu.memory_space<vmem>>[vector<16xi32>], vector<16xi32>,
        %parallel_loop3A_90 = arith.constant 16 : i32
        %parallel_loop3A_91 = vector.broadcast %parallel_loop3A_90 : i32 to vector<16xi32>
        %parallel_loop3A_92 = arith.shli %parallel_loop3A_89, %parallel_loop3A_91 : vector<16xi32>
        %parallel_loop3A_93 = vector.bitcast %parallel_loop3A_92 : vector<16xi32> to vector<16xf32>
        %parallel_loop3A_94 = arith.constant -65536 : i32
        %parallel_loop3A_95 = vector.broadcast %parallel_loop3A_94 : i32 to vector<16xi32>
        %parallel_loop3A_96 = arith.andi %parallel_loop3A_89, %parallel_loop3A_95 : vector<16xi32>
        %parallel_loop3A_97 = vector.bitcast %parallel_loop3A_96 : vector<16xi32> to vector<16xf32>
        %parallel_loop3A_98 = arith.constant 10000 : i32
        %parallel_loop3A_99 = vector.broadcast %parallel_loop3A_98 : i32 to vector<16xi32>
        %parallel_loop3A_100 = arith.addi %parallel_loop3A_71, %parallel_loop3A_99 : vector<16xi32>
        %parallel_loop3A_101 = arith.mulf %parallel_loop3A_65, %parallel_loop3A_93 : vector<16xf32>
        tpu.vector_store_idx %arg8[%parallel_loop3A_100], %parallel_loop3A_101 {add = true} : memref<40000xf32, #tpu.memory_space<vmem>>[vector<16xi32>], vector<16xf32>,
        %parallel_loop3A_102 = arith.constant 30000 : i32
        %parallel_loop3A_103 = vector.broadcast %parallel_loop3A_102 : i32 to vector<16xi32>
        %parallel_loop3A_104 = arith.addi %parallel_loop3A_71, %parallel_loop3A_103 : vector<16xi32>
        %parallel_loop3A_105 = arith.mulf %parallel_loop3A_65, %parallel_loop3A_97 : vector<16xf32>
        tpu.vector_store_idx %arg8[%parallel_loop3A_104], %parallel_loop3A_105 {add = true} : memref<40000xf32, #tpu.memory_space<vmem>>[vector<16xi32>], vector<16xf32>,
      } {sc.loop_unroll_factor = 8 : i64, sc.parallel_access}
      %scan3A_60 = arith.constant 0 : i32
      scf.yield %scan3A_60 : i32
    }
    %scan3A_15 = arith.constant 20 : i32
    %mul3A_16 = arith.constant 2 : i32
    %mul3A_17 = arith.muli %mul3A_16, %add3A : i32
    %mul3A_18 = arith.constant 10000 : i32
    %mul3A_19 = arith.muli %mul3A_17, %mul3A_18 : i32
    "tpu.region"() ({
      %run_scoped3A = tpu.sem_alloc : memref<!tpu.dma_semaphore, #tpu.memory_space<semaphore_mem>>
      %dma_start3A_26 = arith.constant 0 : i32
      %dma_start3A_27 = tpu.memref_slice %arg8[%dma_start3A_26] : memref<40000xf32, #tpu.memory_space<vmem>> -> memref<20000xf32, #tpu.memory_space<vmem>>
      %dma_start3A_28 = tpu.memref_slice %arg6[%mul3A_19] : memref<1280000xf32, #tpu.memory_space<hbm>> -> memref<20000xf32, #tpu.memory_space<hbm>>
      %dma_start3A_29 = tpu.memref_slice %arg6[%mul3A_19] : memref<1280000xf32, #tpu.memory_space<hbm>> -> memref<20000xf32, #tpu.memory_space<hbm>>
      %dma_start3A_30 = arith.constant 0 : i32
      %dma_start3A_31 = tpu.memref_slice %arg8[%dma_start3A_30] : memref<40000xf32, #tpu.memory_space<vmem>> -> memref<20000xf32, #tpu.memory_space<vmem>>
      tpu.enqueue_dma source(%dma_start3A_31 : memref<20000xf32, #tpu.memory_space<vmem>>) target(%dma_start3A_29 : memref<20000xf32, #tpu.memory_space<hbm>>) target_semaphore(%run_scoped3A : memref<!tpu.dma_semaphore, #tpu.memory_space<semaphore_mem>>)
      %dma_wait3A = arith.constant 0 : i32
      %dma_wait3A_32 = tpu.memref_slice %arg8[%dma_wait3A] : memref<40000xf32, #tpu.memory_space<vmem>> -> memref<20000xf32, #tpu.memory_space<vmem>>
      %dma_wait3A_33 = tpu.memref_slice %arg6[%mul3A_19] : memref<1280000xf32, #tpu.memory_space<hbm>> -> memref<20000xf32, #tpu.memory_space<hbm>>
      %dma_wait3A_34 = tpu.memref_slice %arg6[%mul3A_19] : memref<1280000xf32, #tpu.memory_space<hbm>> -> memref<20000xf32, #tpu.memory_space<hbm>>
      %dma_wait3A_35 = arith.constant 0 : i32
      %dma_wait3A_36 = tpu.memref_slice %arg8[%dma_wait3A_35] : memref<40000xf32, #tpu.memory_space<vmem>> -> memref<20000xf32, #tpu.memory_space<vmem>>
      tpu.wait_dma2 semaphore(%run_scoped3A : memref<!tpu.dma_semaphore, #tpu.memory_space<semaphore_mem>>) src(%dma_wait3A_36 : memref<20000xf32, #tpu.memory_space<vmem>>) dst(%dma_wait3A_34 : memref<20000xf32, #tpu.memory_space<hbm>>)
      tpu.yield
    }) : () -> ()
    %mul3A_20 = arith.constant 2 : i32
    %mul3A_21 = arith.muli %mul3A_20, %add3A : i32
    %add3A_22 = arith.constant 64 : i32
    %add3A_23 = arith.addi %add3A_22, %mul3A_21 : i32
    %mul3A_24 = arith.constant 10000 : i32
    %mul3A_25 = arith.muli %add3A_23, %mul3A_24 : i32
    "tpu.region"() ({
      %run_scoped3A = tpu.sem_alloc : memref<!tpu.dma_semaphore, #tpu.memory_space<semaphore_mem>>
      %dma_start3A_26 = arith.constant 20000 : i32
      %dma_start3A_27 = tpu.memref_slice %arg8[%dma_start3A_26] : memref<40000xf32, #tpu.memory_space<vmem>> -> memref<20000xf32, #tpu.memory_space<vmem>>
      %dma_start3A_28 = tpu.memref_slice %arg6[%mul3A_25] : memref<1280000xf32, #tpu.memory_space<hbm>> -> memref<20000xf32, #tpu.memory_space<hbm>>
      %dma_start3A_29 = tpu.memref_slice %arg6[%mul3A_25] : memref<1280000xf32, #tpu.memory_space<hbm>> -> memref<20000xf32, #tpu.memory_space<hbm>>
      %dma_start3A_30 = arith.constant 20000 : i32
      %dma_start3A_31 = tpu.memref_slice %arg8[%dma_start3A_30] : memref<40000xf32, #tpu.memory_space<vmem>> -> memref<20000xf32, #tpu.memory_space<vmem>>
      tpu.enqueue_dma source(%dma_start3A_31 : memref<20000xf32, #tpu.memory_space<vmem>>) target(%dma_start3A_29 : memref<20000xf32, #tpu.memory_space<hbm>>) target_semaphore(%run_scoped3A : memref<!tpu.dma_semaphore, #tpu.memory_space<semaphore_mem>>)
      %dma_wait3A = arith.constant 20000 : i32
      %dma_wait3A_32 = tpu.memref_slice %arg8[%dma_wait3A] : memref<40000xf32, #tpu.memory_space<vmem>> -> memref<20000xf32, #tpu.memory_space<vmem>>
      %dma_wait3A_33 = tpu.memref_slice %arg6[%mul3A_25] : memref<1280000xf32, #tpu.memory_space<hbm>> -> memref<20000xf32, #tpu.memory_space<hbm>>
      %dma_wait3A_34 = tpu.memref_slice %arg6[%mul3A_25] : memref<1280000xf32, #tpu.memory_space<hbm>> -> memref<20000xf32, #tpu.memory_space<hbm>>
      %dma_wait3A_35 = arith.constant 20000 : i32
      %dma_wait3A_36 = tpu.memref_slice %arg8[%dma_wait3A_35] : memref<40000xf32, #tpu.memory_space<vmem>> -> memref<20000xf32, #tpu.memory_space<vmem>>
      tpu.wait_dma2 semaphore(%run_scoped3A : memref<!tpu.dma_semaphore, #tpu.memory_space<semaphore_mem>>) src(%dma_wait3A_36 : memref<20000xf32, #tpu.memory_space<vmem>>) dst(%dma_wait3A_34 : memref<20000xf32, #tpu.memory_space<hbm>>)
      tpu.yield
    }) : () -> ()
    return
  }
}

#map = affine_map<(d0, d1) -> (0)>
module attributes {stable_mosaic.version = 14 : i64} {
  func.func @deg_kernel(%arg0: i32, %arg1: i32, %arg2: memref<320000xi32, #tpu.memory_space<hbm>>, %arg3: memref<320000xf32, #tpu.memory_space<hbm>>, %arg4: memref<40000xf32, #tpu.memory_space<hbm>>, %arg5: memref<320000xf32, #tpu.memory_space<hbm>>, %arg6: memref<2000xi32, #tpu.memory_space<vmem>>, %arg7: memref<2000xf32, #tpu.memory_space<vmem>>, %arg8: memref<10000xf32, #tpu.memory_space<vmem>>) attributes {dimension_semantics = [#tpu.dimension_semantics<core_parallel>, #tpu.dimension_semantics<subcore_parallel>], iteration_bounds = array<i64: 2, 16>, scalar_prefetch = 0 : i64, scratch_operands = 3 : i64, tpu.core_type = #tpu.core_type<sc_vector_subcore>, window_params = [{transform_indices = #map}, {transform_indices = #map}, {transform_indices = #map}, {transform_indices = #map}]} {
    %mul3A = arith.constant 2 : i32
    %mul3A_0 = arith.muli %arg1, %mul3A : i32
    %add3A = arith.addi %mul3A_0, %arg0 : i32
    %mul3A_1 = arith.constant 10000 : i32
    %mul3A_2 = arith.muli %add3A, %mul3A_1 : i32
    "tpu.region"() ({
      %run_scoped3A = tpu.sem_alloc : memref<!tpu.dma_semaphore, #tpu.memory_space<semaphore_mem>>
      %dma_start3A = arith.constant 0 : i32
      %dma_start3A_11 = tpu.memref_slice %arg4[%dma_start3A] : memref<40000xf32, #tpu.memory_space<hbm>> -> memref<10000xf32, #tpu.memory_space<hbm>>
      %dma_start3A_12 = arith.constant 0 : i32
      %dma_start3A_13 = tpu.memref_slice %arg4[%dma_start3A_12] : memref<40000xf32, #tpu.memory_space<hbm>> -> memref<10000xf32, #tpu.memory_space<hbm>>
      tpu.enqueue_dma source(%dma_start3A_13 : memref<10000xf32, #tpu.memory_space<hbm>>) target(%arg8 : memref<10000xf32, #tpu.memory_space<vmem>>) target_semaphore(%run_scoped3A : memref<!tpu.dma_semaphore, #tpu.memory_space<semaphore_mem>>)
      %dma_wait3A = arith.constant 0 : i32
      %dma_wait3A_14 = tpu.memref_slice %arg4[%dma_wait3A] : memref<40000xf32, #tpu.memory_space<hbm>> -> memref<10000xf32, #tpu.memory_space<hbm>>
      %dma_wait3A_15 = arith.constant 0 : i32
      %dma_wait3A_16 = tpu.memref_slice %arg4[%dma_wait3A_15] : memref<40000xf32, #tpu.memory_space<hbm>> -> memref<10000xf32, #tpu.memory_space<hbm>>
      tpu.wait_dma2 semaphore(%run_scoped3A : memref<!tpu.dma_semaphore, #tpu.memory_space<semaphore_mem>>) src(%dma_wait3A_16 : memref<10000xf32, #tpu.memory_space<hbm>>) dst(%arg8 : memref<10000xf32, #tpu.memory_space<vmem>>)
      tpu.yield
    }) : () -> ()
    %scan3A = arith.constant 0 : i32
    %scan3A_3 = arith.constant 0 : i32
    %scan3A_4 = arith.constant 5 : i32
    %scan3A_5 = arith.addi %scan3A_3, %scan3A_4 : i32
    %scan3A_6 = arith.constant 1 : i32
    %scan3A_7 = scf.for %scan3A_11 = %scan3A_3 to %scan3A_5 step %scan3A_6 iter_args(%scan3A_12 = %scan3A) -> (i32)  : i32 {
      %mul3A_13 = arith.constant 2000 : i32
      %mul3A_14 = arith.muli %scan3A_11, %mul3A_13 : i32
      %add3A_15 = arith.addi %mul3A_2, %mul3A_14 : i32
      "tpu.region"() ({
        %run_scoped3A = tpu.sem_alloc : memref<!tpu.dma_semaphore, #tpu.memory_space<semaphore_mem>>
        %dma_start3A = tpu.memref_slice %arg2[%add3A_15] : memref<320000xi32, #tpu.memory_space<hbm>> -> memref<2000xi32, #tpu.memory_space<hbm>>
        %dma_start3A_19 = tpu.memref_slice %arg2[%add3A_15] : memref<320000xi32, #tpu.memory_space<hbm>> -> memref<2000xi32, #tpu.memory_space<hbm>>
        tpu.enqueue_dma source(%dma_start3A_19 : memref<2000xi32, #tpu.memory_space<hbm>>) target(%arg6 : memref<2000xi32, #tpu.memory_space<vmem>>) target_semaphore(%run_scoped3A : memref<!tpu.dma_semaphore, #tpu.memory_space<semaphore_mem>>)
        %dma_wait3A = tpu.memref_slice %arg2[%add3A_15] : memref<320000xi32, #tpu.memory_space<hbm>> -> memref<2000xi32, #tpu.memory_space<hbm>>
        %dma_wait3A_20 = tpu.memref_slice %arg2[%add3A_15] : memref<320000xi32, #tpu.memory_space<hbm>> -> memref<2000xi32, #tpu.memory_space<hbm>>
        tpu.wait_dma2 semaphore(%run_scoped3A : memref<!tpu.dma_semaphore, #tpu.memory_space<semaphore_mem>>) src(%dma_wait3A_20 : memref<2000xi32, #tpu.memory_space<hbm>>) dst(%arg6 : memref<2000xi32, #tpu.memory_space<vmem>>)
        tpu.yield
      }) : () -> ()
      "tpu.region"() ({
        %run_scoped3A = tpu.sem_alloc : memref<!tpu.dma_semaphore, #tpu.memory_space<semaphore_mem>>
        %dma_start3A = tpu.memref_slice %arg3[%add3A_15] : memref<320000xf32, #tpu.memory_space<hbm>> -> memref<2000xf32, #tpu.memory_space<hbm>>
        %dma_start3A_19 = tpu.memref_slice %arg3[%add3A_15] : memref<320000xf32, #tpu.memory_space<hbm>> -> memref<2000xf32, #tpu.memory_space<hbm>>
        tpu.enqueue_dma source(%dma_start3A_19 : memref<2000xf32, #tpu.memory_space<hbm>>) target(%arg7 : memref<2000xf32, #tpu.memory_space<vmem>>) target_semaphore(%run_scoped3A : memref<!tpu.dma_semaphore, #tpu.memory_space<semaphore_mem>>)
        %dma_wait3A = tpu.memref_slice %arg3[%add3A_15] : memref<320000xf32, #tpu.memory_space<hbm>> -> memref<2000xf32, #tpu.memory_space<hbm>>
        %dma_wait3A_20 = tpu.memref_slice %arg3[%add3A_15] : memref<320000xf32, #tpu.memory_space<hbm>> -> memref<2000xf32, #tpu.memory_space<hbm>>
        tpu.wait_dma2 semaphore(%run_scoped3A : memref<!tpu.dma_semaphore, #tpu.memory_space<semaphore_mem>>) src(%dma_wait3A_20 : memref<2000xf32, #tpu.memory_space<hbm>>) dst(%arg7 : memref<2000xf32, #tpu.memory_space<vmem>>)
        tpu.yield
      }) : () -> ()
      %parallel_loop3A = arith.constant 0 : i32
      %parallel_loop3A_16 = arith.constant 2000 : i32
      %parallel_loop3A_17 = arith.constant 16 : i32
      scf.for %parallel_loop3A_19 = %parallel_loop3A to %parallel_loop3A_16 step %parallel_loop3A_17  : i32 {
        %parallel_loop3A_20 = arith.index_cast %parallel_loop3A_19 : i32 to index
        %parallel_loop3A_21 = tpu.vector_load %arg6[%parallel_loop3A_20] {strides = array<i32>} : memref<2000xi32, #tpu.memory_space<vmem>>, vector<16xi32>,
        %parallel_loop3A_22 = arith.index_cast %parallel_loop3A_19 : i32 to index
        %parallel_loop3A_23 = tpu.vector_load %arg7[%parallel_loop3A_22] {strides = array<i32>} : memref<2000xf32, #tpu.memory_space<vmem>>, vector<16xf32>,
        tpu.vector_store_idx %arg8[%parallel_loop3A_21], %parallel_loop3A_23 {add = true} : memref<10000xf32, #tpu.memory_space<vmem>>[vector<16xi32>], vector<16xf32>,
      } {sc.loop_unroll_factor = 8 : i64, sc.parallel_access}
      %scan3A_18 = arith.constant 0 : i32
      scf.yield %scan3A_18 : i32
    }
    %scan3A_8 = arith.constant 5 : i32
    %mul3A_9 = arith.constant 10000 : i32
    %mul3A_10 = arith.muli %add3A, %mul3A_9 : i32
    "tpu.region"() ({
      %run_scoped3A = tpu.sem_alloc : memref<!tpu.dma_semaphore, #tpu.memory_space<semaphore_mem>>
      %dma_start3A = tpu.memref_slice %arg5[%mul3A_10] : memref<320000xf32, #tpu.memory_space<hbm>> -> memref<10000xf32, #tpu.memory_space<hbm>>
      %dma_start3A_11 = tpu.memref_slice %arg5[%mul3A_10] : memref<320000xf32, #tpu.memory_space<hbm>> -> memref<10000xf32, #tpu.memory_space<hbm>>
      tpu.enqueue_dma source(%arg8 : memref<10000xf32, #tpu.memory_space<vmem>>) target(%dma_start3A_11 : memref<10000xf32, #tpu.memory_space<hbm>>) target_semaphore(%run_scoped3A : memref<!tpu.dma_semaphore, #tpu.memory_space<semaphore_mem>>)
      %dma_wait3A = tpu.memref_slice %arg5[%mul3A_10] : memref<320000xf32, #tpu.memory_space<hbm>> -> memref<10000xf32, #tpu.memory_space<hbm>>
      %dma_wait3A_12 = tpu.memref_slice %arg5[%mul3A_10] : memref<320000xf32, #tpu.memory_space<hbm>> -> memref<10000xf32, #tpu.memory_space<hbm>>
      tpu.wait_dma2 semaphore(%run_scoped3A : memref<!tpu.dma_semaphore, #tpu.memory_space<semaphore_mem>>) src(%arg8 : memref<10000xf32, #tpu.memory_space<vmem>>) dst(%dma_wait3A_12 : memref<10000xf32, #tpu.memory_space<hbm>>)
      tpu.yield
    }) : () -> ()
    return
  }
}

#map = affine_map<(d0, d1) -> (0)>
module attributes {stable_mosaic.version = 14 : i64} {
  func.func @agg_kernel(%arg0: i32, %arg1: i32, %arg2: memref<640000xi32, #tpu.memory_space<hbm>>, %arg3: memref<320000xi32, #tpu.memory_space<hbm>>, %arg4: memref<320000xf32, #tpu.memory_space<hbm>>, %arg5: memref<40000xf32, #tpu.memory_space<hbm>>, %arg6: memref<1280000xf32, #tpu.memory_space<hbm>>, %arg7: memref<20000xi32, #tpu.memory_space<vmem>>, %arg8: memref<40000xf32, #tpu.memory_space<vmem>>, %arg9: memref<8000xi32, #tpu.memory_space<vmem>>, %arg10: memref<8000xi32, #tpu.memory_space<vmem>>, %arg11: memref<8000xf32, #tpu.memory_space<vmem>>, %arg12: memref<8000xf32, #tpu.memory_space<vmem>>, %arg13: memref<!tpu.dma_semaphore, #tpu.memory_space<semaphore_mem>>, %arg14: memref<!tpu.dma_semaphore, #tpu.memory_space<semaphore_mem>>) attributes {dimension_semantics = [#tpu.dimension_semantics<core_parallel>, #tpu.dimension_semantics<subcore_parallel>], iteration_bounds = array<i64: 2, 16>, scalar_prefetch = 0 : i64, scratch_operands = 8 : i64, tpu.core_type = #tpu.core_type<sc_vector_subcore>, window_params = [{transform_indices = #map}, {transform_indices = #map}, {transform_indices = #map}, {transform_indices = #map}, {transform_indices = #map}]} {
    %mul3A = arith.constant 2 : i32
    %mul3A_0 = arith.muli %arg1, %mul3A : i32
    %add3A = arith.addi %mul3A_0, %arg0 : i32
    %mul3A_1 = arith.constant 20000 : i32
    %mul3A_2 = arith.muli %add3A, %mul3A_1 : i32
    "tpu.region"() ({
      %run_scoped3A = tpu.sem_alloc : memref<!tpu.dma_semaphore, #tpu.memory_space<semaphore_mem>>
      %dma_start3A_26 = tpu.memref_slice %arg2[%mul3A_2] : memref<640000xi32, #tpu.memory_space<hbm>> -> memref<20000xi32, #tpu.memory_space<hbm>>
      %dma_start3A_27 = tpu.memref_slice %arg2[%mul3A_2] : memref<640000xi32, #tpu.memory_space<hbm>> -> memref<20000xi32, #tpu.memory_space<hbm>>
      tpu.enqueue_dma source(%dma_start3A_27 : memref<20000xi32, #tpu.memory_space<hbm>>) target(%arg7 : memref<20000xi32, #tpu.memory_space<vmem>>) target_semaphore(%run_scoped3A : memref<!tpu.dma_semaphore, #tpu.memory_space<semaphore_mem>>)
      %dma_wait3A = tpu.memref_slice %arg2[%mul3A_2] : memref<640000xi32, #tpu.memory_space<hbm>> -> memref<20000xi32, #tpu.memory_space<hbm>>
      %dma_wait3A_28 = tpu.memref_slice %arg2[%mul3A_2] : memref<640000xi32, #tpu.memory_space<hbm>> -> memref<20000xi32, #tpu.memory_space<hbm>>
      tpu.wait_dma2 semaphore(%run_scoped3A : memref<!tpu.dma_semaphore, #tpu.memory_space<semaphore_mem>>) src(%dma_wait3A_28 : memref<20000xi32, #tpu.memory_space<hbm>>) dst(%arg7 : memref<20000xi32, #tpu.memory_space<vmem>>)
      tpu.yield
    }) : () -> ()
    "tpu.region"() ({
      %run_scoped3A = tpu.sem_alloc : memref<!tpu.dma_semaphore, #tpu.memory_space<semaphore_mem>>
      tpu.enqueue_dma source(%arg5 : memref<40000xf32, #tpu.memory_space<hbm>>) target(%arg8 : memref<40000xf32, #tpu.memory_space<vmem>>) target_semaphore(%run_scoped3A : memref<!tpu.dma_semaphore, #tpu.memory_space<semaphore_mem>>)
      tpu.wait_dma2 semaphore(%run_scoped3A : memref<!tpu.dma_semaphore, #tpu.memory_space<semaphore_mem>>) src(%arg5 : memref<40000xf32, #tpu.memory_space<hbm>>) dst(%arg8 : memref<40000xf32, #tpu.memory_space<vmem>>)
      tpu.yield
    }) : () -> ()
    %dma_start3A = arith.constant 0 : i32
    %dma_start3A_3 = tpu.memref_slice %arg3[%dma_start3A] : memref<320000xi32, #tpu.memory_space<hbm>> -> memref<8000xi32, #tpu.memory_space<hbm>>
    %dma_start3A_4 = arith.constant 0 : i32
    %dma_start3A_5 = tpu.memref_slice %arg3[%dma_start3A_4] : memref<320000xi32, #tpu.memory_space<hbm>> -> memref<8000xi32, #tpu.memory_space<hbm>>
    tpu.enqueue_dma source(%dma_start3A_5 : memref<8000xi32, #tpu.memory_space<hbm>>) target(%arg9 : memref<8000xi32, #tpu.memory_space<vmem>>) target_semaphore(%arg13 : memref<!tpu.dma_semaphore, #tpu.memory_space<semaphore_mem>>)
    %dma_start3A_6 = arith.constant 0 : i32
    %dma_start3A_7 = tpu.memref_slice %arg4[%dma_start3A_6] : memref<320000xf32, #tpu.memory_space<hbm>> -> memref<8000xf32, #tpu.memory_space<hbm>>
    %dma_start3A_8 = arith.constant 0 : i32
    %dma_start3A_9 = tpu.memref_slice %arg4[%dma_start3A_8] : memref<320000xf32, #tpu.memory_space<hbm>> -> memref<8000xf32, #tpu.memory_space<hbm>>
    tpu.enqueue_dma source(%dma_start3A_9 : memref<8000xf32, #tpu.memory_space<hbm>>) target(%arg11 : memref<8000xf32, #tpu.memory_space<vmem>>) target_semaphore(%arg13 : memref<!tpu.dma_semaphore, #tpu.memory_space<semaphore_mem>>)
    %scan3A = arith.constant 0 : i32
    %scan3A_10 = arith.constant 0 : i32
    %scan3A_11 = arith.constant 20 : i32
    %scan3A_12 = arith.addi %scan3A_10, %scan3A_11 : i32
    %scan3A_13 = arith.constant 1 : i32
    %scan3A_14 = scf.for %scan3A_26 = %scan3A_10 to %scan3A_12 step %scan3A_13 iter_args(%scan3A_27 = %scan3A) -> (i32)  : i32 {
      %mul3A_28 = arith.constant 2 : i32
      %mul3A_29 = arith.muli %scan3A_26, %mul3A_28 : i32
      %add3A_30 = arith.constant 1 : i32
      %add3A_31 = arith.addi %mul3A_29, %add3A_30 : i32
      %mul3A_32 = arith.constant 8000 : i32
      %mul3A_33 = arith.muli %add3A_31, %mul3A_32 : i32
      %dma_start3A_34 = tpu.memref_slice %arg3[%mul3A_33] : memref<320000xi32, #tpu.memory_space<hbm>> -> memref<8000xi32, #tpu.memory_space<hbm>>
      %dma_start3A_35 = tpu.memref_slice %arg3[%mul3A_33] : memref<320000xi32, #tpu.memory_space<hbm>> -> memref<8000xi32, #tpu.memory_space<hbm>>
      tpu.enqueue_dma source(%dma_start3A_35 : memref<8000xi32, #tpu.memory_space<hbm>>) target(%arg10 : memref<8000xi32, #tpu.memory_space<vmem>>) target_semaphore(%arg14 : memref<!tpu.dma_semaphore, #tpu.memory_space<semaphore_mem>>)
      %dma_start3A_36 = tpu.memref_slice %arg4[%mul3A_33] : memref<320000xf32, #tpu.memory_space<hbm>> -> memref<8000xf32, #tpu.memory_space<hbm>>
      %dma_start3A_37 = tpu.memref_slice %arg4[%mul3A_33] : memref<320000xf32, #tpu.memory_space<hbm>> -> memref<8000xf32, #tpu.memory_space<hbm>>
      tpu.enqueue_dma source(%dma_start3A_37 : memref<8000xf32, #tpu.memory_space<hbm>>) target(%arg12 : memref<8000xf32, #tpu.memory_space<vmem>>) target_semaphore(%arg14 : memref<!tpu.dma_semaphore, #tpu.memory_space<semaphore_mem>>)
      %mul3A_38 = arith.constant 8000 : i32
      %mul3A_39 = arith.muli %mul3A_29, %mul3A_38 : i32
      %dma_wait3A = tpu.memref_slice %arg3[%mul3A_39] : memref<320000xi32, #tpu.memory_space<hbm>> -> memref<8000xi32, #tpu.memory_space<hbm>>
      %dma_wait3A_40 = tpu.memref_slice %arg3[%mul3A_39] : memref<320000xi32, #tpu.memory_space<hbm>> -> memref<8000xi32, #tpu.memory_space<hbm>>
      tpu.wait_dma2 semaphore(%arg13 : memref<!tpu.dma_semaphore, #tpu.memory_space<semaphore_mem>>) src(%dma_wait3A_40 : memref<8000xi32, #tpu.memory_space<hbm>>) dst(%arg9 : memref<8000xi32, #tpu.memory_space<vmem>>)
      %dma_wait3A_41 = tpu.memref_slice %arg4[%mul3A_39] : memref<320000xf32, #tpu.memory_space<hbm>> -> memref<8000xf32, #tpu.memory_space<hbm>>
      %dma_wait3A_42 = tpu.memref_slice %arg4[%mul3A_39] : memref<320000xf32, #tpu.memory_space<hbm>> -> memref<8000xf32, #tpu.memory_space<hbm>>
      tpu.wait_dma2 semaphore(%arg13 : memref<!tpu.dma_semaphore, #tpu.memory_space<semaphore_mem>>) src(%dma_wait3A_42 : memref<8000xf32, #tpu.memory_space<hbm>>) dst(%arg11 : memref<8000xf32, #tpu.memory_space<vmem>>)
      %parallel_loop3A = arith.constant 0 : i32
      %parallel_loop3A_43 = arith.constant 8000 : i32
      %parallel_loop3A_44 = arith.constant 16 : i32
      scf.for %parallel_loop3A_61 = %parallel_loop3A to %parallel_loop3A_43 step %parallel_loop3A_44  : i32 {
        %parallel_loop3A_62 = arith.index_cast %parallel_loop3A_61 : i32 to index
        %parallel_loop3A_63 = tpu.vector_load %arg9[%parallel_loop3A_62] {strides = array<i32>} : memref<8000xi32, #tpu.memory_space<vmem>>, vector<16xi32>,
        %parallel_loop3A_64 = arith.index_cast %parallel_loop3A_61 : i32 to index
        %parallel_loop3A_65 = tpu.vector_load %arg11[%parallel_loop3A_64] {strides = array<i32>} : memref<8000xf32, #tpu.memory_space<vmem>>, vector<16xf32>,
        %parallel_loop3A_66 = arith.constant 65535 : i32
        %parallel_loop3A_67 = vector.broadcast %parallel_loop3A_66 : i32 to vector<16xi32>
        %parallel_loop3A_68 = arith.andi %parallel_loop3A_63, %parallel_loop3A_67 : vector<16xi32>
        %parallel_loop3A_69 = arith.constant 16 : i32
        %parallel_loop3A_70 = vector.broadcast %parallel_loop3A_69 : i32 to vector<16xi32>
        %parallel_loop3A_71 = arith.shrui %parallel_loop3A_63, %parallel_loop3A_70 : vector<16xi32>
        %parallel_loop3A_72 = tpu.vector_load_idx %arg7[%parallel_loop3A_68] : memref<20000xi32, #tpu.memory_space<vmem>>[vector<16xi32>], vector<16xi32>,
        %parallel_loop3A_73 = arith.constant 16 : i32
        %parallel_loop3A_74 = vector.broadcast %parallel_loop3A_73 : i32 to vector<16xi32>
        %parallel_loop3A_75 = arith.shli %parallel_loop3A_72, %parallel_loop3A_74 : vector<16xi32>
        %parallel_loop3A_76 = vector.bitcast %parallel_loop3A_75 : vector<16xi32> to vector<16xf32>
        %parallel_loop3A_77 = arith.constant -65536 : i32
        %parallel_loop3A_78 = vector.broadcast %parallel_loop3A_77 : i32 to vector<16xi32>
        %parallel_loop3A_79 = arith.andi %parallel_loop3A_72, %parallel_loop3A_78 : vector<16xi32>
        %parallel_loop3A_80 = vector.bitcast %parallel_loop3A_79 : vector<16xi32> to vector<16xf32>
        %parallel_loop3A_81 = arith.mulf %parallel_loop3A_65, %parallel_loop3A_76 : vector<16xf32>
        tpu.vector_store_idx %arg8[%parallel_loop3A_71], %parallel_loop3A_81 {add = true} : memref<40000xf32, #tpu.memory_space<vmem>>[vector<16xi32>], vector<16xf32>,
        %parallel_loop3A_82 = arith.constant 20000 : i32
        %parallel_loop3A_83 = vector.broadcast %parallel_loop3A_82 : i32 to vector<16xi32>
        %parallel_loop3A_84 = arith.addi %parallel_loop3A_71, %parallel_loop3A_83 : vector<16xi32>
        %parallel_loop3A_85 = arith.mulf %parallel_loop3A_65, %parallel_loop3A_80 : vector<16xf32>
        tpu.vector_store_idx %arg8[%parallel_loop3A_84], %parallel_loop3A_85 {add = true} : memref<40000xf32, #tpu.memory_space<vmem>>[vector<16xi32>], vector<16xf32>,
        %parallel_loop3A_86 = arith.constant 10000 : i32
        %parallel_loop3A_87 = vector.broadcast %parallel_loop3A_86 : i32 to vector<16xi32>
        %parallel_loop3A_88 = arith.addi %parallel_loop3A_68, %parallel_loop3A_87 : vector<16xi32>
        %parallel_loop3A_89 = tpu.vector_load_idx %arg7[%parallel_loop3A_88] : memref<20000xi32, #tpu.memory_space<vmem>>[vector<16xi32>], vector<16xi32>,
        %parallel_loop3A_90 = arith.constant 16 : i32
        %parallel_loop3A_91 = vector.broadcast %parallel_loop3A_90 : i32 to vector<16xi32>
        %parallel_loop3A_92 = arith.shli %parallel_loop3A_89, %parallel_loop3A_91 : vector<16xi32>
        %parallel_loop3A_93 = vector.bitcast %parallel_loop3A_92 : vector<16xi32> to vector<16xf32>
        %parallel_loop3A_94 = arith.constant -65536 : i32
        %parallel_loop3A_95 = vector.broadcast %parallel_loop3A_94 : i32 to vector<16xi32>
        %parallel_loop3A_96 = arith.andi %parallel_loop3A_89, %parallel_loop3A_95 : vector<16xi32>
        %parallel_loop3A_97 = vector.bitcast %parallel_loop3A_96 : vector<16xi32> to vector<16xf32>
        %parallel_loop3A_98 = arith.constant 10000 : i32
        %parallel_loop3A_99 = vector.broadcast %parallel_loop3A_98 : i32 to vector<16xi32>
        %parallel_loop3A_100 = arith.addi %parallel_loop3A_71, %parallel_loop3A_99 : vector<16xi32>
        %parallel_loop3A_101 = arith.mulf %parallel_loop3A_65, %parallel_loop3A_93 : vector<16xf32>
        tpu.vector_store_idx %arg8[%parallel_loop3A_100], %parallel_loop3A_101 {add = true} : memref<40000xf32, #tpu.memory_space<vmem>>[vector<16xi32>], vector<16xf32>,
        %parallel_loop3A_102 = arith.constant 30000 : i32
        %parallel_loop3A_103 = vector.broadcast %parallel_loop3A_102 : i32 to vector<16xi32>
        %parallel_loop3A_104 = arith.addi %parallel_loop3A_71, %parallel_loop3A_103 : vector<16xi32>
        %parallel_loop3A_105 = arith.mulf %parallel_loop3A_65, %parallel_loop3A_97 : vector<16xf32>
        tpu.vector_store_idx %arg8[%parallel_loop3A_104], %parallel_loop3A_105 {add = true} : memref<40000xf32, #tpu.memory_space<vmem>>[vector<16xi32>], vector<16xf32>,
      } {sc.loop_unroll_factor = 8 : i64, sc.parallel_access}
      %add3A_45 = arith.constant 1 : i32
      %add3A_46 = arith.addi %scan3A_26, %add3A_45 : i32
      %lt3A = arith.constant 20 : i32
      %lt3A_47 = arith.cmpi slt, %add3A_46, %lt3A : i32
      %convert_element_type3A = arith.extui %lt3A_47 : i1 to i32
      %cond3A = arith.constant 0 : i32
      %cond3A_48 = arith.cmpi ne, %convert_element_type3A, %cond3A : i32
      scf.if %cond3A_48 {
        %add3A_61 = arith.constant 2 : i32
        %add3A_62 = arith.addi %mul3A_29, %add3A_61 : i32
        %mul3A_63 = arith.constant 8000 : i32
        %mul3A_64 = arith.muli %add3A_62, %mul3A_63 : i32
        %dma_start3A_65 = tpu.memref_slice %arg3[%mul3A_64] : memref<320000xi32, #tpu.memory_space<hbm>> -> memref<8000xi32, #tpu.memory_space<hbm>>
        %dma_start3A_66 = tpu.memref_slice %arg3[%mul3A_64] : memref<320000xi32, #tpu.memory_space<hbm>> -> memref<8000xi32, #tpu.memory_space<hbm>>
        tpu.enqueue_dma source(%dma_start3A_66 : memref<8000xi32, #tpu.memory_space<hbm>>) target(%arg9 : memref<8000xi32, #tpu.memory_space<vmem>>) target_semaphore(%arg13 : memref<!tpu.dma_semaphore, #tpu.memory_space<semaphore_mem>>)
        %dma_start3A_67 = tpu.memref_slice %arg4[%mul3A_64] : memref<320000xf32, #tpu.memory_space<hbm>> -> memref<8000xf32, #tpu.memory_space<hbm>>
        %dma_start3A_68 = tpu.memref_slice %arg4[%mul3A_64] : memref<320000xf32, #tpu.memory_space<hbm>> -> memref<8000xf32, #tpu.memory_space<hbm>>
        tpu.enqueue_dma source(%dma_start3A_68 : memref<8000xf32, #tpu.memory_space<hbm>>) target(%arg11 : memref<8000xf32, #tpu.memory_space<vmem>>) target_semaphore(%arg13 : memref<!tpu.dma_semaphore, #tpu.memory_space<semaphore_mem>>)
      } else {
      }
      %add3A_49 = arith.constant 1 : i32
      %add3A_50 = arith.addi %mul3A_29, %add3A_49 : i32
      %mul3A_51 = arith.constant 8000 : i32
      %mul3A_52 = arith.muli %add3A_50, %mul3A_51 : i32
      %dma_wait3A_53 = tpu.memref_slice %arg3[%mul3A_52] : memref<320000xi32, #tpu.memory_space<hbm>> -> memref<8000xi32, #tpu.memory_space<hbm>>
      %dma_wait3A_54 = tpu.memref_slice %arg3[%mul3A_52] : memref<320000xi32, #tpu.memory_space<hbm>> -> memref<8000xi32, #tpu.memory_space<hbm>>
      tpu.wait_dma2 semaphore(%arg14 : memref<!tpu.dma_semaphore, #tpu.memory_space<semaphore_mem>>) src(%dma_wait3A_54 : memref<8000xi32, #tpu.memory_space<hbm>>) dst(%arg10 : memref<8000xi32, #tpu.memory_space<vmem>>)
      %dma_wait3A_55 = tpu.memref_slice %arg4[%mul3A_52] : memref<320000xf32, #tpu.memory_space<hbm>> -> memref<8000xf32, #tpu.memory_space<hbm>>
      %dma_wait3A_56 = tpu.memref_slice %arg4[%mul3A_52] : memref<320000xf32, #tpu.memory_space<hbm>> -> memref<8000xf32, #tpu.memory_space<hbm>>
      tpu.wait_dma2 semaphore(%arg14 : memref<!tpu.dma_semaphore, #tpu.memory_space<semaphore_mem>>) src(%dma_wait3A_56 : memref<8000xf32, #tpu.memory_space<hbm>>) dst(%arg12 : memref<8000xf32, #tpu.memory_space<vmem>>)
      %parallel_loop3A_57 = arith.constant 0 : i32
      %parallel_loop3A_58 = arith.constant 8000 : i32
      %parallel_loop3A_59 = arith.constant 16 : i32
      scf.for %parallel_loop3A_61 = %parallel_loop3A_57 to %parallel_loop3A_58 step %parallel_loop3A_59  : i32 {
        %parallel_loop3A_62 = arith.index_cast %parallel_loop3A_61 : i32 to index
        %parallel_loop3A_63 = tpu.vector_load %arg10[%parallel_loop3A_62] {strides = array<i32>} : memref<8000xi32, #tpu.memory_space<vmem>>, vector<16xi32>,
        %parallel_loop3A_64 = arith.index_cast %parallel_loop3A_61 : i32 to index
        %parallel_loop3A_65 = tpu.vector_load %arg12[%parallel_loop3A_64] {strides = array<i32>} : memref<8000xf32, #tpu.memory_space<vmem>>, vector<16xf32>,
        %parallel_loop3A_66 = arith.constant 65535 : i32
        %parallel_loop3A_67 = vector.broadcast %parallel_loop3A_66 : i32 to vector<16xi32>
        %parallel_loop3A_68 = arith.andi %parallel_loop3A_63, %parallel_loop3A_67 : vector<16xi32>
        %parallel_loop3A_69 = arith.constant 16 : i32
        %parallel_loop3A_70 = vector.broadcast %parallel_loop3A_69 : i32 to vector<16xi32>
        %parallel_loop3A_71 = arith.shrui %parallel_loop3A_63, %parallel_loop3A_70 : vector<16xi32>
        %parallel_loop3A_72 = tpu.vector_load_idx %arg7[%parallel_loop3A_68] : memref<20000xi32, #tpu.memory_space<vmem>>[vector<16xi32>], vector<16xi32>,
        %parallel_loop3A_73 = arith.constant 16 : i32
        %parallel_loop3A_74 = vector.broadcast %parallel_loop3A_73 : i32 to vector<16xi32>
        %parallel_loop3A_75 = arith.shli %parallel_loop3A_72, %parallel_loop3A_74 : vector<16xi32>
        %parallel_loop3A_76 = vector.bitcast %parallel_loop3A_75 : vector<16xi32> to vector<16xf32>
        %parallel_loop3A_77 = arith.constant -65536 : i32
        %parallel_loop3A_78 = vector.broadcast %parallel_loop3A_77 : i32 to vector<16xi32>
        %parallel_loop3A_79 = arith.andi %parallel_loop3A_72, %parallel_loop3A_78 : vector<16xi32>
        %parallel_loop3A_80 = vector.bitcast %parallel_loop3A_79 : vector<16xi32> to vector<16xf32>
        %parallel_loop3A_81 = arith.mulf %parallel_loop3A_65, %parallel_loop3A_76 : vector<16xf32>
        tpu.vector_store_idx %arg8[%parallel_loop3A_71], %parallel_loop3A_81 {add = true} : memref<40000xf32, #tpu.memory_space<vmem>>[vector<16xi32>], vector<16xf32>,
        %parallel_loop3A_82 = arith.constant 20000 : i32
        %parallel_loop3A_83 = vector.broadcast %parallel_loop3A_82 : i32 to vector<16xi32>
        %parallel_loop3A_84 = arith.addi %parallel_loop3A_71, %parallel_loop3A_83 : vector<16xi32>
        %parallel_loop3A_85 = arith.mulf %parallel_loop3A_65, %parallel_loop3A_80 : vector<16xf32>
        tpu.vector_store_idx %arg8[%parallel_loop3A_84], %parallel_loop3A_85 {add = true} : memref<40000xf32, #tpu.memory_space<vmem>>[vector<16xi32>], vector<16xf32>,
        %parallel_loop3A_86 = arith.constant 10000 : i32
        %parallel_loop3A_87 = vector.broadcast %parallel_loop3A_86 : i32 to vector<16xi32>
        %parallel_loop3A_88 = arith.addi %parallel_loop3A_68, %parallel_loop3A_87 : vector<16xi32>
        %parallel_loop3A_89 = tpu.vector_load_idx %arg7[%parallel_loop3A_88] : memref<20000xi32, #tpu.memory_space<vmem>>[vector<16xi32>], vector<16xi32>,
        %parallel_loop3A_90 = arith.constant 16 : i32
        %parallel_loop3A_91 = vector.broadcast %parallel_loop3A_90 : i32 to vector<16xi32>
        %parallel_loop3A_92 = arith.shli %parallel_loop3A_89, %parallel_loop3A_91 : vector<16xi32>
        %parallel_loop3A_93 = vector.bitcast %parallel_loop3A_92 : vector<16xi32> to vector<16xf32>
        %parallel_loop3A_94 = arith.constant -65536 : i32
        %parallel_loop3A_95 = vector.broadcast %parallel_loop3A_94 : i32 to vector<16xi32>
        %parallel_loop3A_96 = arith.andi %parallel_loop3A_89, %parallel_loop3A_95 : vector<16xi32>
        %parallel_loop3A_97 = vector.bitcast %parallel_loop3A_96 : vector<16xi32> to vector<16xf32>
        %parallel_loop3A_98 = arith.constant 10000 : i32
        %parallel_loop3A_99 = vector.broadcast %parallel_loop3A_98 : i32 to vector<16xi32>
        %parallel_loop3A_100 = arith.addi %parallel_loop3A_71, %parallel_loop3A_99 : vector<16xi32>
        %parallel_loop3A_101 = arith.mulf %parallel_loop3A_65, %parallel_loop3A_93 : vector<16xf32>
        tpu.vector_store_idx %arg8[%parallel_loop3A_100], %parallel_loop3A_101 {add = true} : memref<40000xf32, #tpu.memory_space<vmem>>[vector<16xi32>], vector<16xf32>,
        %parallel_loop3A_102 = arith.constant 30000 : i32
        %parallel_loop3A_103 = vector.broadcast %parallel_loop3A_102 : i32 to vector<16xi32>
        %parallel_loop3A_104 = arith.addi %parallel_loop3A_71, %parallel_loop3A_103 : vector<16xi32>
        %parallel_loop3A_105 = arith.mulf %parallel_loop3A_65, %parallel_loop3A_97 : vector<16xf32>
        tpu.vector_store_idx %arg8[%parallel_loop3A_104], %parallel_loop3A_105 {add = true} : memref<40000xf32, #tpu.memory_space<vmem>>[vector<16xi32>], vector<16xf32>,
      } {sc.loop_unroll_factor = 8 : i64, sc.parallel_access}
      %scan3A_60 = arith.constant 0 : i32
      scf.yield %scan3A_60 : i32
    }
    %scan3A_15 = arith.constant 20 : i32
    %mul3A_16 = arith.constant 2 : i32
    %mul3A_17 = arith.muli %mul3A_16, %add3A : i32
    %mul3A_18 = arith.constant 10000 : i32
    %mul3A_19 = arith.muli %mul3A_17, %mul3A_18 : i32
    "tpu.region"() ({
      %run_scoped3A = tpu.sem_alloc : memref<!tpu.dma_semaphore, #tpu.memory_space<semaphore_mem>>
      %dma_start3A_26 = arith.constant 0 : i32
      %dma_start3A_27 = tpu.memref_slice %arg8[%dma_start3A_26] : memref<40000xf32, #tpu.memory_space<vmem>> -> memref<20000xf32, #tpu.memory_space<vmem>>
      %dma_start3A_28 = tpu.memref_slice %arg6[%mul3A_19] : memref<1280000xf32, #tpu.memory_space<hbm>> -> memref<20000xf32, #tpu.memory_space<hbm>>
      %dma_start3A_29 = tpu.memref_slice %arg6[%mul3A_19] : memref<1280000xf32, #tpu.memory_space<hbm>> -> memref<20000xf32, #tpu.memory_space<hbm>>
      %dma_start3A_30 = arith.constant 0 : i32
      %dma_start3A_31 = tpu.memref_slice %arg8[%dma_start3A_30] : memref<40000xf32, #tpu.memory_space<vmem>> -> memref<20000xf32, #tpu.memory_space<vmem>>
      tpu.enqueue_dma source(%dma_start3A_31 : memref<20000xf32, #tpu.memory_space<vmem>>) target(%dma_start3A_29 : memref<20000xf32, #tpu.memory_space<hbm>>) target_semaphore(%run_scoped3A : memref<!tpu.dma_semaphore, #tpu.memory_space<semaphore_mem>>)
      %dma_wait3A = arith.constant 0 : i32
      %dma_wait3A_32 = tpu.memref_slice %arg8[%dma_wait3A] : memref<40000xf32, #tpu.memory_space<vmem>> -> memref<20000xf32, #tpu.memory_space<vmem>>
      %dma_wait3A_33 = tpu.memref_slice %arg6[%mul3A_19] : memref<1280000xf32, #tpu.memory_space<hbm>> -> memref<20000xf32, #tpu.memory_space<hbm>>
      %dma_wait3A_34 = tpu.memref_slice %arg6[%mul3A_19] : memref<1280000xf32, #tpu.memory_space<hbm>> -> memref<20000xf32, #tpu.memory_space<hbm>>
      %dma_wait3A_35 = arith.constant 0 : i32
      %dma_wait3A_36 = tpu.memref_slice %arg8[%dma_wait3A_35] : memref<40000xf32, #tpu.memory_space<vmem>> -> memref<20000xf32, #tpu.memory_space<vmem>>
      tpu.wait_dma2 semaphore(%run_scoped3A : memref<!tpu.dma_semaphore, #tpu.memory_space<semaphore_mem>>) src(%dma_wait3A_36 : memref<20000xf32, #tpu.memory_space<vmem>>) dst(%dma_wait3A_34 : memref<20000xf32, #tpu.memory_space<hbm>>)
      tpu.yield
    }) : () -> ()
    %mul3A_20 = arith.constant 2 : i32
    %mul3A_21 = arith.muli %mul3A_20, %add3A : i32
    %add3A_22 = arith.constant 64 : i32
    %add3A_23 = arith.addi %add3A_22, %mul3A_21 : i32
    %mul3A_24 = arith.constant 10000 : i32
    %mul3A_25 = arith.muli %add3A_23, %mul3A_24 : i32
    "tpu.region"() ({
      %run_scoped3A = tpu.sem_alloc : memref<!tpu.dma_semaphore, #tpu.memory_space<semaphore_mem>>
      %dma_start3A_26 = arith.constant 20000 : i32
      %dma_start3A_27 = tpu.memref_slice %arg8[%dma_start3A_26] : memref<40000xf32, #tpu.memory_space<vmem>> -> memref<20000xf32, #tpu.memory_space<vmem>>
      %dma_start3A_28 = tpu.memref_slice %arg6[%mul3A_25] : memref<1280000xf32, #tpu.memory_space<hbm>> -> memref<20000xf32, #tpu.memory_space<hbm>>
      %dma_start3A_29 = tpu.memref_slice %arg6[%mul3A_25] : memref<1280000xf32, #tpu.memory_space<hbm>> -> memref<20000xf32, #tpu.memory_space<hbm>>
      %dma_start3A_30 = arith.constant 20000 : i32
      %dma_start3A_31 = tpu.memref_slice %arg8[%dma_start3A_30] : memref<40000xf32, #tpu.memory_space<vmem>> -> memref<20000xf32, #tpu.memory_space<vmem>>
      tpu.enqueue_dma source(%dma_start3A_31 : memref<20000xf32, #tpu.memory_space<vmem>>) target(%dma_start3A_29 : memref<20000xf32, #tpu.memory_space<hbm>>) target_semaphore(%run_scoped3A : memref<!tpu.dma_semaphore, #tpu.memory_space<semaphore_mem>>)
      %dma_wait3A = arith.constant 20000 : i32
      %dma_wait3A_32 = tpu.memref_slice %arg8[%dma_wait3A] : memref<40000xf32, #tpu.memory_space<vmem>> -> memref<20000xf32, #tpu.memory_space<vmem>>
      %dma_wait3A_33 = tpu.memref_slice %arg6[%mul3A_25] : memref<1280000xf32, #tpu.memory_space<hbm>> -> memref<20000xf32, #tpu.memory_space<hbm>>
      %dma_wait3A_34 = tpu.memref_slice %arg6[%mul3A_25] : memref<1280000xf32, #tpu.memory_space<hbm>> -> memref<20000xf32, #tpu.memory_space<hbm>>
      %dma_wait3A_35 = arith.constant 20000 : i32
      %dma_wait3A_36 = tpu.memref_slice %arg8[%dma_wait3A_35] : memref<40000xf32, #tpu.memory_space<vmem>> -> memref<20000xf32, #tpu.memory_space<vmem>>
      tpu.wait_dma2 semaphore(%run_scoped3A : memref<!tpu.dma_semaphore, #tpu.memory_space<semaphore_mem>>) src(%dma_wait3A_36 : memref<20000xf32, #tpu.memory_space<vmem>>) dst(%dma_wait3A_34 : memref<20000xf32, #tpu.memory_space<hbm>>)
      tpu.yield
    }) : () -> ()
    return
  }
}

#map = affine_map<(d0, d1) -> (0)>
module attributes {stable_mosaic.version = 14 : i64} {
  func.func @agg2_kernel(%arg0: i32, %arg1: i32, %arg2: memref<20000xf32, #tpu.memory_space<hbm>>, %arg3: memref<320000xi32, #tpu.memory_space<hbm>>, %arg4: memref<320000xf32, #tpu.memory_space<hbm>>, %arg5: memref<40000xf32, #tpu.memory_space<hbm>>, %arg6: memref<320000xf32, #tpu.memory_space<hbm>>, %arg7: memref<10000xf32, #tpu.memory_space<vmem>>, %arg8: memref<10000xf32, #tpu.memory_space<vmem>>, %arg9: memref<4000xi32, #tpu.memory_space<vmem>>, %arg10: memref<4000xf32, #tpu.memory_space<vmem>>) attributes {dimension_semantics = [#tpu.dimension_semantics<core_parallel>, #tpu.dimension_semantics<subcore_parallel>], iteration_bounds = array<i64: 2, 16>, scalar_prefetch = 0 : i64, scratch_operands = 4 : i64, tpu.core_type = #tpu.core_type<sc_vector_subcore>, window_params = [{transform_indices = #map}, {transform_indices = #map}, {transform_indices = #map}, {transform_indices = #map}, {transform_indices = #map}]} {
    %mul3A = arith.constant 2 : i32
    %mul3A_0 = arith.muli %arg1, %mul3A : i32
    %add3A = arith.addi %mul3A_0, %arg0 : i32
    %rem3A = arith.constant 2 : i32
    %rem3A_1 = arith.remsi %add3A, %rem3A : i32
    %div3A = arith.constant 2 : i32
    %div3A_2 = arith.divsi %add3A, %div3A : i32
    %mul3A_3 = arith.constant 20000 : i32
    %mul3A_4 = arith.muli %div3A_2, %mul3A_3 : i32
    %mul3A_5 = arith.constant 10000 : i32
    %mul3A_6 = arith.muli %rem3A_1, %mul3A_5 : i32
    "tpu.region"() ({
      %run_scoped3A = tpu.sem_alloc : memref<!tpu.dma_semaphore, #tpu.memory_space<semaphore_mem>>
      %dma_start3A = tpu.memref_slice %arg2[%mul3A_6] : memref<20000xf32, #tpu.memory_space<hbm>> -> memref<10000xf32, #tpu.memory_space<hbm>>
      %dma_start3A_15 = tpu.memref_slice %arg2[%mul3A_6] : memref<20000xf32, #tpu.memory_space<hbm>> -> memref<10000xf32, #tpu.memory_space<hbm>>
      tpu.enqueue_dma source(%dma_start3A_15 : memref<10000xf32, #tpu.memory_space<hbm>>) target(%arg7 : memref<10000xf32, #tpu.memory_space<vmem>>) target_semaphore(%run_scoped3A : memref<!tpu.dma_semaphore, #tpu.memory_space<semaphore_mem>>)
      %dma_wait3A = tpu.memref_slice %arg2[%mul3A_6] : memref<20000xf32, #tpu.memory_space<hbm>> -> memref<10000xf32, #tpu.memory_space<hbm>>
      %dma_wait3A_16 = tpu.memref_slice %arg2[%mul3A_6] : memref<20000xf32, #tpu.memory_space<hbm>> -> memref<10000xf32, #tpu.memory_space<hbm>>
      tpu.wait_dma2 semaphore(%run_scoped3A : memref<!tpu.dma_semaphore, #tpu.memory_space<semaphore_mem>>) src(%dma_wait3A_16 : memref<10000xf32, #tpu.memory_space<hbm>>) dst(%arg7 : memref<10000xf32, #tpu.memory_space<vmem>>)
      tpu.yield
    }) : () -> ()
    "tpu.region"() ({
      %run_scoped3A = tpu.sem_alloc : memref<!tpu.dma_semaphore, #tpu.memory_space<semaphore_mem>>
      %dma_start3A = arith.constant 0 : i32
      %dma_start3A_15 = tpu.memref_slice %arg5[%dma_start3A] : memref<40000xf32, #tpu.memory_space<hbm>> -> memref<10000xf32, #tpu.memory_space<hbm>>
      %dma_start3A_16 = arith.constant 0 : i32
      %dma_start3A_17 = tpu.memref_slice %arg5[%dma_start3A_16] : memref<40000xf32, #tpu.memory_space<hbm>> -> memref<10000xf32, #tpu.memory_space<hbm>>
      tpu.enqueue_dma source(%dma_start3A_17 : memref<10000xf32, #tpu.memory_space<hbm>>) target(%arg8 : memref<10000xf32, #tpu.memory_space<vmem>>) target_semaphore(%run_scoped3A : memref<!tpu.dma_semaphore, #tpu.memory_space<semaphore_mem>>)
      %dma_wait3A = arith.constant 0 : i32
      %dma_wait3A_18 = tpu.memref_slice %arg5[%dma_wait3A] : memref<40000xf32, #tpu.memory_space<hbm>> -> memref<10000xf32, #tpu.memory_space<hbm>>
      %dma_wait3A_19 = arith.constant 0 : i32
      %dma_wait3A_20 = tpu.memref_slice %arg5[%dma_wait3A_19] : memref<40000xf32, #tpu.memory_space<hbm>> -> memref<10000xf32, #tpu.memory_space<hbm>>
      tpu.wait_dma2 semaphore(%run_scoped3A : memref<!tpu.dma_semaphore, #tpu.memory_space<semaphore_mem>>) src(%dma_wait3A_20 : memref<10000xf32, #tpu.memory_space<hbm>>) dst(%arg8 : memref<10000xf32, #tpu.memory_space<vmem>>)
      tpu.yield
    }) : () -> ()
    %scan3A = arith.constant 0 : i32
    %scan3A_7 = arith.constant 0 : i32
    %scan3A_8 = arith.constant 5 : i32
    %scan3A_9 = arith.addi %scan3A_7, %scan3A_8 : i32
    %scan3A_10 = arith.constant 1 : i32
    %scan3A_11 = scf.for %scan3A_15 = %scan3A_7 to %scan3A_9 step %scan3A_10 iter_args(%scan3A_16 = %scan3A) -> (i32)  : i32 {
      %mul3A_17 = arith.constant 4000 : i32
      %mul3A_18 = arith.muli %scan3A_15, %mul3A_17 : i32
      %add3A_19 = arith.addi %mul3A_4, %mul3A_18 : i32
      "tpu.region"() ({
        %run_scoped3A = tpu.sem_alloc : memref<!tpu.dma_semaphore, #tpu.memory_space<semaphore_mem>>
        %dma_start3A = tpu.memref_slice %arg3[%add3A_19] : memref<320000xi32, #tpu.memory_space<hbm>> -> memref<4000xi32, #tpu.memory_space<hbm>>
        %dma_start3A_23 = tpu.memref_slice %arg3[%add3A_19] : memref<320000xi32, #tpu.memory_space<hbm>> -> memref<4000xi32, #tpu.memory_space<hbm>>
        tpu.enqueue_dma source(%dma_start3A_23 : memref<4000xi32, #tpu.memory_space<hbm>>) target(%arg9 : memref<4000xi32, #tpu.memory_space<vmem>>) target_semaphore(%run_scoped3A : memref<!tpu.dma_semaphore, #tpu.memory_space<semaphore_mem>>)
        %dma_wait3A = tpu.memref_slice %arg3[%add3A_19] : memref<320000xi32, #tpu.memory_space<hbm>> -> memref<4000xi32, #tpu.memory_space<hbm>>
        %dma_wait3A_24 = tpu.memref_slice %arg3[%add3A_19] : memref<320000xi32, #tpu.memory_space<hbm>> -> memref<4000xi32, #tpu.memory_space<hbm>>
        tpu.wait_dma2 semaphore(%run_scoped3A : memref<!tpu.dma_semaphore, #tpu.memory_space<semaphore_mem>>) src(%dma_wait3A_24 : memref<4000xi32, #tpu.memory_space<hbm>>) dst(%arg9 : memref<4000xi32, #tpu.memory_space<vmem>>)
        tpu.yield
      }) : () -> ()
      "tpu.region"() ({
        %run_scoped3A = tpu.sem_alloc : memref<!tpu.dma_semaphore, #tpu.memory_space<semaphore_mem>>
        %dma_start3A = tpu.memref_slice %arg4[%add3A_19] : memref<320000xf32, #tpu.memory_space<hbm>> -> memref<4000xf32, #tpu.memory_space<hbm>>
        %dma_start3A_23 = tpu.memref_slice %arg4[%add3A_19] : memref<320000xf32, #tpu.memory_space<hbm>> -> memref<4000xf32, #tpu.memory_space<hbm>>
        tpu.enqueue_dma source(%dma_start3A_23 : memref<4000xf32, #tpu.memory_space<hbm>>) target(%arg10 : memref<4000xf32, #tpu.memory_space<vmem>>) target_semaphore(%run_scoped3A : memref<!tpu.dma_semaphore, #tpu.memory_space<semaphore_mem>>)
        %dma_wait3A = tpu.memref_slice %arg4[%add3A_19] : memref<320000xf32, #tpu.memory_space<hbm>> -> memref<4000xf32, #tpu.memory_space<hbm>>
        %dma_wait3A_24 = tpu.memref_slice %arg4[%add3A_19] : memref<320000xf32, #tpu.memory_space<hbm>> -> memref<4000xf32, #tpu.memory_space<hbm>>
        tpu.wait_dma2 semaphore(%run_scoped3A : memref<!tpu.dma_semaphore, #tpu.memory_space<semaphore_mem>>) src(%dma_wait3A_24 : memref<4000xf32, #tpu.memory_space<hbm>>) dst(%arg10 : memref<4000xf32, #tpu.memory_space<vmem>>)
        tpu.yield
      }) : () -> ()
      %parallel_loop3A = arith.constant 0 : i32
      %parallel_loop3A_20 = arith.constant 4000 : i32
      %parallel_loop3A_21 = arith.constant 16 : i32
      scf.for %parallel_loop3A_23 = %parallel_loop3A to %parallel_loop3A_20 step %parallel_loop3A_21  : i32 {
        %parallel_loop3A_24 = arith.index_cast %parallel_loop3A_23 : i32 to index
        %parallel_loop3A_25 = tpu.vector_load %arg9[%parallel_loop3A_24] {strides = array<i32>} : memref<4000xi32, #tpu.memory_space<vmem>>, vector<16xi32>,
        %parallel_loop3A_26 = arith.index_cast %parallel_loop3A_23 : i32 to index
        %parallel_loop3A_27 = tpu.vector_load %arg10[%parallel_loop3A_26] {strides = array<i32>} : memref<4000xf32, #tpu.memory_space<vmem>>, vector<16xf32>,
        %parallel_loop3A_28 = arith.constant 65535 : i32
        %parallel_loop3A_29 = vector.broadcast %parallel_loop3A_28 : i32 to vector<16xi32>
        %parallel_loop3A_30 = arith.andi %parallel_loop3A_25, %parallel_loop3A_29 : vector<16xi32>
        %parallel_loop3A_31 = arith.constant 16 : i32
        %parallel_loop3A_32 = vector.broadcast %parallel_loop3A_31 : i32 to vector<16xi32>
        %parallel_loop3A_33 = arith.shrui %parallel_loop3A_25, %parallel_loop3A_32 : vector<16xi32>
        %parallel_loop3A_34 = tpu.vector_load_idx %arg7[%parallel_loop3A_30] : memref<10000xf32, #tpu.memory_space<vmem>>[vector<16xi32>], vector<16xf32>,
        %parallel_loop3A_35 = arith.mulf %parallel_loop3A_27, %parallel_loop3A_34 : vector<16xf32>
        tpu.vector_store_idx %arg8[%parallel_loop3A_33], %parallel_loop3A_35 {add = true} : memref<10000xf32, #tpu.memory_space<vmem>>[vector<16xi32>], vector<16xf32>,
      } {sc.loop_unroll_factor = 8 : i64, sc.parallel_access}
      %scan3A_22 = arith.constant 0 : i32
      scf.yield %scan3A_22 : i32
    }
    %scan3A_12 = arith.constant 5 : i32
    %mul3A_13 = arith.constant 10000 : i32
    %mul3A_14 = arith.muli %add3A, %mul3A_13 : i32
    "tpu.region"() ({
      %run_scoped3A = tpu.sem_alloc : memref<!tpu.dma_semaphore, #tpu.memory_space<semaphore_mem>>
      %dma_start3A = tpu.memref_slice %arg6[%mul3A_14] : memref<320000xf32, #tpu.memory_space<hbm>> -> memref<10000xf32, #tpu.memory_space<hbm>>
      %dma_start3A_15 = tpu.memref_slice %arg6[%mul3A_14] : memref<320000xf32, #tpu.memory_space<hbm>> -> memref<10000xf32, #tpu.memory_space<hbm>>
      tpu.enqueue_dma source(%arg8 : memref<10000xf32, #tpu.memory_space<vmem>>) target(%dma_start3A_15 : memref<10000xf32, #tpu.memory_space<hbm>>) target_semaphore(%run_scoped3A : memref<!tpu.dma_semaphore, #tpu.memory_space<semaphore_mem>>)
      %dma_wait3A = tpu.memref_slice %arg6[%mul3A_14] : memref<320000xf32, #tpu.memory_space<hbm>> -> memref<10000xf32, #tpu.memory_space<hbm>>
      %dma_wait3A_16 = tpu.memref_slice %arg6[%mul3A_14] : memref<320000xf32, #tpu.memory_space<hbm>> -> memref<10000xf32, #tpu.memory_space<hbm>>
      tpu.wait_dma2 semaphore(%run_scoped3A : memref<!tpu.dma_semaphore, #tpu.memory_space<semaphore_mem>>) src(%arg8 : memref<10000xf32, #tpu.memory_space<vmem>>) dst(%dma_wait3A_16 : memref<10000xf32, #tpu.memory_space<hbm>>)
      tpu.yield
    }) : () -> ()
    return
  }
}

module attributes {stable_mosaic.version = 14 : i64} {
  func.func @_degfin_body(%arg0: memref<32x10000xf32, #tpu.memory_space<vmem>>, %arg1: memref<10000xf32, #tpu.memory_space<vmem>>, %arg2: memref<10000xf32, #tpu.memory_space<vmem>>) attributes {dimension_semantics = [], scalar_prefetch = 0 : i64, scratch_operands = 0 : i64, tpu.core_type = #tpu.core_type<tc>} {
    %get3A = arith.constant 0 : index
    %get3A_0 = arith.constant 0 : index
    %get3A_1 = vector.load %arg0[%get3A, %get3A_0] : memref<32x10000xf32, #tpu.memory_space<vmem>>, vector<32x10000xf32>
    %reduce_sum3A = arith.constant dense<0.000000e+00> : vector<10000xf32>
    %reduce_sum3A_2 = vector.multi_reduction <add>, %get3A_1, %reduce_sum3A [0] : vector<32x10000xf32> to vector<10000xf32>
    %add3A = arith.constant 1.000000e+00 : f32
    %add3A_3 = vector.broadcast %add3A : f32 to vector<10000xf32>
    %add3A_4 = arith.addf %reduce_sum3A_2, %add3A_3 : vector<10000xf32>
    %gt3A = arith.constant 0.000000e+00 : f32
    %gt3A_5 = vector.broadcast %gt3A : f32 to vector<10000xf32>
    %gt3A_6 = arith.cmpf ogt, %add3A_4, %gt3A_5 : vector<10000xf32>
    %max3A = arith.constant 9.99999996E-13 : f32
    %max3A_7 = vector.broadcast %max3A : f32 to vector<10000xf32>
    %max3A_8 = arith.maximumf %add3A_4, %max3A_7 : vector<10000xf32>
    %rsqrt3A = math.rsqrt %max3A_8 : vector<10000xf32>
    %jit3A = arith.constant 0.000000e+00 : f32
    %broadcast_in_dim3A = vector.broadcast %jit3A : f32 to vector<10000xf32>
    %select_n3A = arith.select %gt3A_6, %rsqrt3A, %broadcast_in_dim3A : vector<10000xi1>, vector<10000xf32>
    %swap3A = arith.constant 0 : index
    %swap3A_9 = vector.load %arg1[%swap3A] : memref<10000xf32, #tpu.memory_space<vmem>>, vector<10000xf32>
    tpu.vector_store %arg1[%swap3A], %select_n3A {strides = array<i32>} : memref<10000xf32, #tpu.memory_space<vmem>>, vector<10000xf32>,
    %mul3A = arith.mulf %select_n3A, %select_n3A : vector<10000xf32>
    %swap3A_10 = arith.constant 0 : index
    %swap3A_11 = vector.load %arg2[%swap3A_10] : memref<10000xf32, #tpu.memory_space<vmem>>, vector<10000xf32>
    tpu.vector_store %arg2[%swap3A_10], %mul3A {strides = array<i32>} : memref<10000xf32, #tpu.memory_space<vmem>>, vector<10000xf32>,
    return
  }
}

module attributes {stable_mosaic.version = 14 : i64} {
  func.func @_mm1_body(%arg0: memref<128x128xf32, #tpu.memory_space<vmem>>, %arg1: memref<10000x128xf32, #tpu.memory_space<vmem>>, %arg2: memref<64x10000xi32, #tpu.memory_space<vmem>>) attributes {dimension_semantics = [], scalar_prefetch = 0 : i64, scratch_operands = 0 : i64, tpu.core_type = #tpu.core_type<tc>} {
    %get3A = arith.constant 0 : index
    %get3A_0 = arith.constant 0 : index
    %get3A_1 = vector.load %arg0[%get3A, %get3A_0] : memref<128x128xf32, #tpu.memory_space<vmem>>, vector<128x128xf32>
    %get3A_2 = arith.constant 0 : index
    %get3A_3 = arith.constant 0 : index
    %get3A_4 = vector.load %arg1[%get3A_2, %get3A_3] : memref<10000x128xf32, #tpu.memory_space<vmem>>, vector<10000x128xf32>
    %dot_general3A = arith.constant dense<0.000000e+00> : vector<128x10000xf32>
    %dot_general3A_5 = tpu.matmul %get3A_1, %get3A_4, %dot_general3A {dimension_numbers = #tpu.dot_dimension_numbers<[0], [1], [1], [0], [0, 1, 1, 0], [], []>, transpose_lhs_hint = false} : vector<128x128xf32>, vector<10000x128xf32>, vector<128x10000xf32> -> vector<128x10000xf32>
    %convert_element_type3A = arith.truncf %dot_general3A_5 : vector<128x10000xf32> to vector<128x10000xbf16>
    %bitcast_convert_type3A = tpu.bitcast %convert_element_type3A : vector<128x10000xbf16> -> vector<128x10000xi16>
    %convert_element_type3A_6 = arith.extui %bitcast_convert_type3A : vector<128x10000xi16> to vector<128x10000xi32>
    %slice3A = vector.extract_strided_slice %convert_element_type3A_6 {offsets = [0, 0], sizes = [64, 10000], strides = [1, 1]} : vector<128x10000xi32> to vector<64x10000xi32>
    %slice3A_7 = vector.extract_strided_slice %convert_element_type3A_6 {offsets = [64, 0], sizes = [64, 10000], strides = [1, 1]} : vector<128x10000xi32> to vector<64x10000xi32>
    %shift_left3A = arith.constant 16 : i32
    %shift_left3A_8 = vector.broadcast %shift_left3A : i32 to vector<64x10000xi32>
    %shift_left3A_9 = arith.shli %slice3A_7, %shift_left3A_8 : vector<64x10000xi32>
    %or3A = arith.ori %slice3A, %shift_left3A_9 : vector<64x10000xi32>
    %bitcast_convert_type3A_10 = tpu.bitcast %or3A : vector<64x10000xi32> -> vector<64x10000xi32>
    %swap3A = arith.constant 0 : index
    %swap3A_11 = arith.constant 0 : index
    %swap3A_12 = vector.load %arg2[%swap3A, %swap3A_11] : memref<64x10000xi32, #tpu.memory_space<vmem>>, vector<64x10000xi32>
    tpu.vector_store %arg2[%swap3A, %swap3A_11], %bitcast_convert_type3A_10 {strides = array<i32>} : memref<64x10000xi32, #tpu.memory_space<vmem>>, vector<64x10000xi32>,
    return
  }
}

module attributes {stable_mosaic.version = 14 : i64} {
  func.func @_layer_body(%arg0: memref<128x10000xf32, #tpu.memory_space<vmem>>, %arg1: memref<64x10000xi32, #tpu.memory_space<vmem>>, %arg2: memref<1x10000xf32, #tpu.memory_space<vmem>>, %arg3: memref<128x1xf32, #tpu.memory_space<vmem>>, %arg4: memref<128x128xf32, #tpu.memory_space<vmem>>, %arg5: memref<64x10000xi32, #tpu.memory_space<vmem>>) attributes {dimension_semantics = [], scalar_prefetch = 0 : i64, scratch_operands = 0 : i64, tpu.core_type = #tpu.core_type<tc>} {
    %get3A = arith.constant 0 : index
    %get3A_0 = arith.constant 0 : index
    %get3A_1 = vector.load %arg1[%get3A, %get3A_0] : memref<64x10000xi32, #tpu.memory_space<vmem>>, vector<64x10000xi32>
    %shift_left3A = arith.constant 16 : i32
    %shift_left3A_2 = vector.broadcast %shift_left3A : i32 to vector<64x10000xi32>
    %shift_left3A_3 = arith.shli %get3A_1, %shift_left3A_2 : vector<64x10000xi32>
    %bitcast_convert_type3A = tpu.bitcast %shift_left3A_3 : vector<64x10000xi32> -> vector<64x10000xf32>
    %and3A = arith.constant -65536 : i32
    %and3A_4 = vector.broadcast %and3A : i32 to vector<64x10000xi32>
    %and3A_5 = arith.andi %get3A_1, %and3A_4 : vector<64x10000xi32>
    %bitcast_convert_type3A_6 = tpu.bitcast %and3A_5 : vector<64x10000xi32> -> vector<64x10000xf32>
    %concatenate3A = tpu.concatenate %bitcast_convert_type3A, %bitcast_convert_type3A_6 in 0 : vector<64x10000xf32>, vector<64x10000xf32> -> vector<128x10000xf32>
    %get3A_7 = arith.constant 0 : index
    %get3A_8 = arith.constant 0 : index
    %get3A_9 = vector.load %arg0[%get3A_7, %get3A_8] : memref<128x10000xf32, #tpu.memory_space<vmem>>, vector<128x10000xf32>
    %get3A_10 = arith.constant 0 : index
    %get3A_11 = arith.constant 0 : index
    %get3A_12 = vector.load %arg2[%get3A_10, %get3A_11] : memref<1x10000xf32, #tpu.memory_space<vmem>>, vector<1x10000xf32>
    %mul3A = vector.broadcast %get3A_12 : vector<1x10000xf32> to vector<128x10000xf32>
    %mul3A_13 = arith.mulf %mul3A, %concatenate3A : vector<128x10000xf32>
    %add3A = arith.addf %get3A_9, %mul3A_13 : vector<128x10000xf32>
    %get3A_14 = arith.constant 0 : index
    %get3A_15 = arith.constant 0 : index
    %get3A_16 = vector.load %arg3[%get3A_14, %get3A_15] : memref<128x1xf32, #tpu.memory_space<vmem>>, vector<128x1xf32>
    %add3A_17 = vector.broadcast %get3A_16 : vector<128x1xf32> to vector<128x10000xf32>
    %add3A_18 = arith.addf %add3A, %add3A_17 : vector<128x10000xf32>
    %max3A = arith.constant 0.000000e+00 : f32
    %max3A_19 = vector.broadcast %max3A : f32 to vector<128x10000xf32>
    %max3A_20 = arith.maximumf %add3A_18, %max3A_19 : vector<128x10000xf32>
    %get3A_21 = arith.constant 0 : index
    %get3A_22 = arith.constant 0 : index
    %get3A_23 = vector.load %arg4[%get3A_21, %get3A_22] : memref<128x128xf32, #tpu.memory_space<vmem>>, vector<128x128xf32>
    %dot_general3A = arith.constant dense<0.000000e+00> : vector<128x10000xf32>
    %dot_general3A_24 = tpu.matmul %get3A_23, %max3A_20, %dot_general3A {dimension_numbers = #tpu.dot_dimension_numbers<[0], [0], [1], [1], [0, 1, 1, 1], [], []>, transpose_lhs_hint = false} : vector<128x128xf32>, vector<128x10000xf32>, vector<128x10000xf32> -> vector<128x10000xf32>
    %convert_element_type3A = arith.truncf %dot_general3A_24 : vector<128x10000xf32> to vector<128x10000xbf16>
    %bitcast_convert_type3A_25 = tpu.bitcast %convert_element_type3A : vector<128x10000xbf16> -> vector<128x10000xi16>
    %convert_element_type3A_26 = arith.extui %bitcast_convert_type3A_25 : vector<128x10000xi16> to vector<128x10000xi32>
    %slice3A = vector.extract_strided_slice %convert_element_type3A_26 {offsets = [0, 0], sizes = [64, 10000], strides = [1, 1]} : vector<128x10000xi32> to vector<64x10000xi32>
    %slice3A_27 = vector.extract_strided_slice %convert_element_type3A_26 {offsets = [64, 0], sizes = [64, 10000], strides = [1, 1]} : vector<128x10000xi32> to vector<64x10000xi32>
    %shift_left3A_28 = arith.constant 16 : i32
    %shift_left3A_29 = vector.broadcast %shift_left3A_28 : i32 to vector<64x10000xi32>
    %shift_left3A_30 = arith.shli %slice3A_27, %shift_left3A_29 : vector<64x10000xi32>
    %or3A = arith.ori %slice3A, %shift_left3A_30 : vector<64x10000xi32>
    %bitcast_convert_type3A_31 = tpu.bitcast %or3A : vector<64x10000xi32> -> vector<64x10000xi32>
    %swap3A = arith.constant 0 : index
    %swap3A_32 = arith.constant 0 : index
    %swap3A_33 = vector.load %arg5[%swap3A, %swap3A_32] : memref<64x10000xi32, #tpu.memory_space<vmem>>, vector<64x10000xi32>
    tpu.vector_store %arg5[%swap3A, %swap3A_32], %bitcast_convert_type3A_31 {strides = array<i32>} : memref<64x10000xi32, #tpu.memory_space<vmem>>, vector<64x10000xi32>,
    return
  }
}

module attributes {stable_mosaic.version = 14 : i64} {
  func.func @_layer3_body(%arg0: memref<128x10000xf32, #tpu.memory_space<vmem>>, %arg1: memref<64x10000xi32, #tpu.memory_space<vmem>>, %arg2: memref<1x10000xf32, #tpu.memory_space<vmem>>, %arg3: memref<128x1xf32, #tpu.memory_space<vmem>>, %arg4: memref<128x128xf32, #tpu.memory_space<vmem>>, %arg5: memref<128x2xf32, #tpu.memory_space<vmem>>, %arg6: memref<2x10000xf32, #tpu.memory_space<vmem>>) attributes {dimension_semantics = [], scalar_prefetch = 0 : i64, scratch_operands = 0 : i64, tpu.core_type = #tpu.core_type<tc>} {
    %get3A = arith.constant 0 : index
    %get3A_0 = arith.constant 0 : index
    %get3A_1 = vector.load %arg1[%get3A, %get3A_0] : memref<64x10000xi32, #tpu.memory_space<vmem>>, vector<64x10000xi32>
    %shift_left3A = arith.constant 16 : i32
    %shift_left3A_2 = vector.broadcast %shift_left3A : i32 to vector<64x10000xi32>
    %shift_left3A_3 = arith.shli %get3A_1, %shift_left3A_2 : vector<64x10000xi32>
    %bitcast_convert_type3A = tpu.bitcast %shift_left3A_3 : vector<64x10000xi32> -> vector<64x10000xf32>
    %and3A = arith.constant -65536 : i32
    %and3A_4 = vector.broadcast %and3A : i32 to vector<64x10000xi32>
    %and3A_5 = arith.andi %get3A_1, %and3A_4 : vector<64x10000xi32>
    %bitcast_convert_type3A_6 = tpu.bitcast %and3A_5 : vector<64x10000xi32> -> vector<64x10000xf32>
    %concatenate3A = tpu.concatenate %bitcast_convert_type3A, %bitcast_convert_type3A_6 in 0 : vector<64x10000xf32>, vector<64x10000xf32> -> vector<128x10000xf32>
    %get3A_7 = arith.constant 0 : index
    %get3A_8 = arith.constant 0 : index
    %get3A_9 = vector.load %arg0[%get3A_7, %get3A_8] : memref<128x10000xf32, #tpu.memory_space<vmem>>, vector<128x10000xf32>
    %get3A_10 = arith.constant 0 : index
    %get3A_11 = arith.constant 0 : index
    %get3A_12 = vector.load %arg2[%get3A_10, %get3A_11] : memref<1x10000xf32, #tpu.memory_space<vmem>>, vector<1x10000xf32>
    %mul3A = vector.broadcast %get3A_12 : vector<1x10000xf32> to vector<128x10000xf32>
    %mul3A_13 = arith.mulf %mul3A, %concatenate3A : vector<128x10000xf32>
    %add3A = arith.addf %get3A_9, %mul3A_13 : vector<128x10000xf32>
    %get3A_14 = arith.constant 0 : index
    %get3A_15 = arith.constant 0 : index
    %get3A_16 = vector.load %arg3[%get3A_14, %get3A_15] : memref<128x1xf32, #tpu.memory_space<vmem>>, vector<128x1xf32>
    %add3A_17 = vector.broadcast %get3A_16 : vector<128x1xf32> to vector<128x10000xf32>
    %add3A_18 = arith.addf %add3A, %add3A_17 : vector<128x10000xf32>
    %max3A = arith.constant 0.000000e+00 : f32
    %max3A_19 = vector.broadcast %max3A : f32 to vector<128x10000xf32>
    %max3A_20 = arith.maximumf %add3A_18, %max3A_19 : vector<128x10000xf32>
    %get3A_21 = arith.constant 0 : index
    %get3A_22 = arith.constant 0 : index
    %get3A_23 = vector.load %arg4[%get3A_21, %get3A_22] : memref<128x128xf32, #tpu.memory_space<vmem>>, vector<128x128xf32>
    %get3A_24 = arith.constant 0 : index
    %get3A_25 = arith.constant 0 : index
    %get3A_26 = vector.load %arg5[%get3A_24, %get3A_25] : memref<128x2xf32, #tpu.memory_space<vmem>>, vector<128x2xf32>
    %dot_general3A = arith.constant dense<0.000000e+00> : vector<128x2xf32>
    %dot_general3A_27 = tpu.matmul %get3A_23, %get3A_26, %dot_general3A {dimension_numbers = #tpu.dot_dimension_numbers<[1], [0], [0], [1], [0, 0, 1, 1], [], []>, transpose_lhs_hint = false} : vector<128x128xf32>, vector<128x2xf32>, vector<128x2xf32> -> vector<128x2xf32>
    %dot_general3A_28 = arith.constant dense<0.000000e+00> : vector<2x10000xf32>
    %dot_general3A_29 = tpu.matmul %dot_general3A_27, %max3A_20, %dot_general3A_28 {dimension_numbers = #tpu.dot_dimension_numbers<[0], [0], [1], [1], [0, 1, 1, 1], [], []>, transpose_lhs_hint = false} : vector<128x2xf32>, vector<128x10000xf32>, vector<2x10000xf32> -> vector<2x10000xf32>
    %swap3A = arith.constant 0 : index
    %swap3A_30 = arith.constant 0 : index
    %swap3A_31 = vector.load %arg6[%swap3A, %swap3A_30] : memref<2x10000xf32, #tpu.memory_space<vmem>>, vector<2x10000xf32>
    tpu.vector_store %arg6[%swap3A, %swap3A_30], %dot_general3A_29 {strides = array<i32>} : memref<2x10000xf32, #tpu.memory_space<vmem>>, vector<2x10000xf32>,
    return
  }
}

module attributes {stable_mosaic.version = 14 : i64} {
  func.func @_final_body(%arg0: memref<32x10000xf32, #tpu.memory_space<vmem>>, %arg1: memref<2x10000xf32, #tpu.memory_space<vmem>>, %arg2: memref<1x10000xf32, #tpu.memory_space<vmem>>, %arg3: memref<10000xi32, #tpu.memory_space<vmem>>, %arg4: memref<1x128xf32, #tpu.memory_space<vmem>>, %arg5: memref<128x2xf32, #tpu.memory_space<vmem>>, %arg6: memref<2xf32, #tpu.memory_space<vmem>>, %arg7: memref<64x2xf32, #tpu.memory_space<vmem>>) attributes {dimension_semantics = [], scalar_prefetch = 0 : i64, scratch_operands = 0 : i64, tpu.core_type = #tpu.core_type<tc>} {
    %get3A = arith.constant 0 : index
    %get3A_0 = arith.constant 0 : index
    %get3A_1 = vector.load %arg0[%get3A, %get3A_0] : memref<32x10000xf32, #tpu.memory_space<vmem>>, vector<32x10000xf32>
    %reshape3A = vector.shape_cast %get3A_1 : vector<32x10000xf32> to vector<16x2x10000xf32>
    %reduce_sum3A = arith.constant dense<0.000000e+00> : vector<2x10000xf32>
    %reduce_sum3A_2 = vector.multi_reduction <add>, %reshape3A, %reduce_sum3A [0] : vector<16x2x10000xf32> to vector<2x10000xf32>
    %get3A_3 = arith.constant 0 : index
    %get3A_4 = arith.constant 0 : index
    %get3A_5 = vector.load %arg2[%get3A_3, %get3A_4] : memref<1x10000xf32, #tpu.memory_space<vmem>>, vector<1x10000xf32>
    %get3A_6 = arith.constant 0 : index
    %get3A_7 = arith.constant 0 : index
    %get3A_8 = vector.load %arg1[%get3A_6, %get3A_7] : memref<2x10000xf32, #tpu.memory_space<vmem>>, vector<2x10000xf32>
    %mul3A = vector.broadcast %get3A_5 : vector<1x10000xf32> to vector<2x10000xf32>
    %mul3A_9 = arith.mulf %mul3A, %get3A_8 : vector<2x10000xf32>
    %add3A = arith.addf %reduce_sum3A_2, %mul3A_9 : vector<2x10000xf32>
    %iota3A = tpu.iota {dimensions = array<i32: 0>} : vector<64x10000xi32>
    %get3A_10 = arith.constant 0 : index
    %get3A_11 = vector.load %arg3[%get3A_10] : memref<10000xi32, #tpu.memory_space<vmem>>, vector<10000xi32>
    %broadcast_in_dim3A = vector.shape_cast %get3A_11 : vector<10000xi32> to vector<1x10000xi32>
    %eq3A = vector.broadcast %broadcast_in_dim3A : vector<1x10000xi32> to vector<64x10000xi32>
    %eq3A_12 = arith.cmpi eq, %iota3A, %eq3A : vector<64x10000xi32>
    %convert_element_type3A = arith.extui %eq3A_12 : vector<64x10000xi1> to vector<64x10000xi32>
    %convert_element_type3A_13 = arith.sitofp %convert_element_type3A : vector<64x10000xi32> to vector<64x10000xf32>
    %dot_general3A = arith.constant dense<0.000000e+00> : vector<64x2xf32>
    %dot_general3A_14 = tpu.matmul %convert_element_type3A_13, %add3A, %dot_general3A {dimension_numbers = #tpu.dot_dimension_numbers<[1], [1], [0], [0], [0, 0, 1, 0], [], []>, transpose_lhs_hint = false} : vector<64x10000xf32>, vector<2x10000xf32>, vector<64x2xf32> -> vector<64x2xf32>
    %broadcast_in_dim3A_15 = arith.constant 1.000000e+00 : f32
    %broadcast_in_dim3A_16 = vector.broadcast %broadcast_in_dim3A_15 : f32 to vector<1x10000xf32>
    %dot_general3A_17 = arith.constant dense<0.000000e+00> : vector<64x1xf32>
    %dot_general3A_18 = tpu.matmul %convert_element_type3A_13, %broadcast_in_dim3A_16, %dot_general3A_17 {dimension_numbers = #tpu.dot_dimension_numbers<[1], [1], [0], [0], [0, 0, 1, 0], [], []>, transpose_lhs_hint = false} : vector<64x10000xf32>, vector<1x10000xf32>, vector<64x1xf32> -> vector<64x1xf32>
    %get3A_19 = arith.constant 0 : index
    %get3A_20 = arith.constant 0 : index
    %get3A_21 = vector.load %arg4[%get3A_19, %get3A_20] : memref<1x128xf32, #tpu.memory_space<vmem>>, vector<1x128xf32>
    %get3A_22 = arith.constant 0 : index
    %get3A_23 = arith.constant 0 : index
    %get3A_24 = vector.load %arg5[%get3A_22, %get3A_23] : memref<128x2xf32, #tpu.memory_space<vmem>>, vector<128x2xf32>
    %dot_general3A_25 = arith.constant dense<0.000000e+00> : vector<1x2xf32>
    %dot_general3A_26 = tpu.matmul %get3A_21, %get3A_24, %dot_general3A_25 {dimension_numbers = #tpu.dot_dimension_numbers<[1], [0], [0], [1], [0, 0, 1, 1], [], []>, transpose_lhs_hint = false} : vector<1x128xf32>, vector<128x2xf32>, vector<1x2xf32> -> vector<1x2xf32>
    %max3A = arith.constant 1.000000e+00 : f32
    %max3A_27 = vector.broadcast %max3A : f32 to vector<64x1xf32>
    %max3A_28 = arith.maximumf %dot_general3A_18, %max3A_27 : vector<64x1xf32>
    %div3A = vector.broadcast %max3A_28 : vector<64x1xf32> to vector<64x2xf32>
    %div3A_29 = arith.divf %dot_general3A_14, %div3A : vector<64x2xf32>
    %add3A_30 = vector.broadcast %dot_general3A_26 : vector<1x2xf32> to vector<64x2xf32>
    %add3A_31 = arith.addf %div3A_29, %add3A_30 : vector<64x2xf32>
    %get3A_32 = arith.constant 0 : index
    %get3A_33 = vector.load %arg6[%get3A_32] : memref<2xf32, #tpu.memory_space<vmem>>, vector<2xf32>
    %broadcast_in_dim3A_34 = vector.shape_cast %get3A_33 : vector<2xf32> to vector<1x2xf32>
    %add3A_35 = vector.broadcast %broadcast_in_dim3A_34 : vector<1x2xf32> to vector<64x2xf32>
    %add3A_36 = arith.addf %add3A_31, %add3A_35 : vector<64x2xf32>
    %swap3A = arith.constant 0 : index
    %swap3A_37 = arith.constant 0 : index
    %swap3A_38 = vector.load %arg7[%swap3A, %swap3A_37] : memref<64x2xf32, #tpu.memory_space<vmem>>, vector<64x2xf32>
    tpu.vector_store %arg7[%swap3A, %swap3A_37], %add3A_36 {strides = array<i32>} : memref<64x2xf32, #tpu.memory_space<vmem>>, vector<64x2xf32>,
    return
  }
}

</mosaic_0001>

<sc_bundles>
// kernel: kernel.12.cloned.1.call-start
scs
__scs_entry_jumppad:
0x0: {  	(pc) =	sbr.rel $0x88, $3  }
0x1: {  	(tag) =	ssettag $0x0;
	lr =	simm.s32 $0x1  }
0x2: {  	[smem:$0x3F95] =	sst lr;
	_ =	strace $0xD0000000  }
0x3: {  	_ = 	snop  }
0x4: {  	_ = 	snop  }
0x5: {  	_ = 	snop  }
0x6: {  	_ = 	snop  }
0x7: {  	_ = 	snop  }
__scs_overlays_trampoline_lowered:
0x8: {  	[smem:$0x3FA4] =	sst s0  }
0x9: {  	[smem:$0x3FA5] =	sst s1  }
0xa: {  	[smem:$0x3FA6] =	sst s2  }
0xb: {  	[smem:$0x3FA7] =	sst s3  }
0xc: {  	[smem:$0x3FA8] =	sst s4  }
0xd: {  	[smem:$0x3FA9] =	sst s5  }
0xe: {  	[smem:$0x3FAA] =	sst s6  }
0xf: {  	[smem:$0x3FAB] =	sst s7  }
0x10: {  	[smem:$0x3FAC] =	sst s8  }
0x11: {  	[smem:$0x3FAD] =	sst s9;
	s0 =	simm.s32 @!p0 $0x0  }
0x12: {  	s1 =	sld [smem:$0x3F93];
	s0 =	simm.s32 @p0 $0x1  }
0x13: {  	[smem:$0x3FAE] =	sst s0;
	s0 =	simm.s32 @!p1 $0x0  }
0x14: {  	s2 =	sld [smem:$0x3F92];
	s0 =	simm.s32 @p1 $0x1  }
0x15: {  	[smem:$0x3FAF] =	sst s0;
	s0 =	simm.s32 @!p2 $0x0  }
0x16: {  	s3 =	sld [smem:$0x3FDB];
	s0 =	simm.s32 @p2 $0x1  }
0x17: {  	s4 =	simm.s32 $0x1BF5;
	[smem:$0x3FB1] =	sst s0  }
0x18: {  	s0 =	sld [smem:$0x3F94];
	_ =	swait.ge [sflag:s4], $0x0  }
0x19: {  	s7 =	sld [smem:$0x3F95]  }
0x1a: {  	s8 =	sadd.s32 $0xFFFFE003, lr  }
0x1b: {  	s9 =	sadd.s32 $0xFFFFFEF7, lr;
	s5 =	simm.s32 $0xFFFFFFFF;
	p2 =	slt.u32 s8, $0xFFFFF086  }
0x1c: {  	p1 =	slt.u32 s9, $0xF7A;
	s5 =	simm.s32 @!p2 $0x0  }
0x1d: {  	s5 =	simm.s32 @p1 $0x1;
	p0 =	seq.s32 s7, s2  }
0x1e: {  	s7 =	smul.u32 @!p0 $0xF7A, s2;
	p2 =	seq.s32 @!p0 s5, $0x0  }
0x1f: {  	s9 =	smul.u32 $0xF7A, s1;
	s8 =	simm.s32 @!p0 $0x1BF5;
	p2 =	por !p2, p0  }
0x20: {  	[sflag:s8] =	ssyncset.s32 @!p0 $0xFFFFF086;
	s6 =	sadd.s32 @!p0 s3, s7;
	s7 =	simm.s32 @!p0 $0x108  }
0x21: {  	s3 =	sadd.s32 s3, s9;
	s6 =	sadd.s32 @!p0 $0x88, s6;
	s7 =	simm.s32 @p2 $0x1082  }
0x22: {  	[simem:s7], [sflag:s8] =	dma.local @!p0 [hbm:s6], $0xF7A  }
0x23: {  	s9 =	sor.u32 $0xD0000000, s2;
	s6 =	simm.s32 $0x108;
	_ =	swait.ge @!p0 [sflag:s8], $0x0  }
0x24: {  	s3 =	sadd.s32 $0x88, s3;
	s6 =	simm.s32 @!p1 $0x1082;
	[sflag:s4] =	ssyncset.s32 $0xFFFFF086  }
0x25: {  	[simem:s6], [sflag:s4] =	dma.local [hbm:s3], $0xF7A  }
0x26: {  	[smem:$0x3F95] =	sst s1;
	(tag) =	ssettag s2;
	_ =	strace s9  }
0x27: {  	s1 =	sld [smem:$0x3FA5]  }
0x28: {  	s2 =	sld [smem:$0x3FA6]  }
0x29: {  	s4 =	sld [smem:$0x3FA8]  }
0x2a: {  	p0 =	seq.s32 s5, $0x0;
	s5 =	sld [smem:$0x3FA9]  }
0x2b: {  	s6 =	sld [smem:$0x3FAA]  }
0x2c: {  	s7 =	sld [smem:$0x3FAB]  }
0x2d: {  	s3 =	simm.s32 $0x108;
	s8 =	sld [smem:$0x3FAC]  }
0x2e: {  	s3 =	simm.s32 @!p0 $0x1082;
	s9 =	sld [smem:$0x3FAD]  }
0x2f: {  	lr =	sadd.s32 s0, s3;
	s0 =	sld [smem:$0x3FA4]  }
0x30: {  	s3 =	sld [smem:$0x3FA7]  }
0x31: {  	[smem:$0x3FB0] =	sst s10  }
0x32: {  	s10 =	sld [smem:$0x3FAE];
	_ =	sdelay $0x3  }
0x33: {  	p0 =	seq.s32 s10, $0x1;
	s10 =	sld [smem:$0x3FB0];
	_ =	sdelay $0x3  }
0x34: {  	[smem:$0x3FB0] =	sst s10  }
0x35: {  	s10 =	sld [smem:$0x3FAF];
	_ =	sdelay $0x3  }
0x36: {  	p1 =	seq.s32 s10, $0x1;
	s10 =	sld [smem:$0x3FB0];
	_ =	sdelay $0x3  }
0x37: {  	[smem:$0x3FB0] =	sst s10  }
0x38: {  	s10 =	sld [smem:$0x3FB1]  }
0x39: {  	_ = 	snop;
	(pc) =	sbr.ind lr, $3  }
0x3a: {  	_ = 	snop  }
0x3b: {  	_ = 	snop  }
0x3c: {  	p2 =	seq.s32 s10, $0x1;
	s10 =	sld [smem:$0x3FB0]  }
0x3d: {  	_ =	shalt  }
0x3e: {  	_ =	shalt  }
0x3f: {  	_ =	shalt  }
0x40: {  	_ =	shalt  }
0x41: {  	_ =	shalt  }
0x42: {  	_ =	shalt  }
0x43: {  	_ =	shalt  }
0x44: {  	_ =	shalt  }
0x45: {  	_ =	shalt  }
0x46: {  	_ =	shalt  }
0x47: {  	_ =	shalt  }
0x48: {  	_ =	shalt  }
0x49: {  	_ =	shalt  }
0x4a: {  	_ =	shalt  }
0x4b: {  	_ =	shalt  }
0x4c: {  	_ =	shalt  }
0x4d: {  	_ =	shalt  }
0x4e: {  	_ =	shalt  }
0x4f: {  	_ =	shalt  }
0x50: {  	_ =	shalt  }
0x51: {  	_ =	shalt  }
0x52: {  	_ =	shalt  }
0x53: {  	_ =	shalt  }
0x54: {  	_ =	shalt  }
0x55: {  	_ =	shalt  }
0x56: {  	_ =	shalt  }
0x57: {  	_ =	shalt  }
0x58: {  	_ =	shalt  }
0x59: {  	_ =	shalt  }
0x5a: {  	_ =	shalt  }
0x5b: {  	_ =	shalt  }
0x5c: {  	_ =	shalt  }
0x5d: {  	_ =	shalt  }
0x5e: {  	_ =	shalt  }
0x5f: {  	_ =	shalt  }
0x60: {  	_ =	shalt  }
0x61: {  	_ =	shalt  }
0x62: {  	_ =	shalt  }
0x63: {  	_ =	shalt  }
0x64: {  	_ =	shalt  }
0x65: {  	_ =	shalt  }
0x66: {  	_ =	shalt  }
0x67: {  	_ =	shalt  }
0x68: {  	_ =	shalt  }
0x69: {  	_ =	shalt  }
0x6a: {  	_ =	shalt  }
0x6b: {  	_ =	shalt  }
0x6c: {  	_ =	shalt  }
0x6d: {  	_ =	shalt  }
0x6e: {  	_ =	shalt  }
0x6f: {  	_ =	shalt  }
0x70: {  	_ =	shalt  }
0x71: {  	_ =	shalt  }
0x72: {  	_ =	shalt  }
0x73: {  	_ =	shalt  }
0x74: {  	_ =	shalt  }
0x75: {  	_ =	shalt  }
0x76: {  	_ =	shalt  }
0x77: {  	_ =	shalt  }
0x78: {  	_ =	shalt  }
0x79: {  	_ =	shalt  }
0x7a: {  	_ =	shalt  }
0x7b: {  	_ =	shalt  }
0x7c: {  	_ =	shalt  }
0x7d: {  	_ =	shalt  }
0x7e: {  	_ =	shalt  }
0x7f: {  	_ =	shalt  }
0x80: {  	_ =	shalt  }
0x81: {  	_ =	shalt  }
0x82: {  	_ =	shalt  }
0x83: {  	_ =	shalt  }
0x84: {  	_ =	shalt  }
0x85: {  	_ =	shalt  }
0x86: {  	_ =	shalt  }
0x87: {  	_ =	shalt  }
.Lfunc_end0:
.L_simem_size_0:
called_computation_lowered:
.L_overlay_start_0:
0x88: {  	s2 =	sld [smem:$0x3FD9]  }
0x89: {  	s3 =	sld [smem:$0x3FFE];
	_ =	sdelay $0x1  }
0x8a: {  	s1 =	srdreg.scid  }
0x8b: {  	s0 =	sand.u32 $0x1, s1  }
0x8c: {  	s17 =	sshll.u32 s0, $0xA;
	s2 =	sadd.s32 s3, s2  }
0x8d: {  	s2 =	sadd.s32 s2, s17  }
0x8e: {  	[smem:$0x3FBC] =	sst s2  }
0x8f: {  	_ = 	snop  }
0x90: {  	s2 =	sld [smem:$0x3FC7];
	(tm) =	ssettm $0x1  }
0x91: {  	s18 =	sld [smem:$0x3FFB];
	_ =	sdelay $0x3  }
0x92: {  	_ =	strace s18  }
0x93: {  	s3 =	sld [smem:$0x3FFC];
	_ =	sdelay $0x3  }
0x94: {  	_ =	strace s3  }
0x95: {  	s3 =	sld [smem:$0x3FFD];
	_ =	sdelay $0x3  }
0x96: {  	_ =	strace s3  }
0x97: {  	_ =	strace $0x8FFFFFFF  }
0x98: {  	s19 =	sld [smem:$0x3FDB];
	_ =	sdelay $0x1  }
0x99: {  	s4 =	simm.s32 $_scs_section_size  }
0x9a: {  	s5 =	simm.s32 $_size__tile_overlayer_lowered;
	s6 =	simm.s32 $_tile_overlayer_lowered  }
0x9b: {  	s22 =	simm.s32 $0x1BFF;
	s21 =	sshll.u32 s6, $0x1;
	s3 =	sadd.s32 s4, s19  }
0x9c: {  	s7 =	simm.s32 $0x0;
	s20 =	sshll.u32 s5, $0x1;
	s5 =	sadd.s32 s21, s3  }
0x9d: {  	[timem:s7], [sflag:s22] =	dma.local [hbm:s5], s20  }
0x9e: {  	_ =	swait.ge [sflag:s22], s20  }
0x9f: {  	s4 =	ssub.s32 $0x0, s20;
	[sflag:s22] =	ssyncset.done $0x0  }
0xa0: {  	[sflag:s22] =	ssyncadd.s32 s4;
	_ =	sdelay $0x1  }
0xa1: {  	s23 =	simm.s32 $0x1B8B  }
0xa2: {  	_ =	swait.ge [sflag:s23], $0x1  }
0xa3: {  	[sflag:s23] =	ssyncset.done $0x0  }
0xa4: {  	s25 =	simm.s32 $0x1B8E;
	s24 =	sld [smem:$0x3FFE];
	[sflag:s23] =	ssyncadd.s32 $0xFFFFFFFF  }
0xa5: {  	s26 =	simm.s32 $execute0_lowered;
	[smem:$0x3FD2] =	sst s25  }
0xa6: {  	s5 =	sshll.u32 s26, $0x1;
	_ =	strace $0x80000046;
	[dreg:$0x1] =	wrdreg $0xFFFFFFFF  }
0xa7: {  	s28 =	simm.s32 $_size_execute0_lowered;
	s3 =	sadd.s32 s3, s5;
	[dreg:$0x0] =	wrdreg $0x0  }
0xa8: {  	s5 =	sshll.u32 s28, $0x1;
	[dreg:$0x2] =	wrdreg s3  }
0xa9: {  	[dreg:$0x3] =	wrdreg s5  }
0xaa: {  	[dreg:$0x4] =	wrdreg $0xC0  }
0xab: {  	_ =	task [dreg:s7], $0x5FFFF  }
0xac: {  	[dreg:$0x1] =	wrdreg $0xFFFFFFFF  }
0xad: {  	[dreg:$0x0] =	wrdreg $0x60  }
0xae: {  	[dreg:$0x2] =	wrdreg s24  }
0xaf: {  	[dreg:$0x3] =	wrdreg s2  }
0xb0: {  	[dreg:$0x4] =	wrdreg $0x9  }
0xb1: {  	_ =	task.clear_ibuf [dreg:s7], $0x5FFFF;
	_ =	strace $0x90000046  }
0xb2: {  	s29 =	simm.s32 $0x9;
	_ =	strace $0x80000048  }
0xb3: {  	_ =	swait.ge [sflag:s29], $0x1  }
0xb4: {  	[sflag:s29] =	ssyncadd.s32 $0xFFFFFFFF  }
0xb5: {  	_ =	strace $0x90000048  }
0xb6: {  	_ =	sfence  }
0xb7: {  	s30 =	sld [smem:$0x0];
	_ =	sdelay $0x2  }
0xb8: {  	s31 =	sshll.u32 s1, $0xD;
	s1 =	sshrl.u32 s1, $0x2  }
0xb9: {  	s3 =	sand.u32 $0x4000, s31;
	s1 =	sadd.s32 s1, s30  }
0xba: {  	s0 =	sor.u32 s3, s0;
	s1 =	sshll.u32 s1, $0x11  }
0xbb: {  	s0 =	sor.u32 s1, s0  }
0xbc: {  	s0 =	sadd.s32 $0x8F2B, s0  }
0xbd: {  	[sflag:s0] =	ssyncadd.remote.s32 $0x1  }
0xbe: {  	_ =	sfence.sel $0xFFFF  }
0xbf: {  	[dreg:$0x0] =	wrdreg $0xFFFFFFFF;
	(pc) =	sbr.abs _section_cstart, $3  }
0xc0: {  	[dreg:$0x1] =	wrdreg $0xFFFFFFFF  }
0xc1: {  	_ =	task.clear_ibuf [dreg:s7], $0x2FFFF;
	_ =	strace $0x9FFFFFFF  }
0xc2: {  	(tm) =	ssettm $0x7FFFFFFF  }
0xc3: {  	_ =	shalt  }
tec
execute0_lowered:
.L_overlay_start_1:
0x0: {  	(tag) =	ssettag $0x1  }
0x1: {  	s7 =	rddreg [dreg:$0x0];
	s1 =	srdreg.scid  }
0x2: {  	s0 =	stileid.u32;
	s2 =	rddreg [dreg:$0x1]  }
0x3: {  	s3 =	simm.s32 $0x0;
	s5 =	sand.u32 $0x1, s1;
	s4 =	sshll.u32 s0, $0x1  }
0x4: {  	s11 =	simm.s32 $0x800;
	s1 =	rddreg [dreg:$0x2];
	s4 =	sor.u32 s5, s4  }
0x5: {  	s12 =	simm.s32 $0x0;
	[smem:$0x7FF] =	sst s3;
	s4 =	smul.u32 $0x2710, s4  }
0x6: {  	s6 =	sadd.s32 $0x16A00, s7;
	_ =	strace $0x80000047;
	s8 =	ssub.s32 $0x2, s5  }
0x7: {  	s5 =	sadd.s32 $0x2E00, s7;
	s10 =	sshrl.u32 s8, $0x1;
	s9 =	sshrl.u32 s4, $0x3  }
0x8: {  	s8 =	ssub.s32 s8, s10;
	s10 =	simm.s32 $0x1;
	s7 =	sadd.s32 s9, s7  }
0x9: {  	s8 =	smax.u32 s8, $0x1;
	s9 =	simm.s32 $0x1000;
	s7 =	sadd.s32 $0x17E00, s7  }
.LBB2_1:
0xa: {  	[tilespmem:s9], [sflag:$0x1] =	stream.linear.gather [hbm4b:s6+s3], $0x2710, $0x38;
	[tilespmem:$0x3780] =	vst v63  }
0xb: {  	_ =	swait.ge [sflag:s10], $0x2710  }
0xc: {  	[sflag:s10] =	ssyncset.done $0x0  }
0xd: {  	s13 =	simm.s32 $0x0;
	[sflag:s10] =	ssyncadd.s32 $0xFFFFD8F0  }
.LBB2_2:
0xe: {  	s14 =	smul.u32 $0x7D0, s13;
	_ =	sdelay $0x1  }
0xf: {  	s14 =	sadd.s32 s4, s14  }
0x10: {  	s14 =	sshrl.u32 s14, $0x3  }
0x11: {  	s15 =	sadd.s32 s5, s14  }
0x12: {  	[tilespmem:s3], [sflag:$0x1] =	stream.linear.gather [hbm4b:s15+s3], $0x7D0, $0x38;
	[tilespmem:$0x3780] =	vst v63  }
0x13: {  	_ =	swait.ge [sflag:s10], $0x7D0  }
0x14: {  	[sflag:s10] =	ssyncset.done $0x0  }
0x15: {  	s14 =	sadd.s32 s2, s14;
	[sflag:s10] =	ssyncadd.s32 $0xFFFFF830  }
0x16: {  	[tilespmem:s11], [sflag:$0x1] =	stream.linear.gather [hbm4b:s14+s3], $0x7D0, $0x38;
	[tilespmem:$0x3780] =	vst v63  }
0x17: {  	_ =	swait.ge [sflag:s10], $0x7D0  }
0x18: {  	[sflag:s10] =	ssyncset.done $0x0  }
0x19: {  	s31 =	simm.s32 $0x40;
	[sflag:s10] =	ssyncadd.s32 $0xFFFFF830  }
0x1a: {  	v0 =	vld [tilespmem:s31+$0x30]  }
0x1b: {  	v1 =	vld [tilespmem:s31+$0xFFFFFFD0]  }
0x1c: {  	s14 =	simm.s32 $0x840;
	v2 =	vld [tilespmem:s31+$0xFFFFFFE0]  }
0x1d: {  	v3 =	vld [tilespmem:s14+$0x30]  }
0x1e: {  	v4 =	vld [tilespmem:s31+$0xFFFFFFF0]  }
0x1f: {  	v5 =	vld [tilespmem:s31+$0x0]  }
0x20: {  	v6 =	vld [tilespmem:s31+$0x10]  }
0x21: {  	v7 =	vld [tilespmem:s31+$0x20]  }
0x22: {  	v62 =	vld [tilespmem:s31+$0xFFFFFFC0]  }
0x23: {  	v63 =	vld [tilespmem:s14+$0xFFFFFFC0]  }
0x24: {  	v8 =	vld [tilespmem:s14+$0xFFFFFFD0]  }
0x25: {  	v9 =	vld [tilespmem:s14+$0xFFFFFFE0]  }
0x26: {  	v10 =	vld [tilespmem:s14+$0xFFFFFFF0]  }
0x27: {  	v11 =	vld [tilespmem:s14+$0x0]  }
0x28: {  	v12 =	vld [tilespmem:s14+$0x10]  }
0x29: {  	v13 =	vld [tilespmem:s14+$0x20]  }
0x2a: {  	[tilespmem:v0+s9+$0x0] =	vst.idx.add.f32.msk $0xffff, v3  }
0x2b: {  	[tilespmem:v62+s9+$0x0] =	vst.idx.add.f32.msk $0xffff, v63  }
0x2c: {  	[tilespmem:v1+s9+$0x0] =	vst.idx.add.f32.msk $0xffff, v8  }
0x2d: {  	[tilespmem:v2+s9+$0x0] =	vst.idx.add.f32.msk $0xffff, v9  }
0x2e: {  	[tilespmem:v4+s9+$0x0] =	vst.idx.add.f32.msk $0xffff, v10  }
0x2f: {  	[tilespmem:v5+s9+$0x0] =	vst.idx.add.f32.msk $0xffff, v11  }
0x30: {  	s18 =	simm.s32 $0x0;
	s16 =	simm.s32 $0xF80;
	[tilespmem:v6+s9+$0x0] =	vst.idx.add.f32.msk $0xffff, v12  }
0x31: {  	s17 =	simm.s32 $0x780;
	s19 =	simm.s32 $0xC0;
	s15 =	simm.s32 $0x770;
	[tilespmem:v7+s9+$0x0] =	vst.idx.add.f32.msk $0xffff, v13  }
.LBB2_3:
0x32: {  	v0 =	vld [tilespmem:s19+$0x30];
	s18 =	sadd.s32 $0x80, s18  }
0x33: {  	v1 =	vld [tilespmem:s19+$0xFFFFFFD0];
	p0 =	slt.u32 s18, $0x700  }
0x34: {  	s14 =	sadd.s32 $0x80, s14;
	v2 =	vld [tilespmem:s19+$0xFFFFFFE0]  }
0x35: {  	v3 =	vld [tilespmem:s14+$0x30]  }
0x36: {  	v4 =	vld [tilespmem:s19+$0xFFFFFFF0]  }
0x37: {  	v5 =	vld [tilespmem:s19+$0x0]  }
0x38: {  	v6 =	vld [tilespmem:s19+$0x10]  }
0x39: {  	v7 =	vld [tilespmem:s19+$0x20]  }
0x3a: {  	[tilespmem:v0+s9+$0x0] =	vst.idx.add.f32.msk $0xffff, v3  }
0x3b: {  	v0 =	vld [tilespmem:s19+$0xFFFFFFC0]  }
0x3c: {  	v3 =	vld [tilespmem:s14+$0xFFFFFFC0]  }
0x3d: {  	v8 =	vld [tilespmem:s14+$0xFFFFFFD0]  }
0x3e: {  	v9 =	vld [tilespmem:s14+$0xFFFFFFE0]  }
0x3f: {  	v10 =	vld [tilespmem:s14+$0xFFFFFFF0]  }
0x40: {  	v11 =	vld [tilespmem:s14+$0x0]  }
0x41: {  	v12 =	vld [tilespmem:s14+$0x10]  }
0x42: {  	v13 =	vld [tilespmem:s14+$0x20]  }
0x43: {  	[tilespmem:v0+s9+$0x0] =	vst.idx.add.f32.msk $0xffff, v3  }
0x44: {  	[tilespmem:v1+s9+$0x0] =	vst.idx.add.f32.msk $0xffff, v8  }
.Ltmp0:
0x45: {  	[tilespmem:v2+s9+$0x0] =	vst.idx.add.f32.msk $0xffff, v9;
	(pc) =	sbr.rel @p0 .LBB2_3-.Ltmp0, $4  }
0x46: {  	[tilespmem:v4+s9+$0x0] =	vst.idx.add.f32.msk $0xffff, v10  }
0x47: {  	[tilespmem:v5+s9+$0x0] =	vst.idx.add.f32.msk $0xffff, v11  }
0x48: {  	[tilespmem:v6+s9+$0x0] =	vst.idx.add.f32.msk $0xffff, v12  }
0x49: {  	s19 =	sadd.s32 $0x80, s19;
	[tilespmem:v7+s9+$0x0] =	vst.idx.add.f32.msk $0xffff, v13  }
.LBB2_4:
0x4a: {  	v0 =	vld [tilespmem:s17+$0x0];
	_ =	sdelay $0x1  }
0x4b: {  	s15 =	sadd.s32 $0x10, s15  }
0x4c: {  	v1 =	vld [tilespmem:s16+$0x0];
	p0 =	slt.u32 s15, $0x7C0  }
.Ltmp1:
0x4d: {  	_ = 	snop;
	(pc) =	sbr.rel @p0 .LBB2_4-.Ltmp1, $2  }
0x4e: {  	_ =	sdelay $0x2  }
0x4f: {  	s16 =	sadd.s32 $0x10, s16;
	s17 =	sadd.s32 $0x10, s17;
	[tilespmem:v0+s9+$0x0] =	vst.idx.add.f32.msk $0xffff, v1  }
0x50: {  	s13 =	sadd.s32 $0x1, s13  }
0x51: {  	p0 =	sne.s32 s13, $0x5  }
.Ltmp2:
0x52: {  	_ = 	snop;
	(pc) =	sbr.rel @p0 .LBB2_2-.Ltmp2, $1  }
0x53: {  	_ =	sdelay $0x3  }
0x54: {  	s12 =	sadd.s32 $0x1, s12  }
0x55: {  	p0 =	sne.s32 s12, s8  }
.Ltmp3:
0x56: {  	_ = 	snop;
	(pc) =	sbr.rel @p0 .LBB2_1-.Ltmp3, $4  }
0x57: {  	[hbm4b:s7+s3] =	stream.linear.scatter [tilespmem:s9], [sflag:$0x1], $0x2710, $0x38;
	[tilespmem:$0x3780] =	vst v63  }
0x58: {  	_ =	swait.ge [sflag:s10], $0x2710  }
0x59: {  	[sflag:s10] =	ssyncset.done $0x0  }
0x5a: {  	[sflag:s10] =	ssyncadd.s32 $0xFFFFD8F0  }
0x5b: {  	_ =	sfence.sel $0x180000  }
0x5c: {  	[bflag:$0x0] =	sbarrier.arrive $0xFFFF  }
0x5d: {  	p0 =	sne.s32 s0, $0x0;
	_ =	strace $0x90000047  }
0x5e: {  	s0 =	sadd.s32 @!p0 $0x100000, s1;
	[bflag:$0x2] =	sbarrier.arrive $0xFFFF  }
0x5f: {  	[sflag:s0] =	ssyncadd.tile.s32 @!p0 $0x1;
	_ =	shalt  }
.Lfunc_end2:
_tile_overlayer_lowered:
.L_overlay_start_2:
0x60: {  	(tag) =	ssettag $0x2  }
0x61: {  	s0 =	rddreg [dreg:$0x0];
	s2 =	stileid.u32  }
0x62: {  	s1 =	rddreg [dreg:$0x1];
	p0 =	sne.s32 s2, $0x0  }
0x63: {  	s3 =	rddreg [dreg:$0x2];
	[bflag:$0x3] =	sbarrier.arrive $0xFFFF;
	s2 =	simm.s32 @!p0 $0x1C01  }
0x64: {  	[timem:s3], [sflag:s2] =	dma.local @!p0 [hbm:s0], s1  }
0x65: {  	s0 =	simm.s32 @!p0 $0x1  }
0x66: {  	_ =	swait.ge @!p0 [sflag:s0], s1  }
0x67: {  	s1 =	ssub.s32 @!p0 $0x0, s1;
	[sflag:s0] =	ssyncset.done @!p0 $0x0  }
0x68: {  	[sflag:s0] =	ssyncadd.s32 @!p0 s1  }
0x69: {  	[bflag:$0x3] =	sbarrier.arrive $0xFFFF  }
0x6a: {  	_ =	shalt  }

// kernel: kernel.15.cloned.1.call-start
scs
__scs_entry_jumppad:
0x0: {  	(pc) =	sbr.rel $0x88, $3  }
0x1: {  	(tag) =	ssettag $0x0;
	lr =	simm.s32 $0x1  }
0x2: {  	[smem:$0x3F95] =	sst lr;
	_ =	strace $0xD0000000  }
0x3: {  	_ = 	snop  }
0x4: {  	_ = 	snop  }
0x5: {  	_ = 	snop  }
0x6: {  	_ = 	snop  }
0x7: {  	_ = 	snop  }
__scs_overlays_trampoline_lowered:
0x8: {  	[smem:$0x3FA4] =	sst s0  }
0x9: {  	[smem:$0x3FA5] =	sst s1  }
0xa: {  	[smem:$0x3FA6] =	sst s2  }
0xb: {  	[smem:$0x3FA7] =	sst s3  }
0xc: {  	[smem:$0x3FA8] =	sst s4  }
0xd: {  	[smem:$0x3FA9] =	sst s5  }
0xe: {  	[smem:$0x3FAA] =	sst s6  }
0xf: {  	[smem:$0x3FAB] =	sst s7  }
0x10: {  	[smem:$0x3FAC] =	sst s8  }
0x11: {  	[smem:$0x3FAD] =	sst s9;
	s0 =	simm.s32 @!p0 $0x0  }
0x12: {  	s1 =	sld [smem:$0x3F93];
	s0 =	simm.s32 @p0 $0x1  }
0x13: {  	[smem:$0x3FAE] =	sst s0;
	s0 =	simm.s32 @!p1 $0x0  }
0x14: {  	s2 =	sld [smem:$0x3F92];
	s0 =	simm.s32 @p1 $0x1  }
0x15: {  	[smem:$0x3FAF] =	sst s0;
	s0 =	simm.s32 @!p2 $0x0  }
0x16: {  	s3 =	sld [smem:$0x3FDB];
	s0 =	simm.s32 @p2 $0x1  }
0x17: {  	s4 =	simm.s32 $0x1BF5;
	[smem:$0x3FB1] =	sst s0  }
0x18: {  	s0 =	sld [smem:$0x3F94];
	_ =	swait.ge [sflag:s4], $0x0  }
0x19: {  	s7 =	sld [smem:$0x3F95]  }
0x1a: {  	s8 =	sadd.s32 $0xFFFFE003, lr  }
0x1b: {  	s9 =	sadd.s32 $0xFFFFFEF7, lr;
	s5 =	simm.s32 $0xFFFFFFFF;
	p2 =	slt.u32 s8, $0xFFFFF086  }
0x1c: {  	p1 =	slt.u32 s9, $0xF7A;
	s5 =	simm.s32 @!p2 $0x0  }
0x1d: {  	s5 =	simm.s32 @p1 $0x1;
	p0 =	seq.s32 s7, s2  }
0x1e: {  	s7 =	smul.u32 @!p0 $0xF7A, s2;
	p2 =	seq.s32 @!p0 s5, $0x0  }
0x1f: {  	s9 =	smul.u32 $0xF7A, s1;
	s8 =	simm.s32 @!p0 $0x1BF5;
	p2 =	por !p2, p0  }
0x20: {  	[sflag:s8] =	ssyncset.s32 @!p0 $0xFFFFF086;
	s6 =	sadd.s32 @!p0 s3, s7;
	s7 =	simm.s32 @!p0 $0x108  }
0x21: {  	s3 =	sadd.s32 s3, s9;
	s6 =	sadd.s32 @!p0 $0x88, s6;
	s7 =	simm.s32 @p2 $0x1082  }
0x22: {  	[simem:s7], [sflag:s8] =	dma.local @!p0 [hbm:s6], $0xF7A  }
0x23: {  	s9 =	sor.u32 $0xD0000000, s2;
	s6 =	simm.s32 $0x108;
	_ =	swait.ge @!p0 [sflag:s8], $0x0  }
0x24: {  	s3 =	sadd.s32 $0x88, s3;
	s6 =	simm.s32 @!p1 $0x1082;
	[sflag:s4] =	ssyncset.s32 $0xFFFFF086  }
0x25: {  	[simem:s6], [sflag:s4] =	dma.local [hbm:s3], $0xF7A  }
0x26: {  	[smem:$0x3F95] =	sst s1;
	(tag) =	ssettag s2;
	_ =	strace s9  }
0x27: {  	s1 =	sld [smem:$0x3FA5]  }
0x28: {  	s2 =	sld [smem:$0x3FA6]  }
0x29: {  	s4 =	sld [smem:$0x3FA8]  }
0x2a: {  	p0 =	seq.s32 s5, $0x0;
	s5 =	sld [smem:$0x3FA9]  }
0x2b: {  	s6 =	sld [smem:$0x3FAA]  }
0x2c: {  	s7 =	sld [smem:$0x3FAB]  }
0x2d: {  	s3 =	simm.s32 $0x108;
	s8 =	sld [smem:$0x3FAC]  }
0x2e: {  	s3 =	simm.s32 @!p0 $0x1082;
	s9 =	sld [smem:$0x3FAD]  }
0x2f: {  	lr =	sadd.s32 s0, s3;
	s0 =	sld [smem:$0x3FA4]  }
0x30: {  	s3 =	sld [smem:$0x3FA7]  }
0x31: {  	[smem:$0x3FB0] =	sst s10  }
0x32: {  	s10 =	sld [smem:$0x3FAE];
	_ =	sdelay $0x3  }
0x33: {  	p0 =	seq.s32 s10, $0x1;
	s10 =	sld [smem:$0x3FB0];
	_ =	sdelay $0x3  }
0x34: {  	[smem:$0x3FB0] =	sst s10  }
0x35: {  	s10 =	sld [smem:$0x3FAF];
	_ =	sdelay $0x3  }
0x36: {  	p1 =	seq.s32 s10, $0x1;
	s10 =	sld [smem:$0x3FB0];
	_ =	sdelay $0x3  }
0x37: {  	[smem:$0x3FB0] =	sst s10  }
0x38: {  	s10 =	sld [smem:$0x3FB1]  }
0x39: {  	_ = 	snop;
	(pc) =	sbr.ind lr, $3  }
0x3a: {  	_ = 	snop  }
0x3b: {  	_ = 	snop  }
0x3c: {  	p2 =	seq.s32 s10, $0x1;
	s10 =	sld [smem:$0x3FB0]  }
0x3d: {  	_ =	shalt  }
0x3e: {  	_ =	shalt  }
0x3f: {  	_ =	shalt  }
0x40: {  	_ =	shalt  }
0x41: {  	_ =	shalt  }
0x42: {  	_ =	shalt  }
0x43: {  	_ =	shalt  }
0x44: {  	_ =	shalt  }
0x45: {  	_ =	shalt  }
0x46: {  	_ =	shalt  }
0x47: {  	_ =	shalt  }
0x48: {  	_ =	shalt  }
0x49: {  	_ =	shalt  }
0x4a: {  	_ =	shalt  }
0x4b: {  	_ =	shalt  }
0x4c: {  	_ =	shalt  }
0x4d: {  	_ =	shalt  }
0x4e: {  	_ =	shalt  }
0x4f: {  	_ =	shalt  }
0x50: {  	_ =	shalt  }
0x51: {  	_ =	shalt  }
0x52: {  	_ =	shalt  }
0x53: {  	_ =	shalt  }
0x54: {  	_ =	shalt  }
0x55: {  	_ =	shalt  }
0x56: {  	_ =	shalt  }
0x57: {  	_ =	shalt  }
0x58: {  	_ =	shalt  }
0x59: {  	_ =	shalt  }
0x5a: {  	_ =	shalt  }
0x5b: {  	_ =	shalt  }
0x5c: {  	_ =	shalt  }
0x5d: {  	_ =	shalt  }
0x5e: {  	_ =	shalt  }
0x5f: {  	_ =	shalt  }
0x60: {  	_ =	shalt  }
0x61: {  	_ =	shalt  }
0x62: {  	_ =	shalt  }
0x63: {  	_ =	shalt  }
0x64: {  	_ =	shalt  }
0x65: {  	_ =	shalt  }
0x66: {  	_ =	shalt  }
0x67: {  	_ =	shalt  }
0x68: {  	_ =	shalt  }
0x69: {  	_ =	shalt  }
0x6a: {  	_ =	shalt  }
0x6b: {  	_ =	shalt  }
0x6c: {  	_ =	shalt  }
0x6d: {  	_ =	shalt  }
0x6e: {  	_ =	shalt  }
0x6f: {  	_ =	shalt  }
0x70: {  	_ =	shalt  }
0x71: {  	_ =	shalt  }
0x72: {  	_ =	shalt  }
0x73: {  	_ =	shalt  }
0x74: {  	_ =	shalt  }
0x75: {  	_ =	shalt  }
0x76: {  	_ =	shalt  }
0x77: {  	_ =	shalt  }
0x78: {  	_ =	shalt  }
0x79: {  	_ =	shalt  }
0x7a: {  	_ =	shalt  }
0x7b: {  	_ =	shalt  }
0x7c: {  	_ =	shalt  }
0x7d: {  	_ =	shalt  }
0x7e: {  	_ =	shalt  }
0x7f: {  	_ =	shalt  }
0x80: {  	_ =	shalt  }
0x81: {  	_ =	shalt  }
0x82: {  	_ =	shalt  }
0x83: {  	_ =	shalt  }
0x84: {  	_ =	shalt  }
0x85: {  	_ =	shalt  }
0x86: {  	_ =	shalt  }
0x87: {  	_ =	shalt  }
.Lfunc_end0:
.L_simem_size_0:
called_computation.1_lowered:
.L_overlay_start_0:
0x88: {  	s2 =	sld [smem:$0x3FD9]  }
0x89: {  	s3 =	sld [smem:$0x3FFE];
	_ =	sdelay $0x1  }
0x8a: {  	s1 =	srdreg.scid  }
0x8b: {  	s0 =	sand.u32 $0x1, s1  }
0x8c: {  	s17 =	sshll.u32 s0, $0xA;
	s2 =	sadd.s32 s3, s2  }
0x8d: {  	s2 =	sadd.s32 s2, s17  }
0x8e: {  	[smem:$0x3FBC] =	sst s2  }
0x8f: {  	_ = 	snop  }
0x90: {  	s2 =	sld [smem:$0x3FC7];
	(tm) =	ssettm $0x1  }
0x91: {  	s18 =	sld [smem:$0x3FFB];
	_ =	sdelay $0x3  }
0x92: {  	_ =	strace s18  }
0x93: {  	s3 =	sld [smem:$0x3FFC];
	_ =	sdelay $0x3  }
0x94: {  	_ =	strace s3  }
0x95: {  	s3 =	sld [smem:$0x3FFD];
	_ =	sdelay $0x3  }
0x96: {  	_ =	strace s3  }
0x97: {  	_ =	strace $0x8FFFFFFF  }
0x98: {  	s19 =	sld [smem:$0x3FDB];
	_ =	sdelay $0x1  }
0x99: {  	s4 =	simm.s32 $_scs_section_size  }
0x9a: {  	s5 =	simm.s32 $_size__tile_overlayer_lowered;
	s6 =	simm.s32 $_tile_overlayer_lowered  }
0x9b: {  	s22 =	simm.s32 $0x1BFF;
	s21 =	sshll.u32 s6, $0x1;
	s3 =	sadd.s32 s4, s19  }
0x9c: {  	s7 =	simm.s32 $0x0;
	s20 =	sshll.u32 s5, $0x1;
	s5 =	sadd.s32 s21, s3  }
0x9d: {  	[timem:s7], [sflag:s22] =	dma.local [hbm:s5], s20  }
0x9e: {  	_ =	swait.ge [sflag:s22], s20  }
0x9f: {  	s4 =	ssub.s32 $0x0, s20;
	[sflag:s22] =	ssyncset.done $0x0  }
0xa0: {  	[sflag:s22] =	ssyncadd.s32 s4;
	_ =	sdelay $0x1  }
0xa1: {  	s23 =	simm.s32 $0x1B8B  }
0xa2: {  	_ =	swait.ge [sflag:s23], $0x1  }
0xa3: {  	[sflag:s23] =	ssyncset.done $0x0  }
0xa4: {  	s25 =	simm.s32 $0x1B8E;
	s24 =	sld [smem:$0x3FFE];
	[sflag:s23] =	ssyncadd.s32 $0xFFFFFFFF  }
0xa5: {  	s26 =	simm.s32 $execute0_lowered;
	[smem:$0x3FD2] =	sst s25  }
0xa6: {  	s5 =	sshll.u32 s26, $0x1;
	_ =	strace $0x80000049;
	[dreg:$0x1] =	wrdreg $0xFFFFFFFF  }
0xa7: {  	s28 =	simm.s32 $_size_execute0_lowered;
	s3 =	sadd.s32 s3, s5;
	[dreg:$0x0] =	wrdreg $0x0  }
0xa8: {  	s5 =	sshll.u32 s28, $0x1;
	[dreg:$0x2] =	wrdreg s3  }
0xa9: {  	[dreg:$0x3] =	wrdreg s5  }
0xaa: {  	[dreg:$0x4] =	wrdreg $0xC0  }
0xab: {  	_ =	task [dreg:s7], $0x5FFFF  }
0xac: {  	[dreg:$0x1] =	wrdreg $0xFFFFFFFF  }
0xad: {  	[dreg:$0x0] =	wrdreg $0x60  }
0xae: {  	[dreg:$0x2] =	wrdreg s24  }
0xaf: {  	[dreg:$0x3] =	wrdreg s2  }
0xb0: {  	[dreg:$0x4] =	wrdreg $0x9  }
0xb1: {  	_ =	task.clear_ibuf [dreg:s7], $0x5FFFF;
	_ =	strace $0x90000049  }
0xb2: {  	s29 =	simm.s32 $0x9;
	_ =	strace $0x8000004B  }
0xb3: {  	_ =	swait.ge [sflag:s29], $0x1  }
0xb4: {  	[sflag:s29] =	ssyncadd.s32 $0xFFFFFFFF  }
0xb5: {  	_ =	strace $0x9000004B  }
0xb6: {  	_ =	sfence  }
0xb7: {  	s30 =	sld [smem:$0x0];
	_ =	sdelay $0x2  }
0xb8: {  	s31 =	sshll.u32 s1, $0xD;
	s1 =	sshrl.u32 s1, $0x2  }
0xb9: {  	s3 =	sand.u32 $0x4000, s31;
	s1 =	sadd.s32 s1, s30  }
0xba: {  	s0 =	sor.u32 s3, s0;
	s1 =	sshll.u32 s1, $0x11  }
0xbb: {  	s0 =	sor.u32 s1, s0  }
0xbc: {  	s0 =	sadd.s32 $0x8F2B, s0  }
0xbd: {  	[sflag:s0] =	ssyncadd.remote.s32 $0x1  }
0xbe: {  	_ =	sfence.sel $0xFFFF  }
0xbf: {  	[dreg:$0x0] =	wrdreg $0xFFFFFFFF;
	(pc) =	sbr.abs _section_cstart, $3  }
0xc0: {  	[dreg:$0x1] =	wrdreg $0xFFFFFFFF  }
0xc1: {  	_ =	task.clear_ibuf [dreg:s7], $0x2FFFF;
	_ =	strace $0x9FFFFFFF  }
0xc2: {  	(tm) =	ssettm $0x7FFFFFFF  }
0xc3: {  	_ =	shalt  }
tec
execute0_lowered:
.L_overlay_start_1:
0x0: {  	(tag) =	ssettag $0x1  }
0x1: {  	s0 =	rddreg [dreg:$0x0]  }
0x2: {  	s1 =	rddreg [dreg:$0x1];
	s2 =	simm.s32 $0x0  }
0x3: {  	s3 =	srdreg.scid;
	s13 =	simm.s32 $0x2F80;
	s14 =	simm.s32 $0x3780  }
0x4: {  	s15 =	simm.s32 $0x3F80;
	s16 =	simm.s32 $0x4780;
	s17 =	simm.s32 $0x0  }
0x5: {  	[smem:$0x7FF] =	sst s2;
	s4 =	sadd.s32 $0xCC00, s0;
	s5 =	sadd.s32 $0x2E00, s0  }
0x6: {  	s9 =	sand.u32 $0x1, s3;
	s6 =	sadd.s32 $0x17E00, s0;
	s3 =	stileid.u32  }
0x7: {  	s7 =	sadd.s32 $0x18400, s0;
	s8 =	sadd.s32 $0x22200, s0;
	s10 =	ssub.s32 $0x2, s9  }
0x8: {  	_ =	strace $0x8000004A;
	s12 =	sshll.u32 s3, $0x1;
	s11 =	sshrl.u32 s10, $0x1  }
0x9: {  	s9 =	sor.u32 s9, s12;
	s12 =	simm.s32 $0x2780;
	s31 =	ssub.s32 s10, s11  }
0xa: {  	s9 =	smul.u32 $0x2710, s9;
	s11 =	simm.s32 $0x1;
	s10 =	smax.u32 s31, $0x1  }
.LBB2_1:
0xb: {  	[tilespmem:s2], [sflag:$0x1] =	stream.linear.gather [hbm4b:s6+s2], $0x2780, $0x38;
	[tilespmem:$0x4F80] =	vst v63  }
0xc: {  	_ =	swait.ge [sflag:s11], $0x2780  }
0xd: {  	[sflag:s11] =	ssyncset.done $0x0  }
0xe: {  	s18 =	simm.s32 $0x0;
	[sflag:s11] =	ssyncadd.s32 $0xFFFFD880  }
.LBB2_2:
0xf: {  	s0 =	smul.u32 $0x7D0, s18;
	_ =	sdelay $0x1  }
0x10: {  	s0 =	sadd.s32 s9, s0  }
0x11: {  	s19 =	sshrl.u32 s0, $0x3  }
0x12: {  	s0 =	sadd.s32 s4, s19  }
0x13: {  	[tilespmem:s12], [sflag:$0x1] =	stream.linear.gather [hbm4b:s0+s2], $0x7D0, $0x38;
	[tilespmem:$0x4F80] =	vst v63  }
0x14: {  	_ =	swait.ge [sflag:s11], $0x7D0  }
0x15: {  	[sflag:s11] =	ssyncset.done $0x0  }
0x16: {  	s24 =	sadd.s32 s5, s19;
	[sflag:s11] =	ssyncadd.s32 $0xFFFFF830  }
0x17: {  	[tilespmem:s13], [sflag:$0x1] =	stream.linear.gather [hbm4b:s24+s2], $0x7D0, $0x38;
	[tilespmem:$0x4F80] =	vst v63  }
0x18: {  	_ =	swait.ge [sflag:s11], $0x7D0  }
0x19: {  	[sflag:s11] =	ssyncset.done $0x0  }
0x1a: {  	s25 =	sadd.s32 s1, s19;
	[sflag:s11] =	ssyncadd.s32 $0xFFFFF830  }
0x1b: {  	[tilespmem:s14], [sflag:$0x1] =	stream.linear.gather [hbm4b:s25+s2], $0x7D0, $0x38;
	[tilespmem:$0x4F80] =	vst v63  }
0x1c: {  	_ =	swait.ge [sflag:s11], $0x7D0  }
0x1d: {  	[sflag:s11] =	ssyncset.done $0x0  }
0x1e: {  	s26 =	simm.s32 $0x27C0;
	[sflag:s11] =	ssyncadd.s32 $0xFFFFF830  }
0x1f: {  	v0 =	vld [tilespmem:s26+$0x30]  }
0x20: {  	s20 =	simm.s32 $0x2FC0;
	v1 =	vld [tilespmem:s26+$0xFFFFFFD0]  }
0x21: {  	v2 =	vld [tilespmem:s20+$0x30]  }
0x22: {  	v4 =	vld [tilespmem:s26+$0xFFFFFFE0]  }
0x23: {  	v6 =	vld [tilespmem:s26+$0xFFFFFFF0]  }
0x24: {  	v7 =	vld [tilespmem:s26+$0x0]  }
0x25: {  	v10 =	vld [tilespmem:s26+$0x10]  }
0x26: {  	s21 =	simm.s32 $0x37C0;
	v12 =	vld [tilespmem:s26+$0x20]  }
0x27: {  	v5 =	vld [tilespmem:s21+$0x30]  }
0x28: {  	v9 =	vld [tilespmem:s26+$0xFFFFFFC0]  }
0x29: {  	v11 =	vld [tilespmem:s20+$0xFFFFFFC0]  }
0x2a: {  	v13 =	vld [tilespmem:s20+$0xFFFFFFD0]  }
0x2b: {  	v14 =	vld [tilespmem:s20+$0xFFFFFFE0]  }
0x2c: {  	v15 =	vld [tilespmem:s20+$0xFFFFFFF0]  }
0x2d: {  	v16 =	vld [tilespmem:s20+$0x0]  }
0x2e: {  	v17 =	vld [tilespmem:s20+$0x10]  }
0x2f: {  	v18 =	vld [tilespmem:s20+$0x20]  }
0x30: {  	v26 =	vld [tilespmem:s21+$0xFFFFFFC0]  }
0x31: {  	v27 =	vld [tilespmem:s21+$0xFFFFFFD0]  }
0x32: {  	v28 =	vld [tilespmem:s21+$0xFFFFFFE0]  }
0x33: {  	v29 =	vld [tilespmem:s21+$0xFFFFFFF0]  }
0x34: {  	v30 =	vld [tilespmem:s21+$0x0]  }
0x35: {  	v32 =	vld [tilespmem:s21+$0x10]  }
0x36: {  	v33 =	vld [tilespmem:s21+$0x20]  }
0x37: {  	v3 =	vld.idx.msk [tilespmem:v0+s2+$0x0], $0xffff  }
0x38: {  	v8 =	vld.idx.msk [tilespmem:v2+s2+$0x0], $0xffff  }
0x39: {  	v19 =	vld.idx.msk [tilespmem:v9+s2+$0x0], $0xffff  }
0x3a: {  	v20 =	vld.idx.msk [tilespmem:v1+s2+$0x0], $0xffff  }
0x3b: {  	v21 =	vld.idx.msk [tilespmem:v4+s2+$0x0], $0xffff  }
0x3c: {  	v22 =	vld.idx.msk [tilespmem:v6+s2+$0x0], $0xffff  }
0x3d: {  	v23 =	vld.idx.msk [tilespmem:v7+s2+$0x0], $0xffff  }
0x3e: {  	v24 =	vld.idx.msk [tilespmem:v10+s2+$0x0], $0xffff;
	v2 =	vshll.u32 v2, $0x10;
	v3 =	vmul.f32 v3, v5  }
0x3f: {  	v35 =	vld.idx.msk [tilespmem:v11+s2+$0x0], $0xffff;
	v34 =	vor.u32 v0, v2;
	v0 =	vshll.u32 v14, $0x10  }
0x40: {  	v25 =	vld.idx.msk [tilespmem:v12+s2+$0x0], $0xffff;
	v31 =	vmul.f32 v8, v3;
	v3 =	vshll.u32 v11, $0x10;
	v8 =	vshll.u32 v13, $0x10  }
0x41: {  	v5 =	vor.u32 v9, v3;
	v3 =	vor.u32 v1, v8;
	v9 =	vshll.u32 v16, $0x10;
	v8 =	vld.idx.msk [tilespmem:v13+s2+$0x0], $0xffff  }
0x42: {  	v4 =	vor.u32 v4, v0;
	v19 =	vmul.f32 v19, v26;
	v0 =	vor.u32 v7, v9;
	v9 =	vld.idx.msk [tilespmem:v14+s2+$0x0], $0xffff  }
0x43: {  	v11 =	vmul.f32 v24, v32;
	v7 =	vld.idx.msk [tilespmem:v15+s2+$0x0], $0xffff  }
0x44: {  	s29 =	simm.s32 $0x3FC0;
	v19 =	vmul.f32 v35, v19;
	v1 =	vshll.u32 v15, $0x10;
	v13 =	vmul.f32 v20, v27;
	v15 =	vld.idx.msk [tilespmem:v16+s2+$0x0], $0xffff  }
0x45: {  	s30 =	simm.s32 $0x47C0;
	s31 =	simm.s32 $0x0;
	s22 =	simm.s32 $0x2F00;
	v2 =	vor.u32 v6, v1;
	v1 =	vshll.u32 v17, $0x10;
	v14 =	vmul.f32 v21, v28;
	v17 =	vld.idx.msk [tilespmem:v17+s2+$0x0], $0xffff  }
0x46: {  	s23 =	simm.s32 $0x3F00;
	s28 =	simm.s32 $0x4700;
	s0 =	simm.s32 $0x2840;
	[tilespmem:s29+$0x30] =	vst v31;
	v6 =	vshll.u32 v18, $0x10;
	v16 =	vmul.f32 v23, v30;
	v18 =	vld.idx.msk [tilespmem:v18+s2+$0x0], $0xffff;
	v1 =	vor.u32 v10, v1  }
0x47: {  	s24 =	simm.s32 $0x3700;
	s25 =	simm.s32 $0x770;
	s26 =	simm.s32 $0x4F00;
	v10 =	vmul.f32 v22, v29;
	[tilespmem:s30+$0x30] =	vst v34;
	v6 =	vor.u32 v12, v6;
	v12 =	vmul.f32 v25, v33  }
.LBB2_3:
0x48: {  	v20 =	vld [tilespmem:s0+$0x30];
	v8 =	vmul.f32 v8, v13  }
0x49: {  	s31 =	sadd.s32 $0x80, s31;
	v9 =	vmul.f32 v9, v14;
	s20 =	sadd.s32 $0x80, s20;
	v13 =	vld [tilespmem:s0+$0xFFFFFFD0];
	[tilespmem:s29+$0xFFFFFFC0] =	vst v19  }
0x4a: {  	p0 =	slt.u32 s31, $0x700;
	v14 =	vld [tilespmem:s20+$0x30];
	[tilespmem:s30+$0xFFFFFFC0] =	vst v5;
	v5 =	vmul.f32 v7, v10  }
0x4b: {  	v7 =	vld [tilespmem:s0+$0xFFFFFFE0];
	[tilespmem:s29+$0xFFFFFFD0] =	vst v8;
	v8 =	vmul.f32 v15, v16  }
0x4c: {  	v10 =	vld [tilespmem:s0+$0xFFFFFFF0];
	[tilespmem:s30+$0xFFFFFFD0] =	vst v3;
	v3 =	vmul.f32 v17, v11  }
0x4d: {  	v11 =	vld [tilespmem:s0+$0x0];
	[tilespmem:s29+$0xFFFFFFE0] =	vst v9;
	v9 =	vmul.f32 v18, v12  }
0x4e: {  	v12 =	vld [tilespmem:s0+$0x10];
	[tilespmem:s30+$0xFFFFFFE0] =	vst v4  }
0x4f: {  	v15 =	vld [tilespmem:s0+$0x20];
	[tilespmem:s29+$0xFFFFFFF0] =	vst v5  }
0x50: {  	s21 =	sadd.s32 $0x80, s21;
	v4 =	vld.idx.msk [tilespmem:v20+s2+$0x0], $0xffff;
	[tilespmem:s30+$0xFFFFFFF0] =	vst v2  }
0x51: {  	v2 =	vld [tilespmem:s21+$0x30];
	[tilespmem:s29+$0x0] =	vst v8  }
0x52: {  	v5 =	vld.idx.msk [tilespmem:v14+s2+$0x0], $0xffff;
	[tilespmem:s30+$0x0] =	vst v0  }
0x53: {  	v0 =	vld [tilespmem:s0+$0xFFFFFFC0];
	[tilespmem:s29+$0x10] =	vst v3  }
0x54: {  	v8 =	vld [tilespmem:s20+$0xFFFFFFC0];
	[tilespmem:s30+$0x10] =	vst v1  }
0x55: {  	v16 =	vld [tilespmem:s20+$0xFFFFFFD0];
	[tilespmem:s29+$0x20] =	vst v9  }
0x56: {  	v9 =	vld [tilespmem:s20+$0xFFFFFFE0];
	v1 =	vmul.f32 v4, v2;
	[tilespmem:s30+$0x20] =	vst v6  }
0x57: {  	v17 =	vld [tilespmem:s20+$0xFFFFFFF0]  }
0x58: {  	v18 =	vld [tilespmem:s20+$0x0];
	v1 =	vmul.f32 v5, v1  }
0x59: {  	v3 =	vshll.u32 v14, $0x10;
	s29 =	sadd.s32 $0x80, s29;
	v2 =	vshll.u32 v8, $0x10;
	v19 =	vld [tilespmem:s20+$0x10]  }
0x5a: {  	s30 =	sadd.s32 $0x80, s30;
	v5 =	vor.u32 v0, v2;
	v2 =	vshll.u32 v16, $0x10;
	v21 =	vld [tilespmem:s20+$0x20];
	[tilespmem:s29+$0x30] =	vst v1;
	v1 =	vor.u32 v20, v3  }
0x5b: {  	v14 =	vld.idx.msk [tilespmem:v0+s2+$0x0], $0xffff;
	v3 =	vor.u32 v13, v2;
	v0 =	vshll.u32 v9, $0x10;
	[tilespmem:s30+$0x30] =	vst v1  }
0x5c: {  	v13 =	vld.idx.msk [tilespmem:v13+s2+$0x0], $0xffff;
	v4 =	vor.u32 v7, v0;
	v0 =	vshll.u32 v17, $0x10  }
0x5d: {  	v7 =	vld.idx.msk [tilespmem:v7+s2+$0x0], $0xffff;
	v2 =	vor.u32 v10, v0;
	v0 =	vshll.u32 v18, $0x10  }
0x5e: {  	v10 =	vld.idx.msk [tilespmem:v10+s2+$0x0], $0xffff;
	v0 =	vor.u32 v11, v0;
	v1 =	vshll.u32 v19, $0x10  }
0x5f: {  	v11 =	vld.idx.msk [tilespmem:v11+s2+$0x0], $0xffff;
	v1 =	vor.u32 v12, v1;
	v6 =	vshll.u32 v21, $0x10  }
0x60: {  	v12 =	vld.idx.msk [tilespmem:v12+s2+$0x0], $0xffff;
	v6 =	vor.u32 v15, v6  }
0x61: {  	v20 =	vld.idx.msk [tilespmem:v15+s2+$0x0], $0xffff  }
0x62: {  	v15 =	vld [tilespmem:s21+$0xFFFFFFC0]  }
0x63: {  	v22 =	vld [tilespmem:s21+$0xFFFFFFD0]  }
0x64: {  	v23 =	vld [tilespmem:s21+$0xFFFFFFE0]  }
0x65: {  	v24 =	vld [tilespmem:s21+$0xFFFFFFF0]  }
0x66: {  	v25 =	vld [tilespmem:s21+$0x0]  }
0x67: {  	v26 =	vmul.f32 v14, v15;
	v15 =	vld [tilespmem:s21+$0x10]  }
0x68: {  	v13 =	vmul.f32 v13, v22;
	v22 =	vld [tilespmem:s21+$0x20]  }
0x69: {  	v27 =	vld.idx.msk [tilespmem:v8+s2+$0x0], $0xffff;
	v14 =	vmul.f32 v7, v23  }
0x6a: {  	v8 =	vld.idx.msk [tilespmem:v16+s2+$0x0], $0xffff;
	v10 =	vmul.f32 v10, v24  }
.Ltmp0:
0x6b: {  	v9 =	vld.idx.msk [tilespmem:v9+s2+$0x0], $0xffff;
	v16 =	vmul.f32 v11, v25;
	(pc) =	sbr.rel @p0 .LBB2_3-.Ltmp0, $4  }
0x6c: {  	v7 =	vld.idx.msk [tilespmem:v17+s2+$0x0], $0xffff;
	v11 =	vmul.f32 v12, v15  }
0x6d: {  	v15 =	vld.idx.msk [tilespmem:v18+s2+$0x0], $0xffff;
	v12 =	vmul.f32 v20, v22  }
0x6e: {  	v17 =	vld.idx.msk [tilespmem:v19+s2+$0x0], $0xffff  }
0x6f: {  	s0 =	sadd.s32 $0x80, s0;
	v19 =	vmul.f32 v27, v26;
	v18 =	vld.idx.msk [tilespmem:v21+s2+$0x0], $0xffff  }
0x70: {  	_ = 	snop  }
0x71: {  	v8 =	vmul.f32 v8, v13;
	[tilespmem:s29+$0xFFFFFFC0] =	vst v19  }
0x72: {  	v59 =	vmul.f32 v9, v14;
	[tilespmem:s30+$0xFFFFFFC0] =	vst v5  }
0x73: {  	[tilespmem:s29+$0xFFFFFFD0] =	vst v8  }
0x74: {  	[tilespmem:s29+$0xFFFFFFE0] =	vst v59  }
0x75: {  	v60 =	vmul.f32 v7, v10;
	[tilespmem:s30+$0xFFFFFFD0] =	vst v3  }
0x76: {  	[tilespmem:s30+$0xFFFFFFE0] =	vst v4  }
0x77: {  	v61 =	vmul.f32 v15, v16;
	[tilespmem:s29+$0xFFFFFFF0] =	vst v60  }
0x78: {  	[tilespmem:s30+$0xFFFFFFF0] =	vst v2  }
0x79: {  	v62 =	vmul.f32 v17, v11;
	[tilespmem:s29+$0x0] =	vst v61  }
0x7a: {  	[tilespmem:s30+$0x0] =	vst v0  }
0x7b: {  	v63 =	vmul.f32 v18, v12;
	[tilespmem:s29+$0x10] =	vst v62  }
0x7c: {  	[tilespmem:s30+$0x10] =	vst v1  }
0x7d: {  	[tilespmem:s29+$0x20] =	vst v63  }
0x7e: {  	[tilespmem:s30+$0x20] =	vst v6  }
.LBB2_5:
0x7f: {  	v0 =	vld [tilespmem:s22+$0x0];
	_ =	sdelay $0x1  }
0x80: {  	v1 =	vld [tilespmem:s24+$0x0];
	_ =	sdelay $0x4  }
0x81: {  	v2 =	vld [tilespmem:s23+$0x0]  }
0x82: {  	v3 =	vld.idx.msk [tilespmem:v0+s2+$0x0], $0xffff;
	_ =	sdelay $0x1  }
0x83: {  	v4 =	vld.idx.msk [tilespmem:v1+s2+$0x0], $0xffff;
	_ =	sdelay $0x1  }
0x84: {  	s25 =	sadd.s32 $0x10, s25  }
0x85: {  	p0 =	slt.u32 s25, $0x7C0;
	v2 =	vmul.f32 v3, v2  }
.Ltmp1:
0x86: {  	_ = 	snop;
	(pc) =	sbr.rel @p0 .LBB2_5-.Ltmp1, $4  }
0x87: {  	v2 =	vmul.f32 v4, v2  }
0x88: {  	v1 =	vshll.u32 v1, $0x10  }
0x89: {  	s23 =	sadd.s32 $0x10, s23;
	s24 =	sadd.s32 $0x10, s24;
	v0 =	vor.u32 v0, v1;
	[tilespmem:s28+$0x0] =	vst v2  }
0x8a: {  	s22 =	sadd.s32 $0x10, s22;
	s28 =	sadd.s32 $0x10, s28;
	[tilespmem:s26+$0x0] =	vst v0;
	s26 =	sadd.s32 $0x10, s26  }
0x8b: {  	s0 =	sadd.s32 s7, s19  }
0x8c: {  	[hbm4b:s0+s2] =	stream.linear.scatter [tilespmem:s15], [sflag:$0x1], $0x7D0, $0x38;
	[tilespmem:$0x4F80] =	vst v63  }
0x8d: {  	s18 =	sadd.s32 $0x1, s18;
	_ =	swait.ge [sflag:s11], $0x7D0  }
0x8e: {  	p0 =	sne.s32 s18, $0x5;
	[sflag:s11] =	ssyncset.done $0x0  }
.Ltmp2:
0x8f: {  	s31 =	sadd.s32 s8, s19;
	[sflag:s11] =	ssyncadd.s32 $0xFFFFF830;
	(pc) =	sbr.rel @p0 .LBB2_2-.Ltmp2, $4  }
0x90: {  	[hbm4b:s31+s2] =	stream.linear.scatter [tilespmem:s16], [sflag:$0x1], $0x7D0, $0x38;
	[tilespmem:$0x4F80] =	vst v63  }
0x91: {  	_ =	swait.ge [sflag:s11], $0x7D0  }
0x92: {  	[sflag:s11] =	ssyncset.done $0x0  }
0x93: {  	[sflag:s11] =	ssyncadd.s32 $0xFFFFF830  }
0x94: {  	s17 =	sadd.s32 $0x1, s17  }
0x95: {  	p0 =	sne.s32 s17, s10  }
.Ltmp3:
0x96: {  	_ = 	snop;
	(pc) =	sbr.rel @p0 .LBB2_1-.Ltmp3, $1  }
0x97: {  	_ =	sdelay $0x3  }
0x98: {  	_ =	sfence.sel $0x180000  }
0x99: {  	[bflag:$0x0] =	sbarrier.arrive $0xFFFF  }
0x9a: {  	_ =	strace $0x9000004A  }
0x9b: {  	[bflag:$0x2] =	sbarrier.arrive $0xFFFF  }
0x9c: {  	p0 =	sne.s32 s3, $0x0;
	s0 =	rddreg [dreg:$0x2]  }
0x9d: {  	s0 =	sadd.s32 @!p0 $0x100000, s0  }
0x9e: {  	[sflag:s0] =	ssyncadd.tile.s32 @!p0 $0x1;
	_ =	shalt  }
.Lfunc_end2:
_tile_overlayer_lowered:
.L_overlay_start_2:
0x9f: {  	(tag) =	ssettag $0x2  }
0xa0: {  	s0 =	rddreg [dreg:$0x0];
	s2 =	stileid.u32  }
0xa1: {  	s1 =	rddreg [dreg:$0x1];
	p0 =	sne.s32 s2, $0x0  }
0xa2: {  	s3 =	rddreg [dreg:$0x2];
	[bflag:$0x3] =	sbarrier.arrive $0xFFFF;
	s2 =	simm.s32 @!p0 $0x1C01  }
0xa3: {  	[timem:s3], [sflag:s2] =	dma.local @!p0 [hbm:s0], s1  }
0xa4: {  	s0 =	simm.s32 @!p0 $0x1  }
0xa5: {  	_ =	swait.ge @!p0 [sflag:s0], s1  }
0xa6: {  	s1 =	ssub.s32 @!p0 $0x0, s1;
	[sflag:s0] =	ssyncset.done @!p0 $0x0  }
0xa7: {  	[sflag:s0] =	ssyncadd.s32 @!p0 s1  }
0xa8: {  	[bflag:$0x3] =	sbarrier.arrive $0xFFFF  }
0xa9: {  	_ =	shalt  }

// kernel: kernel.18.cloned.1.call-start
scs
__scs_entry_jumppad:
0x0: {  	(pc) =	sbr.rel $0x88, $3  }
0x1: {  	(tag) =	ssettag $0x0;
	lr =	simm.s32 $0x1  }
0x2: {  	[smem:$0x3F95] =	sst lr;
	_ =	strace $0xD0000000  }
0x3: {  	_ = 	snop  }
0x4: {  	_ = 	snop  }
0x5: {  	_ = 	snop  }
0x6: {  	_ = 	snop  }
0x7: {  	_ = 	snop  }
__scs_overlays_trampoline_lowered:
0x8: {  	[smem:$0x3FA4] =	sst s0  }
0x9: {  	[smem:$0x3FA5] =	sst s1  }
0xa: {  	[smem:$0x3FA6] =	sst s2  }
0xb: {  	[smem:$0x3FA7] =	sst s3  }
0xc: {  	[smem:$0x3FA8] =	sst s4  }
0xd: {  	[smem:$0x3FA9] =	sst s5  }
0xe: {  	[smem:$0x3FAA] =	sst s6  }
0xf: {  	[smem:$0x3FAB] =	sst s7  }
0x10: {  	[smem:$0x3FAC] =	sst s8  }
0x11: {  	[smem:$0x3FAD] =	sst s9;
	s0 =	simm.s32 @!p0 $0x0  }
0x12: {  	s1 =	sld [smem:$0x3F93];
	s0 =	simm.s32 @p0 $0x1  }
0x13: {  	[smem:$0x3FAE] =	sst s0;
	s0 =	simm.s32 @!p1 $0x0  }
0x14: {  	s2 =	sld [smem:$0x3F92];
	s0 =	simm.s32 @p1 $0x1  }
0x15: {  	[smem:$0x3FAF] =	sst s0;
	s0 =	simm.s32 @!p2 $0x0  }
0x16: {  	s3 =	sld [smem:$0x3FDB];
	s0 =	simm.s32 @p2 $0x1  }
0x17: {  	s4 =	simm.s32 $0x1BF5;
	[smem:$0x3FB1] =	sst s0  }
0x18: {  	s0 =	sld [smem:$0x3F94];
	_ =	swait.ge [sflag:s4], $0x0  }
0x19: {  	s7 =	sld [smem:$0x3F95]  }
0x1a: {  	s8 =	sadd.s32 $0xFFFFE003, lr  }
0x1b: {  	s9 =	sadd.s32 $0xFFFFFEF7, lr;
	s5 =	simm.s32 $0xFFFFFFFF;
	p2 =	slt.u32 s8, $0xFFFFF086  }
0x1c: {  	p1 =	slt.u32 s9, $0xF7A;
	s5 =	simm.s32 @!p2 $0x0  }
0x1d: {  	s5 =	simm.s32 @p1 $0x1;
	p0 =	seq.s32 s7, s2  }
0x1e: {  	s7 =	smul.u32 @!p0 $0xF7A, s2;
	p2 =	seq.s32 @!p0 s5, $0x0  }
0x1f: {  	s9 =	smul.u32 $0xF7A, s1;
	s8 =	simm.s32 @!p0 $0x1BF5;
	p2 =	por !p2, p0  }
0x20: {  	[sflag:s8] =	ssyncset.s32 @!p0 $0xFFFFF086;
	s6 =	sadd.s32 @!p0 s3, s7;
	s7 =	simm.s32 @!p0 $0x108  }
0x21: {  	s3 =	sadd.s32 s3, s9;
	s6 =	sadd.s32 @!p0 $0x88, s6;
	s7 =	simm.s32 @p2 $0x1082  }
0x22: {  	[simem:s7], [sflag:s8] =	dma.local @!p0 [hbm:s6], $0xF7A  }
0x23: {  	s9 =	sor.u32 $0xD0000000, s2;
	s6 =	simm.s32 $0x108;
	_ =	swait.ge @!p0 [sflag:s8], $0x0  }
0x24: {  	s3 =	sadd.s32 $0x88, s3;
	s6 =	simm.s32 @!p1 $0x1082;
	[sflag:s4] =	ssyncset.s32 $0xFFFFF086  }
0x25: {  	[simem:s6], [sflag:s4] =	dma.local [hbm:s3], $0xF7A  }
0x26: {  	[smem:$0x3F95] =	sst s1;
	(tag) =	ssettag s2;
	_ =	strace s9  }
0x27: {  	s1 =	sld [smem:$0x3FA5]  }
0x28: {  	s2 =	sld [smem:$0x3FA6]  }
0x29: {  	s4 =	sld [smem:$0x3FA8]  }
0x2a: {  	p0 =	seq.s32 s5, $0x0;
	s5 =	sld [smem:$0x3FA9]  }
0x2b: {  	s6 =	sld [smem:$0x3FAA]  }
0x2c: {  	s7 =	sld [smem:$0x3FAB]  }
0x2d: {  	s3 =	simm.s32 $0x108;
	s8 =	sld [smem:$0x3FAC]  }
0x2e: {  	s3 =	simm.s32 @!p0 $0x1082;
	s9 =	sld [smem:$0x3FAD]  }
0x2f: {  	lr =	sadd.s32 s0, s3;
	s0 =	sld [smem:$0x3FA4]  }
0x30: {  	s3 =	sld [smem:$0x3FA7]  }
0x31: {  	[smem:$0x3FB0] =	sst s10  }
0x32: {  	s10 =	sld [smem:$0x3FAE];
	_ =	sdelay $0x3  }
0x33: {  	p0 =	seq.s32 s10, $0x1;
	s10 =	sld [smem:$0x3FB0];
	_ =	sdelay $0x3  }
0x34: {  	[smem:$0x3FB0] =	sst s10  }
0x35: {  	s10 =	sld [smem:$0x3FAF];
	_ =	sdelay $0x3  }
0x36: {  	p1 =	seq.s32 s10, $0x1;
	s10 =	sld [smem:$0x3FB0];
	_ =	sdelay $0x3  }
0x37: {  	[smem:$0x3FB0] =	sst s10  }
0x38: {  	s10 =	sld [smem:$0x3FB1]  }
0x39: {  	_ = 	snop;
	(pc) =	sbr.ind lr, $3  }
0x3a: {  	_ = 	snop  }
0x3b: {  	_ = 	snop  }
0x3c: {  	p2 =	seq.s32 s10, $0x1;
	s10 =	sld [smem:$0x3FB0]  }
0x3d: {  	_ =	shalt  }
0x3e: {  	_ =	shalt  }
0x3f: {  	_ =	shalt  }
0x40: {  	_ =	shalt  }
0x41: {  	_ =	shalt  }
0x42: {  	_ =	shalt  }
0x43: {  	_ =	shalt  }
0x44: {  	_ =	shalt  }
0x45: {  	_ =	shalt  }
0x46: {  	_ =	shalt  }
0x47: {  	_ =	shalt  }
0x48: {  	_ =	shalt  }
0x49: {  	_ =	shalt  }
0x4a: {  	_ =	shalt  }
0x4b: {  	_ =	shalt  }
0x4c: {  	_ =	shalt  }
0x4d: {  	_ =	shalt  }
0x4e: {  	_ =	shalt  }
0x4f: {  	_ =	shalt  }
0x50: {  	_ =	shalt  }
0x51: {  	_ =	shalt  }
0x52: {  	_ =	shalt  }
0x53: {  	_ =	shalt  }
0x54: {  	_ =	shalt  }
0x55: {  	_ =	shalt  }
0x56: {  	_ =	shalt  }
0x57: {  	_ =	shalt  }
0x58: {  	_ =	shalt  }
0x59: {  	_ =	shalt  }
0x5a: {  	_ =	shalt  }
0x5b: {  	_ =	shalt  }
0x5c: {  	_ =	shalt  }
0x5d: {  	_ =	shalt  }
0x5e: {  	_ =	shalt  }
0x5f: {  	_ =	shalt  }
0x60: {  	_ =	shalt  }
0x61: {  	_ =	shalt  }
0x62: {  	_ =	shalt  }
0x63: {  	_ =	shalt  }
0x64: {  	_ =	shalt  }
0x65: {  	_ =	shalt  }
0x66: {  	_ =	shalt  }
0x67: {  	_ =	shalt  }
0x68: {  	_ =	shalt  }
0x69: {  	_ =	shalt  }
0x6a: {  	_ =	shalt  }
0x6b: {  	_ =	shalt  }
0x6c: {  	_ =	shalt  }
0x6d: {  	_ =	shalt  }
0x6e: {  	_ =	shalt  }
0x6f: {  	_ =	shalt  }
0x70: {  	_ =	shalt  }
0x71: {  	_ =	shalt  }
0x72: {  	_ =	shalt  }
0x73: {  	_ =	shalt  }
0x74: {  	_ =	shalt  }
0x75: {  	_ =	shalt  }
0x76: {  	_ =	shalt  }
0x77: {  	_ =	shalt  }
0x78: {  	_ =	shalt  }
0x79: {  	_ =	shalt  }
0x7a: {  	_ =	shalt  }
0x7b: {  	_ =	shalt  }
0x7c: {  	_ =	shalt  }
0x7d: {  	_ =	shalt  }
0x7e: {  	_ =	shalt  }
0x7f: {  	_ =	shalt  }
0x80: {  	_ =	shalt  }
0x81: {  	_ =	shalt  }
0x82: {  	_ =	shalt  }
0x83: {  	_ =	shalt  }
0x84: {  	_ =	shalt  }
0x85: {  	_ =	shalt  }
0x86: {  	_ =	shalt  }
0x87: {  	_ =	shalt  }
.Lfunc_end0:
.L_simem_size_0:
called_computation.2_lowered:
.L_overlay_start_0:
0x88: {  	s2 =	sld [smem:$0x3FD9]  }
0x89: {  	s3 =	sld [smem:$0x3FFE];
	_ =	sdelay $0x1  }
0x8a: {  	s1 =	srdreg.scid  }
0x8b: {  	s0 =	sand.u32 $0x1, s1  }
0x8c: {  	s16 =	sshll.u32 s0, $0xA;
	s2 =	sadd.s32 s3, s2  }
0x8d: {  	s2 =	sadd.s32 s2, s16  }
0x8e: {  	[smem:$0x3FBC] =	sst s2  }
0x8f: {  	_ = 	snop  }
0x90: {  	(tm) =	ssettm $0x1  }
0x91: {  	s17 =	sld [smem:$0x3FFB];
	_ =	sdelay $0x3  }
0x92: {  	_ =	strace s17  }
0x93: {  	s2 =	sld [smem:$0x3FFC];
	_ =	sdelay $0x3  }
0x94: {  	_ =	strace s2  }
0x95: {  	s2 =	sld [smem:$0x3FFD];
	_ =	sdelay $0x3  }
0x96: {  	_ =	strace s2  }
0x97: {  	_ =	strace $0x8FFFFFFF  }
0x98: {  	s18 =	sld [smem:$0x3FDB];
	_ =	sdelay $0x1  }
0x99: {  	s19 =	simm.s32 $_scs_section_size  }
0x9a: {  	s4 =	simm.s32 $_size__tile_overlayer_lowered;
	s5 =	simm.s32 $_tile_overlayer_lowered  }
0x9b: {  	s22 =	simm.s32 $0x1BFF;
	s21 =	sshll.u32 s5, $0x1;
	s2 =	sadd.s32 s19, s18  }
0x9c: {  	s6 =	simm.s32 $0x0;
	s20 =	sshll.u32 s4, $0x1;
	s4 =	sadd.s32 s21, s2  }
0x9d: {  	[timem:s6], [sflag:s22] =	dma.local [hbm:s4], s20  }
0x9e: {  	_ =	swait.ge [sflag:s22], s20  }
0x9f: {  	s3 =	ssub.s32 $0x0, s20;
	[sflag:s22] =	ssyncset.done $0x0  }
0xa0: {  	[sflag:s22] =	ssyncadd.s32 s3;
	_ =	sdelay $0x1  }
0xa1: {  	s23 =	simm.s32 $0x1B8B  }
0xa2: {  	_ =	swait.ge [sflag:s23], $0x1  }
0xa3: {  	[sflag:s23] =	ssyncset.done $0x0  }
0xa4: {  	s25 =	simm.s32 $0x1B8E;
	s24 =	sld [smem:$0x3FFE];
	[sflag:s23] =	ssyncadd.s32 $0xFFFFFFFF  }
0xa5: {  	s26 =	simm.s32 $execute0_lowered;
	[smem:$0x3FD2] =	sst s25  }
0xa6: {  	s4 =	sshll.u32 s26, $0x1;
	_ =	strace $0x8000004C;
	[dreg:$0x1] =	wrdreg $0xFFFFFFFF  }
0xa7: {  	s28 =	simm.s32 $_size_execute0_lowered;
	s2 =	sadd.s32 s2, s4;
	[dreg:$0x0] =	wrdreg $0x0  }
0xa8: {  	s4 =	sshll.u32 s28, $0x1;
	[dreg:$0x2] =	wrdreg s2  }
0xa9: {  	[dreg:$0x3] =	wrdreg s4  }
0xaa: {  	[dreg:$0x4] =	wrdreg $0xC0  }
0xab: {  	_ =	task [dreg:s6], $0x5FFFF  }
0xac: {  	[dreg:$0x1] =	wrdreg $0xFFFFFFFF  }
0xad: {  	[dreg:$0x0] =	wrdreg $0x60  }
0xae: {  	[dreg:$0x2] =	wrdreg s24  }
0xaf: {  	[dreg:$0x3] =	wrdreg $0x9  }
0xb0: {  	_ =	task.clear_ibuf [dreg:s6], $0x4FFFF;
	_ =	strace $0x9000004C  }
0xb1: {  	s29 =	simm.s32 $0x9;
	_ =	strace $0x8000004E  }
0xb2: {  	_ =	swait.ge [sflag:s29], $0x1  }
0xb3: {  	[sflag:s29] =	ssyncadd.s32 $0xFFFFFFFF  }
0xb4: {  	_ =	strace $0x9000004E  }
0xb5: {  	_ =	sfence  }
0xb6: {  	s30 =	sld [smem:$0x0];
	_ =	sdelay $0x2  }
0xb7: {  	s31 =	sshll.u32 s1, $0xD;
	s1 =	sshrl.u32 s1, $0x2  }
0xb8: {  	s3 =	sand.u32 $0x4000, s31;
	s1 =	sadd.s32 s1, s30  }
0xb9: {  	s0 =	sor.u32 s3, s0;
	s1 =	sshll.u32 s1, $0x11  }
0xba: {  	s0 =	sor.u32 s1, s0  }
0xbb: {  	s0 =	sadd.s32 $0x8F2B, s0  }
0xbc: {  	[sflag:s0] =	ssyncadd.remote.s32 $0x1  }
0xbd: {  	_ =	sfence.sel $0xFFFF  }
0xbe: {  	[dreg:$0x0] =	wrdreg $0xFFFFFFFF;
	(pc) =	sbr.abs _section_cstart, $3  }
0xbf: {  	[dreg:$0x1] =	wrdreg $0xFFFFFFFF  }
0xc0: {  	_ =	task.clear_ibuf [dreg:s6], $0x2FFFF;
	_ =	strace $0x9FFFFFFF  }
0xc1: {  	(tm) =	ssettm $0x7FFFFFFF  }
tec
execute0_lowered:
.L_overlay_start_1:
0x0: {  	(tag) =	ssettag $0x1  }
0x1: {  	s1 =	srdreg.scid  }
0x2: {  	s0 =	stileid.u32;
	s6 =	rddreg [dreg:$0x0]  }
0x3: {  	s2 =	simm.s32 $0x0;
	s13 =	simm.s32 $0x12A00;
	s14 =	simm.s32 $0x10A80  }
0x4: {  	s15 =	simm.s32 $0x14980;
	s16 =	simm.s32 $0x1;
	s17 =	simm.s32 $0x2  }
0x5: {  	s18 =	simm.s32 $0x9CA0;
	s4 =	sand.u32 $0x1, s1;
	s1 =	rddreg [dreg:$0x1]  }
0x6: {  	s19 =	simm.s32 $0x0;
	s30 =	sshll.u32 s0, $0x1;
	[smem:$0x7FF] =	sst s2  }
0x7: {  	s3 =	sadd.s32 $0x22200, s6;
	s12 =	sadd.s32 $0x3FA00, s6;
	s5 =	sor.u32 s4, s30  }
0x8: {  	_ =	strace $0x8000004D;
	s9 =	ssub.s32 $0x2, s4;
	s7 =	smul.u32 $0x9C4, s5  }
0x9: {  	s4 =	sadd.s32 $0x18400, s6;
	s10 =	smul.u32 $0x4E20, s5;
	s11 =	sshrl.u32 s9, $0x1  }
0xa: {  	s5 =	sadd.s32 $0x16A00, s6;
	s9 =	ssub.s32 s9, s11;
	s11 =	simm.s32 $0x4E80  }
0xb: {  	s8 =	sadd.s32 s7, s6;
	s10 =	sshrl.u32 s10, $0x3;
	s7 =	sadd.s32 s12, s7  }
0xc: {  	s9 =	smax.u32 s9, $0x1;
	s6 =	sadd.s32 $0x2C000, s8;
	s31 =	sadd.s32 s12, s10  }
0xd: {  	s10 =	simm.s32 $0x3;
	s12 =	simm.s32 $0xEB00;
	s8 =	sadd.s32 $0x13880, s31  }
.LBB2_1:
0xe: {  	[tilespmem:s2], [sflag:$0x3] =	stream.linear.gather [hbm4b:s6+s2], $0x4E20, $0x38;
	[tilespmem:$0x16900] =	vst v63  }
0xf: {  	_ =	swait.ge [sflag:s10], $0x4E20  }
0x10: {  	[sflag:s10] =	ssyncset.done $0x0  }
0x11: {  	[sflag:s10] =	ssyncadd.s32 $0xFFFFB1E0  }
0x12: {  	[tilespmem:s11], [sflag:$0x3] =	stream.linear.gather [hbm4b:s5+s2], $0x9C80, $0x38;
	[tilespmem:$0x16900] =	vst v63  }
0x13: {  	_ =	swait.ge [sflag:s10], $0x9C80  }
0x14: {  	[sflag:s10] =	ssyncset.done $0x0  }
0x15: {  	[sflag:s10] =	ssyncadd.s32 $0xFFFF6380  }
0x16: {  	[tilespmem:s12], [sflag:$0x1] =	stream.linear.gather [hbm4b:s3+s2], $0x1F40, $0x38;
	[tilespmem:$0x16900] =	vst v63  }
0x17: {  	s20 =	simm.s32 $0x0  }
0x18: {  	[tilespmem:s13], [sflag:$0x1] =	stream.linear.gather [hbm4b:s4+s2], $0x1F40, $0x38;
	[tilespmem:$0x16900] =	vst v63  }
.LBB2_3:
0x19: {  	s21 =	smul.u32 $0x3E80, s20;
	_ =	sdelay $0x1  }
0x1a: {  	s22 =	sshrl.u32 s21, $0x3  }
0x1b: {  	s22 =	sadd.s32 $0x3E8, s22  }
0x1c: {  	s23 =	sadd.s32 s3, s22  }
0x1d: {  	[tilespmem:s14], [sflag:$0x2] =	stream.linear.gather [hbm4b:s23+s2], $0x1F40, $0x38;
	[tilespmem:$0x16900] =	vst v63  }
0x1e: {  	s22 =	sadd.s32 s4, s22  }
0x1f: {  	[tilespmem:s15], [sflag:$0x2] =	stream.linear.gather [hbm4b:s22+s2], $0x1F40, $0x38;
	[tilespmem:$0x16900] =	vst v63  }
0x20: {  	_ =	swait.ge [sflag:s16], $0x1F40  }
0x21: {  	[sflag:s16] =	ssyncset.done $0x0  }
0x22: {  	[sflag:s16] =	ssyncadd.s32 $0xFFFFE0C0  }
0x23: {  	_ =	swait.ge [sflag:s16], $0x1F40  }
0x24: {  	[sflag:s16] =	ssyncset.done $0x0  }
0x25: {  	s31 =	simm.s32 $0xEB40;
	[sflag:s16] =	ssyncadd.s32 $0xFFFFE0C0  }
0x26: {  	v0 =	vld [tilespmem:s31+$0x30]  }
0x27: {  	v1 =	vld [tilespmem:s31+$0xFFFFFFD0]  }
0x28: {  	v2 =	vld [tilespmem:s31+$0xFFFFFFE0]  }
0x29: {  	v3 =	vld [tilespmem:s31+$0xFFFFFFF0]  }
0x2a: {  	v4 =	vld [tilespmem:s31+$0x0]  }
0x2b: {  	v6 =	vld [tilespmem:s31+$0x10];
	v5 =	vand.u32 $0xFFFF, v0  }
0x2c: {  	v8 =	vld [tilespmem:s31+$0xFFFFFFC0]  }
0x2d: {  	s22 =	simm.s32 $0x12A40;
	v9 =	vld [tilespmem:s31+$0x20]  }
0x2e: {  	v17 =	vld [tilespmem:s22+$0x30]  }
0x2f: {  	v50 =	vld [tilespmem:s22+$0xFFFFFFD0]  }
0x30: {  	v13 =	vld.idx.msk [tilespmem:v5+s2+$0x0], $0xffff  }
0x31: {  	v51 =	vld [tilespmem:s22+$0xFFFFFFE0];
	v7 =	vand.u32 $0xFFFF, v1  }
0x32: {  	v27 =	vld [tilespmem:s22+$0xFFFFFFF0];
	v16 =	vand.u32 $0xFFFF, v8  }
0x33: {  	v30 =	vld [tilespmem:s22+$0x0];
	v0 =	vshrl.u32 v0, $0x10  }
0x34: {  	v32 =	vld [tilespmem:s22+$0x10];
	v22 =	vadd.s32 $0x4E20, v0  }
0x35: {  	v34 =	vld [tilespmem:s22+$0x20];
	v24 =	vshll.u32 v13, $0x10  }
0x36: {  	v15 =	vld.idx.msk [tilespmem:v7+s2+$0x0], $0xffff;
	v5 =	vadd.s32 $0x2710, v5;
	v13 =	vand.u32 $0xFFFF0000, v13;
	v24 =	vmul.f32 v24, v17  }
0x37: {  	v10 =	vand.u32 $0xFFFF, v2;
	v25 =	vld.idx.msk [tilespmem:v16+s2+$0x0], $0xffff;
	v13 =	vmul.f32 v13, v17  }
0x38: {  	v11 =	vand.u32 $0xFFFF, v3;
	[tilespmem:v0+s11+$0x0] =	vst.idx.add.f32.msk $0xffff, v24  }
0x39: {  	v12 =	vand.u32 $0xFFFF, v4;
	[tilespmem:v22+s11+$0x0] =	vst.idx.add.f32.msk $0xffff, v13  }
0x3a: {  	v14 =	vand.u32 $0xFFFF, v6;
	v13 =	vld [tilespmem:s22+$0xFFFFFFC0]  }
0x3b: {  	v18 =	vand.u32 $0xFFFF, v9;
	v5 =	vld.idx.msk [tilespmem:v5+s2+$0x0], $0xffff  }
0x3c: {  	v8 =	vshrl.u32 v8, $0x10;
	v19 =	vld.idx.msk [tilespmem:v10+s2+$0x0], $0xffff  }
0x3d: {  	v31 =	vadd.s32 $0x4E20, v8;
	v20 =	vld.idx.msk [tilespmem:v11+s2+$0x0], $0xffff  }
0x3e: {  	v1 =	vshrl.u32 v1, $0x10;
	v28 =	vadd.s32 $0x2710, v0;
	v21 =	vld.idx.msk [tilespmem:v12+s2+$0x0], $0xffff;
	v29 =	vshll.u32 v25, $0x10  }
0x3f: {  	v23 =	vld.idx.msk [tilespmem:v14+s2+$0x0], $0xffff;
	v25 =	vand.u32 $0xFFFF0000, v25;
	v0 =	vadd.s32 $0x7530, v0;
	v29 =	vmul.f32 v29, v13  }
0x40: {  	v2 =	vshrl.u32 v2, $0x10;
	v26 =	vld.idx.msk [tilespmem:v18+s2+$0x0], $0xffff;
	v25 =	vmul.f32 v25, v13;
	v33 =	vshll.u32 v5, $0x10  }
0x41: {  	v35 =	vadd.s32 $0x4E20, v1;
	v5 =	vand.u32 $0xFFFF0000, v5;
	v33 =	vmul.f32 v33, v17;
	[tilespmem:v8+s11+$0x0] =	vst.idx.add.f32.msk $0xffff, v29  }
0x42: {  	v4 =	vshrl.u32 v4, $0x10;
	v52 =	vshll.u32 v15, $0x10;
	v5 =	vmul.f32 v5, v17;
	[tilespmem:v31+s11+$0x0] =	vst.idx.add.f32.msk $0xffff, v25  }
0x43: {  	v53 =	vadd.s32 $0x4E20, v2;
	v15 =	vand.u32 $0xFFFF0000, v15;
	v17 =	vmul.f32 v52, v50;
	[tilespmem:v28+s11+$0x0] =	vst.idx.add.f32.msk $0xffff, v33  }
0x44: {  	[tilespmem:v0+s11+$0x0] =	vst.idx.add.f32.msk $0xffff, v5;
	v0 =	vshrl.u32 v3, $0x10;
	v3 =	vshll.u32 v19, $0x10;
	v5 =	vmul.f32 v15, v50  }
0x45: {  	[tilespmem:v1+s11+$0x0] =	vst.idx.add.f32.msk $0xffff, v17;
	v19 =	vand.u32 $0xFFFF0000, v19;
	v15 =	vadd.s32 $0x4E20, v0;
	v3 =	vmul.f32 v3, v51  }
0x46: {  	v11 =	vadd.s32 $0x2710, v11;
	v54 =	vshll.u32 v20, $0x10;
	v19 =	vmul.f32 v19, v51;
	[tilespmem:v35+s11+$0x0] =	vst.idx.add.f32.msk $0xffff, v5  }
0x47: {  	v20 =	vand.u32 $0xFFFF0000, v20;
	v17 =	vmul.f32 v54, v27;
	v5 =	vadd.s32 $0x4E20, v4;
	[tilespmem:v2+s11+$0x0] =	vst.idx.add.f32.msk $0xffff, v3  }
0x48: {  	v20 =	vmul.f32 v20, v27;
	v3 =	vshrl.u32 v6, $0x10;
	v6 =	vshll.u32 v21, $0x10;
	[tilespmem:v53+s11+$0x0] =	vst.idx.add.f32.msk $0xffff, v19  }
0x49: {  	v21 =	vand.u32 $0xFFFF0000, v21;
	v6 =	vmul.f32 v6, v30;
	[tilespmem:v0+s11+$0x0] =	vst.idx.add.f32.msk $0xffff, v17  }
0x4a: {  	v56 =	vshrl.u32 v9, $0x10;
	v21 =	vmul.f32 v21, v30;
	[tilespmem:v15+s11+$0x0] =	vst.idx.add.f32.msk $0xffff, v20  }
0x4b: {  	v9 =	vshll.u32 v23, $0x10;
	v15 =	vadd.s32 $0x2710, v16;
	[tilespmem:v4+s11+$0x0] =	vst.idx.add.f32.msk $0xffff, v6  }
0x4c: {  	v58 =	vshll.u32 v26, $0x10;
	v9 =	vmul.f32 v9, v32;
	v6 =	vadd.s32 $0x4E20, v56;
	[tilespmem:v5+s11+$0x0] =	vst.idx.add.f32.msk $0xffff, v21  }
0x4d: {  	v5 =	vadd.s32 $0x2710, v7;
	v7 =	vmul.f32 v58, v34;
	v11 =	vld.idx.msk [tilespmem:v11+s2+$0x0], $0xffff  }
0x4e: {  	v55 =	vadd.s32 $0x4E20, v3;
	[tilespmem:v3+s11+$0x0] =	vst.idx.add.f32.msk $0xffff, v9;
	v9 =	vadd.s32 $0x2710, v10;
	v10 =	vand.u32 $0xFFFF0000, v26  }
0x4f: {  	v10 =	vmul.f32 v10, v34;
	[tilespmem:v56+s11+$0x0] =	vst.idx.add.f32.msk $0xffff, v7  }
0x50: {  	v14 =	vadd.s32 $0x2710, v14;
	v57 =	vand.u32 $0xFFFF0000, v23;
	v7 =	vadd.s32 $0x2710, v12;
	v12 =	vld.idx.msk [tilespmem:v15+s2+$0x0], $0xffff  }
0x51: {  	v16 =	vmul.f32 v57, v32;
	[tilespmem:v6+s11+$0x0] =	vst.idx.add.f32.msk $0xffff, v10  }
0x52: {  	v6 =	vadd.s32 $0x2710, v18;
	v5 =	vld.idx.msk [tilespmem:v5+s2+$0x0], $0xffff  }
0x53: {  	[tilespmem:v55+s11+$0x0] =	vst.idx.add.f32.msk $0xffff, v16;
	v10 =	vadd.s32 $0x2710, v8  }
0x54: {  	v59 =	vadd.s32 $0x2710, v2;
	v8 =	vadd.s32 $0x7530, v8;
	v9 =	vld.idx.msk [tilespmem:v9+s2+$0x0], $0xffff  }
0x55: {  	v61 =	vadd.s32 $0x2710, v0;
	v14 =	vld.idx.msk [tilespmem:v14+s2+$0x0], $0xffff;
	v15 =	vadd.s32 $0x2710, v1;
	v60 =	vshll.u32 v12, $0x10  }
0x56: {  	v1 =	vadd.s32 $0x7530, v1;
	v7 =	vld.idx.msk [tilespmem:v7+s2+$0x0], $0xffff;
	v12 =	vand.u32 $0xFFFF0000, v12;
	v18 =	vmul.f32 v60, v13  }
0x57: {  	v2 =	vadd.s32 $0x7530, v2;
	v6 =	vld.idx.msk [tilespmem:v6+s2+$0x0], $0xffff;
	v62 =	vshll.u32 v5, $0x10;
	v12 =	vmul.f32 v12, v13  }
0x58: {  	v13 =	vadd.s32 $0x7530, v0;
	v0 =	vand.u32 $0xFFFF0000, v5;
	v5 =	vmul.f32 v62, v50;
	[tilespmem:v10+s11+$0x0] =	vst.idx.add.f32.msk $0xffff, v18  }
0x59: {  	v63 =	vshll.u32 v9, $0x10;
	v0 =	vmul.f32 v0, v50;
	v9 =	vand.u32 $0xFFFF0000, v9;
	[tilespmem:v8+s11+$0x0] =	vst.idx.add.f32.msk $0xffff, v12  }
0x5a: {  	v10 =	vadd.s32 $0x2710, v4;
	v8 =	vadd.s32 $0x7530, v4;
	[tilespmem:v15+s11+$0x0] =	vst.idx.add.f32.msk $0xffff, v5;
	v12 =	vmul.f32 v63, v51  }
0x5b: {  	v4 =	vadd.s32 $0x2710, v3;
	v15 =	vshll.u32 v11, $0x10;
	[tilespmem:v1+s11+$0x0] =	vst.idx.add.f32.msk $0xffff, v0;
	v1 =	vmul.f32 v9, v51  }
0x5c: {  	v5 =	vadd.s32 $0x7530, v3;
	v3 =	vand.u32 $0xFFFF0000, v11;
	v9 =	vmul.f32 v15, v27;
	[tilespmem:v59+s11+$0x0] =	vst.idx.add.f32.msk $0xffff, v12  }
0x5d: {  	v11 =	vshll.u32 v7, $0x10;
	v0 =	vadd.s32 $0x2710, v56;
	v3 =	vmul.f32 v3, v27;
	[tilespmem:v2+s11+$0x0] =	vst.idx.add.f32.msk $0xffff, v1  }
0x5e: {  	v12 =	vshll.u32 v6, $0x10;
	v1 =	vand.u32 $0xFFFF0000, v7;
	v7 =	vmul.f32 v11, v30;
	[tilespmem:v61+s11+$0x0] =	vst.idx.add.f32.msk $0xffff, v9  }
0x5f: {  	v2 =	vshll.u32 v14, $0x10;
	v11 =	vand.u32 $0xFFFF0000, v14;
	v14 =	vmul.f32 v1, v30;
	[tilespmem:v13+s11+$0x0] =	vst.idx.add.f32.msk $0xffff, v3  }
0x60: {  	s26 =	simm.s32 $0x0;
	s24 =	simm.s32 $0x14900;
	v6 =	vand.u32 $0xFFFF0000, v6;
	v9 =	vmul.f32 v2, v32;
	v13 =	vmul.f32 v11, v32;
	[tilespmem:v10+s11+$0x0] =	vst.idx.add.f32.msk $0xffff, v7  }
0x61: {  	s25 =	simm.s32 $0x10A00;
	s28 =	simm.s32 $0xEBC0;
	s23 =	simm.s32 $0x1EF0;
	v1 =	vadd.s32 $0x7530, v56;
	v3 =	vmul.f32 v12, v34;
	v2 =	vmul.f32 v6, v34;
	[tilespmem:v8+s11+$0x0] =	vst.idx.add.f32.msk $0xffff, v14  }
.LBB2_4:
0x62: {  	v17 =	vld [tilespmem:s28+$0x30]  }
0x63: {  	v6 =	vld [tilespmem:s28+$0xFFFFFFD0]  }
0x64: {  	s26 =	sadd.s32 $0x80, s26;
	v7 =	vld [tilespmem:s28+$0xFFFFFFE0]  }
0x65: {  	p0 =	slt.u32 s26, $0x1E80;
	v8 =	vld [tilespmem:s28+$0xFFFFFFF0]  }
0x66: {  	v10 =	vld [tilespmem:s28+$0x0]  }
0x67: {  	v14 =	vld [tilespmem:s28+$0x10];
	v18 =	vand.u32 $0xFFFF, v17  }
0x68: {  	v19 =	vand.u32 $0xFFFF, v6;
	v11 =	vshrl.u32 v6, $0x10;
	v16 =	vld [tilespmem:s28+$0x20]  }
0x69: {  	v20 =	vld [tilespmem:s28+$0xFFFFFFC0];
	v12 =	vadd.s32 $0x4E20, v11;
	v21 =	vand.u32 $0xFFFF, v7;
	v6 =	vshrl.u32 v7, $0x10  }
0x6a: {  	v7 =	vadd.s32 $0x4E20, v6;
	v22 =	vand.u32 $0xFFFF, v8;
	v8 =	vshrl.u32 v8, $0x10;
	[tilespmem:v4+s11+$0x0] =	vst.idx.add.f32.msk $0xffff, v9  }
0x6b: {  	v9 =	vadd.s32 $0x4E20, v8;
	v4 =	vand.u32 $0xFFFF, v10;
	v10 =	vshrl.u32 v10, $0x10;
	[tilespmem:v5+s11+$0x0] =	vst.idx.add.f32.msk $0xffff, v13  }
0x6c: {  	v13 =	vadd.s32 $0x4E20, v10;
	v5 =	vand.u32 $0xFFFF, v14;
	v14 =	vshrl.u32 v14, $0x10;
	v23 =	vld.idx.msk [tilespmem:v18+s2+$0x0], $0xffff  }
0x6d: {  	s22 =	sadd.s32 $0x80, s22;
	v24 =	vld.idx.msk [tilespmem:v19+s2+$0x0], $0xffff;
	v15 =	vadd.s32 $0x4E20, v14;
	v25 =	vand.u32 $0xFFFF, v16;
	v16 =	vshrl.u32 v16, $0x10  }
0x6e: {  	v26 =	vand.u32 $0xFFFF, v20;
	v27 =	vshrl.u32 v20, $0x10;
	v28 =	vadd.s32 $0x4E20, v16;
	v29 =	vld [tilespmem:s22+$0x30]  }
0x6f: {  	v32 =	vadd.s32 $0x2710, v19;
	v30 =	vadd.s32 $0x4E20, v27;
	v31 =	vadd.s32 $0x2710, v26;
	v19 =	vld.idx.msk [tilespmem:v21+s2+$0x0], $0xffff  }
0x70: {  	v35 =	vshrl.u32 v17, $0x10;
	v33 =	vadd.s32 $0x2710, v21;
	v34 =	vadd.s32 $0x2710, v22;
	v20 =	vld.idx.msk [tilespmem:v22+s2+$0x0], $0xffff  }
0x71: {  	v36 =	vadd.s32 $0x2710, v4;
	v37 =	vadd.s32 $0x2710, v5;
	v21 =	vld.idx.msk [tilespmem:v4+s2+$0x0], $0xffff;
	v4 =	vadd.s32 $0x4E20, v35  }
0x72: {  	v38 =	vadd.s32 $0x2710, v25;
	v22 =	vadd.s32 $0x2710, v18;
	v17 =	vshll.u32 v23, $0x10;
	v5 =	vld.idx.msk [tilespmem:v5+s2+$0x0], $0xffff  }
0x73: {  	v18 =	vand.u32 $0xFFFF0000, v23;
	v39 =	vshll.u32 v24, $0x10;
	v26 =	vld.idx.msk [tilespmem:v26+s2+$0x0], $0xffff;
	v23 =	vmul.f32 v17, v29  }
0x74: {  	v24 =	vand.u32 $0xFFFF0000, v24;
	v17 =	vadd.s32 $0x2710, v27;
	v40 =	vmul.f32 v18, v29;
	v25 =	vld.idx.msk [tilespmem:v25+s2+$0x0], $0xffff  }
0x75: {  	v18 =	vadd.s32 $0x7530, v27;
	v41 =	vshll.u32 v19, $0x10;
	v42 =	vand.u32 $0xFFFF0000, v19;
	[tilespmem:v35+s11+$0x0] =	vst.idx.add.f32.msk $0xffff, v23  }
0x76: {  	v19 =	vadd.s32 $0x2710, v11;
	v23 =	vshll.u32 v20, $0x10;
	v43 =	vand.u32 $0xFFFF0000, v20;
	[tilespmem:v4+s11+$0x0] =	vst.idx.add.f32.msk $0xffff, v40  }
0x77: {  	v20 =	vadd.s32 $0x7530, v11;
	v40 =	vshll.u32 v21, $0x10;
	v44 =	vand.u32 $0xFFFF0000, v21;
	v45 =	vld.idx.msk [tilespmem:v22+s2+$0x0], $0xffff  }
0x78: {  	v21 =	vadd.s32 $0x2710, v6;
	v47 =	vshll.u32 v5, $0x10;
	v48 =	vand.u32 $0xFFFF0000, v5;
	v46 =	vld [tilespmem:s22+$0xFFFFFFC0]  }
0x79: {  	v50 =	vadd.s32 $0x7530, v6;
	v5 =	vshll.u32 v26, $0x10;
	v26 =	vand.u32 $0xFFFF0000, v26;
	v49 =	vld [tilespmem:s22+$0xFFFFFFD0]  }
0x7a: {  	v52 =	vadd.s32 $0x2710, v8;
	v53 =	vshll.u32 v25, $0x10;
	v25 =	vand.u32 $0xFFFF0000, v25;
	v51 =	vld [tilespmem:s22+$0xFFFFFFE0]  }
0x7b: {  	v56 =	vadd.s32 $0x2710, v35;
	v55 =	vadd.s32 $0x7530, v8;
	v22 =	vadd.s32 $0x2710, v10;
	v54 =	vld [tilespmem:s22+$0xFFFFFFF0]  }
0x7c: {  	v58 =	vadd.s32 $0x7530, v10;
	v35 =	vadd.s32 $0x7530, v35;
	v4 =	vadd.s32 $0x2710, v14;
	v57 =	vld [tilespmem:s22+$0x0]  }
0x7d: {  	v60 =	vshll.u32 v45, $0x10;
	v5 =	vmul.f32 v5, v46;
	v26 =	vmul.f32 v26, v46;
	v59 =	vld [tilespmem:s22+$0x10]  }
0x7e: {  	v45 =	vand.u32 $0xFFFF0000, v45;
	v60 =	vmul.f32 v60, v29;
	v39 =	vmul.f32 v39, v49;
	v61 =	vld [tilespmem:s22+$0x20]  }
0x7f: {  	v24 =	vmul.f32 v24, v49;
	[tilespmem:v27+s11+$0x0] =	vst.idx.add.f32.msk $0xffff, v5;
	v5 =	vadd.s32 $0x7530, v14;
	v27 =	vmul.f32 v45, v29  }
0x80: {  	v29 =	vmul.f32 v41, v51;
	v41 =	vmul.f32 v42, v51;
	v42 =	vadd.s32 $0x2710, v16;
	[tilespmem:v56+s11+$0x0] =	vst.idx.add.f32.msk $0xffff, v60  }
0x81: {  	v45 =	vadd.s32 $0x7530, v16;
	v23 =	vmul.f32 v23, v54;
	v43 =	vmul.f32 v43, v54;
	[tilespmem:v35+s11+$0x0] =	vst.idx.add.f32.msk $0xffff, v27  }
0x82: {  	v27 =	vmul.f32 v44, v57;
	[tilespmem:v30+s11+$0x0] =	vst.idx.add.f32.msk $0xffff, v26;
	v26 =	vmul.f32 v40, v57  }
0x83: {  	v30 =	vmul.f32 v48, v59;
	[tilespmem:v11+s11+$0x0] =	vst.idx.add.f32.msk $0xffff, v39;
	v11 =	vmul.f32 v47, v59  }
0x84: {  	[tilespmem:v12+s11+$0x0] =	vst.idx.add.f32.msk $0xffff, v24;
	v12 =	vmul.f32 v53, v61;
	v24 =	vmul.f32 v25, v61  }
0x85: {  	[tilespmem:v6+s11+$0x0] =	vst.idx.add.f32.msk $0xffff, v29  }
0x86: {  	[tilespmem:v7+s11+$0x0] =	vst.idx.add.f32.msk $0xffff, v41  }
0x87: {  	[tilespmem:v8+s11+$0x0] =	vst.idx.add.f32.msk $0xffff, v23  }
0x88: {  	[tilespmem:v9+s11+$0x0] =	vst.idx.add.f32.msk $0xffff, v43  }
0x89: {  	[tilespmem:v10+s11+$0x0] =	vst.idx.add.f32.msk $0xffff, v26  }
0x8a: {  	[tilespmem:v13+s11+$0x0] =	vst.idx.add.f32.msk $0xffff, v27  }
0x8b: {  	[tilespmem:v14+s11+$0x0] =	vst.idx.add.f32.msk $0xffff, v11  }
0x8c: {  	[tilespmem:v15+s11+$0x0] =	vst.idx.add.f32.msk $0xffff, v30  }
0x8d: {  	[tilespmem:v16+s11+$0x0] =	vst.idx.add.f32.msk $0xffff, v12  }
0x8e: {  	[tilespmem:v28+s11+$0x0] =	vst.idx.add.f32.msk $0xffff, v24  }
0x8f: {  	v6 =	vld.idx.msk [tilespmem:v31+s2+$0x0], $0xffff  }
0x90: {  	v7 =	vld.idx.msk [tilespmem:v32+s2+$0x0], $0xffff  }
0x91: {  	v8 =	vld.idx.msk [tilespmem:v33+s2+$0x0], $0xffff  }
0x92: {  	v9 =	vld.idx.msk [tilespmem:v34+s2+$0x0], $0xffff  }
0x93: {  	v10 =	vld.idx.msk [tilespmem:v36+s2+$0x0], $0xffff  }
0x94: {  	v11 =	vld.idx.msk [tilespmem:v37+s2+$0x0], $0xffff  }
0x95: {  	v12 =	vshll.u32 v6, $0x10;
	v6 =	vand.u32 $0xFFFF0000, v6;
	v13 =	vld.idx.msk [tilespmem:v38+s2+$0x0], $0xffff  }
0x96: {  	v12 =	vmul.f32 v12, v46;
	v14 =	vshll.u32 v7, $0x10;
	v7 =	vand.u32 $0xFFFF0000, v7;
	[tilespmem:v0+s11+$0x0] =	vst.idx.add.f32.msk $0xffff, v3;
	v0 =	vmovc v42  }
0x97: {  	v3 =	vmul.f32 v6, v46;
	v6 =	vshll.u32 v8, $0x10;
	v8 =	vand.u32 $0xFFFF0000, v8;
	[tilespmem:v1+s11+$0x0] =	vst.idx.add.f32.msk $0xffff, v2;
	v1 =	vmovc v45  }
0x98: {  	v2 =	vmul.f32 v14, v49;
	[tilespmem:v17+s11+$0x0] =	vst.idx.add.f32.msk $0xffff, v12;
	v12 =	vshll.u32 v9, $0x10;
	v9 =	vand.u32 $0xFFFF0000, v9  }
0x99: {  	[tilespmem:v18+s11+$0x0] =	vst.idx.add.f32.msk $0xffff, v3;
	v3 =	vmul.f32 v7, v49;
	v7 =	vshll.u32 v10, $0x10;
	v10 =	vand.u32 $0xFFFF0000, v10  }
0x9a: {  	[tilespmem:v19+s11+$0x0] =	vst.idx.add.f32.msk $0xffff, v2;
	v2 =	vmul.f32 v6, v51;
	v6 =	vshll.u32 v11, $0x10;
	v11 =	vand.u32 $0xFFFF0000, v11  }
0x9b: {  	v14 =	vand.u32 $0xFFFF0000, v13;
	[tilespmem:v20+s11+$0x0] =	vst.idx.add.f32.msk $0xffff, v3;
	v3 =	vmul.f32 v8, v51;
	v8 =	vshll.u32 v13, $0x10  }
0x9c: {  	[tilespmem:v21+s11+$0x0] =	vst.idx.add.f32.msk $0xffff, v2;
	v2 =	vmul.f32 v12, v54;
	v12 =	vmul.f32 v9, v54  }
.Ltmp0:
0x9d: {  	v7 =	vmul.f32 v7, v57;
	v10 =	vmul.f32 v10, v57;
	[tilespmem:v50+s11+$0x0] =	vst.idx.add.f32.msk $0xffff, v3;
	(pc) =	sbr.rel @p0 .LBB2_4-.Ltmp0, $4  }
0x9e: {  	v13 =	vmul.f32 v11, v59;
	v9 =	vmul.f32 v6, v59;
	[tilespmem:v52+s11+$0x0] =	vst.idx.add.f32.msk $0xffff, v2  }
0x9f: {  	v3 =	vmul.f32 v8, v61;
	v2 =	vmul.f32 v14, v61;
	[tilespmem:v55+s11+$0x0] =	vst.idx.add.f32.msk $0xffff, v12  }
0xa0: {  	[tilespmem:v22+s11+$0x0] =	vst.idx.add.f32.msk $0xffff, v7  }
0xa1: {  	s28 =	sadd.s32 $0x80, s28;
	[tilespmem:v58+s11+$0x0] =	vst.idx.add.f32.msk $0xffff, v10  }
0xa2: {  	_ =	sdelay $0x3  }
0xa3: {  	[tilespmem:v4+s11+$0x0] =	vst.idx.add.f32.msk $0xffff, v9  }
0xa4: {  	[tilespmem:v0+s11+$0x0] =	vst.idx.add.f32.msk $0xffff, v3  }
0xa5: {  	[tilespmem:v5+s11+$0x0] =	vst.idx.add.f32.msk $0xffff, v13  }
0xa6: {  	[tilespmem:v1+s11+$0x0] =	vst.idx.add.f32.msk $0xffff, v2  }
.LBB2_6:
0xa7: {  	v0 =	vld [tilespmem:s25+$0x0];
	_ =	sdelay $0x4  }
0xa8: {  	v1 =	vand.u32 $0xFFFF, v0;
	_ =	sdelay $0x4  }
0xa9: {  	v2 =	vld.idx.msk [tilespmem:v1+s2+$0x0], $0xffff  }
0xaa: {  	v3 =	vld [tilespmem:s24+$0x0];
	_ =	sdelay $0x1  }
0xab: {  	v0 =	vshrl.u32 v0, $0x10  }
0xac: {  	v4 =	vadd.s32 $0x4E20, v0  }
0xad: {  	v1 =	vadd.s32 $0x2710, v1;
	v5 =	vshll.u32 v2, $0x10  }
0xae: {  	v2 =	vand.u32 $0xFFFF0000, v2;
	v5 =	vmul.f32 v5, v3  }
0xaf: {  	v2 =	vmul.f32 v2, v3  }
0xb0: {  	[tilespmem:v0+s11+$0x0] =	vst.idx.add.f32.msk $0xffff, v5  }
0xb1: {  	[tilespmem:v4+s11+$0x0] =	vst.idx.add.f32.msk $0xffff, v2  }
0xb2: {  	v1 =	vld.idx.msk [tilespmem:v1+s2+$0x0], $0xffff;
	_ =	sdelay $0x2  }
0xb3: {  	s23 =	sadd.s32 $0x10, s23;
	v62 =	vadd.s32 $0x2710, v0  }
0xb4: {  	p0 =	slt.u32 s23, $0x1F30;
	v0 =	vadd.s32 $0x7530, v0  }
.Ltmp1:
0xb5: {  	v63 =	vshll.u32 v1, $0x10;
	(pc) =	sbr.rel @p0 .LBB2_6-.Ltmp1, $4  }
0xb6: {  	v1 =	vand.u32 $0xFFFF0000, v1;
	v4 =	vmul.f32 v63, v3  }
0xb7: {  	v1 =	vmul.f32 v1, v3  }
0xb8: {  	[tilespmem:v62+s11+$0x0] =	vst.idx.add.f32.msk $0xffff, v4  }
0xb9: {  	s24 =	sadd.s32 $0x10, s24;
	s25 =	sadd.s32 $0x10, s25;
	[tilespmem:v0+s11+$0x0] =	vst.idx.add.f32.msk $0xffff, v1  }
0xba: {  	p0 =	seq.s32 s20, $0x13  }
0xbb: {  	s21 =	sshrl.u32 @!p0 s21, $0x3  }
0xbc: {  	s21 =	sadd.s32 @!p0 $0x7D0, s21  }
0xbd: {  	s23 =	simm.s32 @!p0 $0x0;
	s24 =	simm.s32 @!p0 $0xEB00;
	s22 =	sadd.s32 @!p0 s3, s21  }
0xbe: {  	[tilespmem:s24], [sflag:$0x1] =	stream.linear.gather @!p0 [hbm4b:s22+s23], $0x1F40, $0x38;
	[tilespmem:$0x16900] =	vst v63  }
0xbf: {  	s21 =	sadd.s32 @!p0 s4, s21;
	s22 =	simm.s32 @!p0 $0x12A00  }
0xc0: {  	[tilespmem:s22], [sflag:$0x1] =	stream.linear.gather @!p0 [hbm4b:s21+s23], $0x1F40, $0x38;
	[tilespmem:$0x16900] =	vst v63  }
0xc1: {  	_ =	swait.ge [sflag:s17], $0x1F40  }
0xc2: {  	[sflag:s17] =	ssyncset.done $0x0  }
0xc3: {  	[sflag:s17] =	ssyncadd.s32 $0xFFFFE0C0  }
0xc4: {  	_ =	swait.ge [sflag:s17], $0x1F40  }
0xc5: {  	[sflag:s17] =	ssyncset.done $0x0  }
0xc6: {  	s31 =	simm.s32 $0x10AC0;
	[sflag:s17] =	ssyncadd.s32 $0xFFFFE0C0  }
0xc7: {  	v0 =	vld [tilespmem:s31+$0x30]  }
0xc8: {  	v1 =	vld [tilespmem:s31+$0xFFFFFFD0]  }
0xc9: {  	v2 =	vld [tilespmem:s31+$0xFFFFFFE0]  }
0xca: {  	v3 =	vld [tilespmem:s31+$0xFFFFFFF0]  }
0xcb: {  	v4 =	vld [tilespmem:s31+$0x0]  }
0xcc: {  	v6 =	vld [tilespmem:s31+$0x10];
	v5 =	vand.u32 $0xFFFF, v0  }
0xcd: {  	v8 =	vld [tilespmem:s31+$0xFFFFFFC0]  }
0xce: {  	s21 =	simm.s32 $0x149C0;
	v9 =	vld [tilespmem:s31+$0x20]  }
0xcf: {  	v17 =	vld [tilespmem:s21+$0x30]  }
0xd0: {  	v50 =	vld [tilespmem:s21+$0xFFFFFFD0]  }
0xd1: {  	v13 =	vld.idx.msk [tilespmem:v5+s2+$0x0], $0xffff  }
0xd2: {  	v51 =	vld [tilespmem:s21+$0xFFFFFFE0];
	v7 =	vand.u32 $0xFFFF, v1  }
0xd3: {  	v27 =	vld [tilespmem:s21+$0xFFFFFFF0];
	v16 =	vand.u32 $0xFFFF, v8  }
0xd4: {  	v30 =	vld [tilespmem:s21+$0x0];
	v0 =	vshrl.u32 v0, $0x10  }
0xd5: {  	v32 =	vld [tilespmem:s21+$0x10];
	v22 =	vadd.s32 $0x4E20, v0  }
0xd6: {  	v34 =	vld [tilespmem:s21+$0x20];
	v24 =	vshll.u32 v13, $0x10  }
0xd7: {  	v15 =	vld.idx.msk [tilespmem:v7+s2+$0x0], $0xffff;
	v5 =	vadd.s32 $0x2710, v5;
	v13 =	vand.u32 $0xFFFF0000, v13;
	v24 =	vmul.f32 v24, v17  }
0xd8: {  	v10 =	vand.u32 $0xFFFF, v2;
	v25 =	vld.idx.msk [tilespmem:v16+s2+$0x0], $0xffff;
	v13 =	vmul.f32 v13, v17  }
0xd9: {  	v11 =	vand.u32 $0xFFFF, v3;
	[tilespmem:v0+s11+$0x0] =	vst.idx.add.f32.msk $0xffff, v24  }
0xda: {  	v12 =	vand.u32 $0xFFFF, v4;
	[tilespmem:v22+s11+$0x0] =	vst.idx.add.f32.msk $0xffff, v13  }
0xdb: {  	v14 =	vand.u32 $0xFFFF, v6;
	v13 =	vld [tilespmem:s21+$0xFFFFFFC0]  }
0xdc: {  	v18 =	vand.u32 $0xFFFF, v9;
	v5 =	vld.idx.msk [tilespmem:v5+s2+$0x0], $0xffff  }
0xdd: {  	v8 =	vshrl.u32 v8, $0x10;
	v19 =	vld.idx.msk [tilespmem:v10+s2+$0x0], $0xffff  }
0xde: {  	v31 =	vadd.s32 $0x4E20, v8;
	v20 =	vld.idx.msk [tilespmem:v11+s2+$0x0], $0xffff  }
0xdf: {  	v1 =	vshrl.u32 v1, $0x10;
	v28 =	vadd.s32 $0x2710, v0;
	v21 =	vld.idx.msk [tilespmem:v12+s2+$0x0], $0xffff;
	v29 =	vshll.u32 v25, $0x10  }
0xe0: {  	v23 =	vld.idx.msk [tilespmem:v14+s2+$0x0], $0xffff;
	v25 =	vand.u32 $0xFFFF0000, v25;
	v0 =	vadd.s32 $0x7530, v0;
	v29 =	vmul.f32 v29, v13  }
0xe1: {  	v2 =	vshrl.u32 v2, $0x10;
	v26 =	vld.idx.msk [tilespmem:v18+s2+$0x0], $0xffff;
	v25 =	vmul.f32 v25, v13;
	v33 =	vshll.u32 v5, $0x10  }
0xe2: {  	v35 =	vadd.s32 $0x4E20, v1;
	v5 =	vand.u32 $0xFFFF0000, v5;
	v33 =	vmul.f32 v33, v17;
	[tilespmem:v8+s11+$0x0] =	vst.idx.add.f32.msk $0xffff, v29  }
0xe3: {  	v4 =	vshrl.u32 v4, $0x10;
	v52 =	vshll.u32 v15, $0x10;
	v5 =	vmul.f32 v5, v17;
	[tilespmem:v31+s11+$0x0] =	vst.idx.add.f32.msk $0xffff, v25  }
0xe4: {  	v53 =	vadd.s32 $0x4E20, v2;
	v15 =	vand.u32 $0xFFFF0000, v15;
	v17 =	vmul.f32 v52, v50;
	[tilespmem:v28+s11+$0x0] =	vst.idx.add.f32.msk $0xffff, v33  }
0xe5: {  	[tilespmem:v0+s11+$0x0] =	vst.idx.add.f32.msk $0xffff, v5;
	v0 =	vshrl.u32 v3, $0x10;
	v3 =	vshll.u32 v19, $0x10;
	v5 =	vmul.f32 v15, v50  }
0xe6: {  	[tilespmem:v1+s11+$0x0] =	vst.idx.add.f32.msk $0xffff, v17;
	v19 =	vand.u32 $0xFFFF0000, v19;
	v15 =	vadd.s32 $0x4E20, v0;
	v3 =	vmul.f32 v3, v51  }
0xe7: {  	v11 =	vadd.s32 $0x2710, v11;
	v54 =	vshll.u32 v20, $0x10;
	v19 =	vmul.f32 v19, v51;
	[tilespmem:v35+s11+$0x0] =	vst.idx.add.f32.msk $0xffff, v5  }
0xe8: {  	v20 =	vand.u32 $0xFFFF0000, v20;
	v17 =	vmul.f32 v54, v27;
	v5 =	vadd.s32 $0x4E20, v4;
	[tilespmem:v2+s11+$0x0] =	vst.idx.add.f32.msk $0xffff, v3  }
0xe9: {  	v20 =	vmul.f32 v20, v27;
	v3 =	vshrl.u32 v6, $0x10;
	v6 =	vshll.u32 v21, $0x10;
	[tilespmem:v53+s11+$0x0] =	vst.idx.add.f32.msk $0xffff, v19  }
0xea: {  	v21 =	vand.u32 $0xFFFF0000, v21;
	v6 =	vmul.f32 v6, v30;
	[tilespmem:v0+s11+$0x0] =	vst.idx.add.f32.msk $0xffff, v17  }
0xeb: {  	v56 =	vshrl.u32 v9, $0x10;
	v21 =	vmul.f32 v21, v30;
	[tilespmem:v15+s11+$0x0] =	vst.idx.add.f32.msk $0xffff, v20  }
0xec: {  	v9 =	vshll.u32 v23, $0x10;
	v15 =	vadd.s32 $0x2710, v16;
	[tilespmem:v4+s11+$0x0] =	vst.idx.add.f32.msk $0xffff, v6  }
0xed: {  	v58 =	vshll.u32 v26, $0x10;
	v9 =	vmul.f32 v9, v32;
	v6 =	vadd.s32 $0x4E20, v56;
	[tilespmem:v5+s11+$0x0] =	vst.idx.add.f32.msk $0xffff, v21  }
0xee: {  	v5 =	vadd.s32 $0x2710, v7;
	v7 =	vmul.f32 v58, v34;
	v11 =	vld.idx.msk [tilespmem:v11+s2+$0x0], $0xffff  }
0xef: {  	v55 =	vadd.s32 $0x4E20, v3;
	[tilespmem:v3+s11+$0x0] =	vst.idx.add.f32.msk $0xffff, v9;
	v9 =	vadd.s32 $0x2710, v10;
	v10 =	vand.u32 $0xFFFF0000, v26  }
0xf0: {  	v10 =	vmul.f32 v10, v34;
	[tilespmem:v56+s11+$0x0] =	vst.idx.add.f32.msk $0xffff, v7  }
0xf1: {  	v14 =	vadd.s32 $0x2710, v14;
	v57 =	vand.u32 $0xFFFF0000, v23;
	v7 =	vadd.s32 $0x2710, v12;
	v12 =	vld.idx.msk [tilespmem:v15+s2+$0x0], $0xffff  }
0xf2: {  	v16 =	vmul.f32 v57, v32;
	[tilespmem:v6+s11+$0x0] =	vst.idx.add.f32.msk $0xffff, v10  }
0xf3: {  	v6 =	vadd.s32 $0x2710, v18;
	v5 =	vld.idx.msk [tilespmem:v5+s2+$0x0], $0xffff  }
0xf4: {  	[tilespmem:v55+s11+$0x0] =	vst.idx.add.f32.msk $0xffff, v16;
	v10 =	vadd.s32 $0x2710, v8  }
0xf5: {  	v59 =	vadd.s32 $0x2710, v2;
	v8 =	vadd.s32 $0x7530, v8;
	v9 =	vld.idx.msk [tilespmem:v9+s2+$0x0], $0xffff  }
0xf6: {  	v61 =	vadd.s32 $0x2710, v0;
	v14 =	vld.idx.msk [tilespmem:v14+s2+$0x0], $0xffff;
	v15 =	vadd.s32 $0x2710, v1;
	v60 =	vshll.u32 v12, $0x10  }
0xf7: {  	v1 =	vadd.s32 $0x7530, v1;
	v7 =	vld.idx.msk [tilespmem:v7+s2+$0x0], $0xffff;
	v12 =	vand.u32 $0xFFFF0000, v12;
	v18 =	vmul.f32 v60, v13  }
0xf8: {  	v2 =	vadd.s32 $0x7530, v2;
	v6 =	vld.idx.msk [tilespmem:v6+s2+$0x0], $0xffff;
	v62 =	vshll.u32 v5, $0x10;
	v12 =	vmul.f32 v12, v13  }
0xf9: {  	v13 =	vadd.s32 $0x7530, v0;
	v0 =	vand.u32 $0xFFFF0000, v5;
	v5 =	vmul.f32 v62, v50;
	[tilespmem:v10+s11+$0x0] =	vst.idx.add.f32.msk $0xffff, v18  }
0xfa: {  	v63 =	vshll.u32 v9, $0x10;
	v0 =	vmul.f32 v0, v50;
	v9 =	vand.u32 $0xFFFF0000, v9;
	[tilespmem:v8+s11+$0x0] =	vst.idx.add.f32.msk $0xffff, v12  }
0xfb: {  	v10 =	vadd.s32 $0x2710, v4;
	v8 =	vadd.s32 $0x7530, v4;
	[tilespmem:v15+s11+$0x0] =	vst.idx.add.f32.msk $0xffff, v5;
	v12 =	vmul.f32 v63, v51  }
0xfc: {  	v4 =	vadd.s32 $0x2710, v3;
	v15 =	vshll.u32 v11, $0x10;
	[tilespmem:v1+s11+$0x0] =	vst.idx.add.f32.msk $0xffff, v0;
	v1 =	vmul.f32 v9, v51  }
0xfd: {  	v5 =	vadd.s32 $0x7530, v3;
	v3 =	vand.u32 $0xFFFF0000, v11;
	v9 =	vmul.f32 v15, v27;
	[tilespmem:v59+s11+$0x0] =	vst.idx.add.f32.msk $0xffff, v12  }
0xfe: {  	v11 =	vshll.u32 v7, $0x10;
	v0 =	vadd.s32 $0x2710, v56;
	v3 =	vmul.f32 v3, v27;
	[tilespmem:v2+s11+$0x0] =	vst.idx.add.f32.msk $0xffff, v1  }
0xff: {  	v12 =	vshll.u32 v6, $0x10;
	v1 =	vand.u32 $0xFFFF0000, v7;
	v7 =	vmul.f32 v11, v30;
	[tilespmem:v61+s11+$0x0] =	vst.idx.add.f32.msk $0xffff, v9  }
0x100: {  	v2 =	vshll.u32 v14, $0x10;
	v11 =	vand.u32 $0xFFFF0000, v14;
	v14 =	vmul.f32 v1, v30;
	[tilespmem:v13+s11+$0x0] =	vst.idx.add.f32.msk $0xffff, v3  }
0x101: {  	s20 =	sadd.s32 $0x1, s20;
	s25 =	simm.s32 $0x10B40;
	v6 =	vand.u32 $0xFFFF0000, v6;
	v9 =	vmul.f32 v2, v32;
	v13 =	vmul.f32 v11, v32;
	[tilespmem:v10+s11+$0x0] =	vst.idx.add.f32.msk $0xffff, v7  }
0x102: {  	s24 =	simm.s32 $0x0;
	s22 =	simm.s32 $0x16880;
	s23 =	simm.s32 $0x12980;
	v1 =	vadd.s32 $0x7530, v56;
	v3 =	vmul.f32 v12, v34;
	v2 =	vmul.f32 v6, v34;
	[tilespmem:v8+s11+$0x0] =	vst.idx.add.f32.msk $0xffff, v14  }
.LBB2_8:
0x103: {  	v17 =	vld [tilespmem:s25+$0x30]  }
0x104: {  	v6 =	vld [tilespmem:s25+$0xFFFFFFD0]  }
0x105: {  	s24 =	sadd.s32 $0x80, s24;
	v7 =	vld [tilespmem:s25+$0xFFFFFFE0]  }
0x106: {  	p0 =	slt.u32 s24, $0x1E80;
	v8 =	vld [tilespmem:s25+$0xFFFFFFF0]  }
0x107: {  	v10 =	vld [tilespmem:s25+$0x0]  }
0x108: {  	v14 =	vld [tilespmem:s25+$0x10];
	v18 =	vand.u32 $0xFFFF, v17  }
0x109: {  	v19 =	vand.u32 $0xFFFF, v6;
	v11 =	vshrl.u32 v6, $0x10;
	v16 =	vld [tilespmem:s25+$0x20]  }
0x10a: {  	v20 =	vld [tilespmem:s25+$0xFFFFFFC0];
	v12 =	vadd.s32 $0x4E20, v11;
	v21 =	vand.u32 $0xFFFF, v7;
	v6 =	vshrl.u32 v7, $0x10  }
0x10b: {  	v7 =	vadd.s32 $0x4E20, v6;
	v22 =	vand.u32 $0xFFFF, v8;
	v8 =	vshrl.u32 v8, $0x10;
	[tilespmem:v4+s11+$0x0] =	vst.idx.add.f32.msk $0xffff, v9  }
0x10c: {  	v9 =	vadd.s32 $0x4E20, v8;
	v4 =	vand.u32 $0xFFFF, v10;
	v10 =	vshrl.u32 v10, $0x10;
	[tilespmem:v5+s11+$0x0] =	vst.idx.add.f32.msk $0xffff, v13  }
0x10d: {  	v13 =	vadd.s32 $0x4E20, v10;
	v5 =	vand.u32 $0xFFFF, v14;
	v14 =	vshrl.u32 v14, $0x10;
	v24 =	vld.idx.msk [tilespmem:v18+s2+$0x0], $0xffff  }
0x10e: {  	s21 =	sadd.s32 $0x80, s21;
	v25 =	vld.idx.msk [tilespmem:v19+s2+$0x0], $0xffff;
	v15 =	vadd.s32 $0x4E20, v14;
	v26 =	vand.u32 $0xFFFF, v16;
	v16 =	vshrl.u32 v16, $0x10  }
0x10f: {  	v27 =	vand.u32 $0xFFFF, v20;
	v28 =	vshrl.u32 v20, $0x10;
	v23 =	vadd.s32 $0x4E20, v16;
	v29 =	vld [tilespmem:s21+$0x30]  }
0x110: {  	v32 =	vadd.s32 $0x2710, v19;
	v30 =	vadd.s32 $0x4E20, v28;
	v31 =	vadd.s32 $0x2710, v27;
	v19 =	vld.idx.msk [tilespmem:v21+s2+$0x0], $0xffff  }
0x111: {  	v35 =	vshrl.u32 v17, $0x10;
	v33 =	vadd.s32 $0x2710, v21;
	v34 =	vadd.s32 $0x2710, v22;
	v20 =	vld.idx.msk [tilespmem:v22+s2+$0x0], $0xffff  }
0x112: {  	v36 =	vadd.s32 $0x2710, v4;
	v37 =	vadd.s32 $0x2710, v5;
	v21 =	vld.idx.msk [tilespmem:v4+s2+$0x0], $0xffff;
	v4 =	vadd.s32 $0x4E20, v35  }
0x113: {  	v38 =	vadd.s32 $0x2710, v26;
	v22 =	vadd.s32 $0x2710, v18;
	v17 =	vshll.u32 v24, $0x10;
	v5 =	vld.idx.msk [tilespmem:v5+s2+$0x0], $0xffff  }
0x114: {  	v18 =	vand.u32 $0xFFFF0000, v24;
	v39 =	vshll.u32 v25, $0x10;
	v27 =	vld.idx.msk [tilespmem:v27+s2+$0x0], $0xffff;
	v24 =	vmul.f32 v17, v29  }
0x115: {  	v25 =	vand.u32 $0xFFFF0000, v25;
	v17 =	vadd.s32 $0x2710, v28;
	v40 =	vmul.f32 v18, v29;
	v26 =	vld.idx.msk [tilespmem:v26+s2+$0x0], $0xffff  }
0x116: {  	v18 =	vadd.s32 $0x7530, v28;
	v41 =	vshll.u32 v19, $0x10;
	v42 =	vand.u32 $0xFFFF0000, v19;
	[tilespmem:v35+s11+$0x0] =	vst.idx.add.f32.msk $0xffff, v24  }
0x117: {  	v19 =	vadd.s32 $0x2710, v11;
	v24 =	vshll.u32 v20, $0x10;
	v43 =	vand.u32 $0xFFFF0000, v20;
	[tilespmem:v4+s11+$0x0] =	vst.idx.add.f32.msk $0xffff, v40  }
0x118: {  	v20 =	vadd.s32 $0x7530, v11;
	v40 =	vshll.u32 v21, $0x10;
	v44 =	vand.u32 $0xFFFF0000, v21;
	v45 =	vld.idx.msk [tilespmem:v22+s2+$0x0], $0xffff  }
0x119: {  	v21 =	vadd.s32 $0x2710, v6;
	v47 =	vshll.u32 v5, $0x10;
	v48 =	vand.u32 $0xFFFF0000, v5;
	v46 =	vld [tilespmem:s21+$0xFFFFFFC0]  }
0x11a: {  	v50 =	vadd.s32 $0x7530, v6;
	v5 =	vshll.u32 v27, $0x10;
	v27 =	vand.u32 $0xFFFF0000, v27;
	v49 =	vld [tilespmem:s21+$0xFFFFFFD0]  }
0x11b: {  	v52 =	vadd.s32 $0x2710, v8;
	v53 =	vshll.u32 v26, $0x10;
	v26 =	vand.u32 $0xFFFF0000, v26;
	v51 =	vld [tilespmem:s21+$0xFFFFFFE0]  }
0x11c: {  	v56 =	vadd.s32 $0x2710, v35;
	v55 =	vadd.s32 $0x7530, v8;
	v22 =	vadd.s32 $0x2710, v10;
	v54 =	vld [tilespmem:s21+$0xFFFFFFF0]  }
0x11d: {  	v58 =	vadd.s32 $0x7530, v10;
	v35 =	vadd.s32 $0x7530, v35;
	v4 =	vadd.s32 $0x2710, v14;
	v57 =	vld [tilespmem:s21+$0x0]  }
0x11e: {  	v60 =	vshll.u32 v45, $0x10;
	v5 =	vmul.f32 v5, v46;
	v27 =	vmul.f32 v27, v46;
	v59 =	vld [tilespmem:s21+$0x10]  }
0x11f: {  	v45 =	vand.u32 $0xFFFF0000, v45;
	v60 =	vmul.f32 v60, v29;
	v39 =	vmul.f32 v39, v49;
	v61 =	vld [tilespmem:s21+$0x20]  }
0x120: {  	v25 =	vmul.f32 v25, v49;
	[tilespmem:v28+s11+$0x0] =	vst.idx.add.f32.msk $0xffff, v5;
	v5 =	vadd.s32 $0x7530, v14;
	v28 =	vmul.f32 v45, v29  }
0x121: {  	v29 =	vmul.f32 v41, v51;
	v41 =	vmul.f32 v42, v51;
	v42 =	vadd.s32 $0x2710, v16;
	[tilespmem:v56+s11+$0x0] =	vst.idx.add.f32.msk $0xffff, v60  }
0x122: {  	s26 =	simm.s32 $0x1EF0;
	v45 =	vadd.s32 $0x7530, v16;
	v24 =	vmul.f32 v24, v54;
	v43 =	vmul.f32 v43, v54;
	[tilespmem:v35+s11+$0x0] =	vst.idx.add.f32.msk $0xffff, v28  }
0x123: {  	v28 =	vmul.f32 v44, v57;
	[tilespmem:v30+s11+$0x0] =	vst.idx.add.f32.msk $0xffff, v27;
	v27 =	vmul.f32 v40, v57  }
0x124: {  	v30 =	vmul.f32 v48, v59;
	[tilespmem:v11+s11+$0x0] =	vst.idx.add.f32.msk $0xffff, v39;
	v11 =	vmul.f32 v47, v59  }
0x125: {  	[tilespmem:v12+s11+$0x0] =	vst.idx.add.f32.msk $0xffff, v25;
	v12 =	vmul.f32 v53, v61;
	v25 =	vmul.f32 v26, v61  }
0x126: {  	[tilespmem:v6+s11+$0x0] =	vst.idx.add.f32.msk $0xffff, v29  }
0x127: {  	[tilespmem:v7+s11+$0x0] =	vst.idx.add.f32.msk $0xffff, v41  }
0x128: {  	[tilespmem:v8+s11+$0x0] =	vst.idx.add.f32.msk $0xffff, v24  }
0x129: {  	[tilespmem:v9+s11+$0x0] =	vst.idx.add.f32.msk $0xffff, v43  }
0x12a: {  	[tilespmem:v10+s11+$0x0] =	vst.idx.add.f32.msk $0xffff, v27  }
0x12b: {  	[tilespmem:v13+s11+$0x0] =	vst.idx.add.f32.msk $0xffff, v28  }
0x12c: {  	[tilespmem:v14+s11+$0x0] =	vst.idx.add.f32.msk $0xffff, v11  }
0x12d: {  	[tilespmem:v15+s11+$0x0] =	vst.idx.add.f32.msk $0xffff, v30  }
0x12e: {  	[tilespmem:v16+s11+$0x0] =	vst.idx.add.f32.msk $0xffff, v12  }
0x12f: {  	[tilespmem:v23+s11+$0x0] =	vst.idx.add.f32.msk $0xffff, v25  }
0x130: {  	v6 =	vld.idx.msk [tilespmem:v31+s2+$0x0], $0xffff  }
0x131: {  	v7 =	vld.idx.msk [tilespmem:v32+s2+$0x0], $0xffff  }
0x132: {  	v8 =	vld.idx.msk [tilespmem:v33+s2+$0x0], $0xffff  }
0x133: {  	v9 =	vld.idx.msk [tilespmem:v34+s2+$0x0], $0xffff  }
0x134: {  	v10 =	vld.idx.msk [tilespmem:v36+s2+$0x0], $0xffff  }
0x135: {  	v11 =	vld.idx.msk [tilespmem:v37+s2+$0x0], $0xffff  }
0x136: {  	v12 =	vshll.u32 v6, $0x10;
	v6 =	vand.u32 $0xFFFF0000, v6;
	v13 =	vld.idx.msk [tilespmem:v38+s2+$0x0], $0xffff  }
0x137: {  	v12 =	vmul.f32 v12, v46;
	v14 =	vshll.u32 v7, $0x10;
	v7 =	vand.u32 $0xFFFF0000, v7;
	[tilespmem:v0+s11+$0x0] =	vst.idx.add.f32.msk $0xffff, v3;
	v0 =	vmovc v42  }
0x138: {  	v3 =	vmul.f32 v6, v46;
	v6 =	vshll.u32 v8, $0x10;
	v8 =	vand.u32 $0xFFFF0000, v8;
	[tilespmem:v1+s11+$0x0] =	vst.idx.add.f32.msk $0xffff, v2;
	v1 =	vmovc v45  }
0x139: {  	v2 =	vmul.f32 v14, v49;
	[tilespmem:v17+s11+$0x0] =	vst.idx.add.f32.msk $0xffff, v12;
	v12 =	vshll.u32 v9, $0x10;
	v9 =	vand.u32 $0xFFFF0000, v9  }
0x13a: {  	[tilespmem:v18+s11+$0x0] =	vst.idx.add.f32.msk $0xffff, v3;
	v3 =	vmul.f32 v7, v49;
	v7 =	vshll.u32 v10, $0x10;
	v10 =	vand.u32 $0xFFFF0000, v10  }
0x13b: {  	[tilespmem:v19+s11+$0x0] =	vst.idx.add.f32.msk $0xffff, v2;
	v2 =	vmul.f32 v6, v51;
	v6 =	vshll.u32 v11, $0x10;
	v11 =	vand.u32 $0xFFFF0000, v11  }
0x13c: {  	v14 =	vand.u32 $0xFFFF0000, v13;
	[tilespmem:v20+s11+$0x0] =	vst.idx.add.f32.msk $0xffff, v3;
	v3 =	vmul.f32 v8, v51;
	v8 =	vshll.u32 v13, $0x10  }
0x13d: {  	[tilespmem:v21+s11+$0x0] =	vst.idx.add.f32.msk $0xffff, v2;
	v2 =	vmul.f32 v12, v54;
	v12 =	vmul.f32 v9, v54  }
.Ltmp2:
0x13e: {  	v7 =	vmul.f32 v7, v57;
	v10 =	vmul.f32 v10, v57;
	[tilespmem:v50+s11+$0x0] =	vst.idx.add.f32.msk $0xffff, v3;
	(pc) =	sbr.rel @p0 .LBB2_8-.Ltmp2, $4  }
0x13f: {  	v13 =	vmul.f32 v11, v59;
	v9 =	vmul.f32 v6, v59;
	[tilespmem:v52+s11+$0x0] =	vst.idx.add.f32.msk $0xffff, v2  }
0x140: {  	v3 =	vmul.f32 v8, v61;
	v2 =	vmul.f32 v14, v61;
	[tilespmem:v55+s11+$0x0] =	vst.idx.add.f32.msk $0xffff, v12  }
0x141: {  	[tilespmem:v22+s11+$0x0] =	vst.idx.add.f32.msk $0xffff, v7  }
0x142: {  	s25 =	sadd.s32 $0x80, s25;
	[tilespmem:v58+s11+$0x0] =	vst.idx.add.f32.msk $0xffff, v10  }
0x143: {  	_ =	sdelay $0x3  }
0x144: {  	[tilespmem:v4+s11+$0x0] =	vst.idx.add.f32.msk $0xffff, v9  }
0x145: {  	[tilespmem:v0+s11+$0x0] =	vst.idx.add.f32.msk $0xffff, v3  }
0x146: {  	[tilespmem:v5+s11+$0x0] =	vst.idx.add.f32.msk $0xffff, v13  }
0x147: {  	[tilespmem:v1+s11+$0x0] =	vst.idx.add.f32.msk $0xffff, v2  }
.LBB2_10:
0x148: {  	v0 =	vld [tilespmem:s23+$0x0];
	_ =	sdelay $0x4  }
0x149: {  	v1 =	vand.u32 $0xFFFF, v0;
	_ =	sdelay $0x4  }
0x14a: {  	v2 =	vld.idx.msk [tilespmem:v1+s2+$0x0], $0xffff  }
0x14b: {  	v3 =	vld [tilespmem:s22+$0x0];
	_ =	sdelay $0x1  }
0x14c: {  	v0 =	vshrl.u32 v0, $0x10  }
0x14d: {  	v4 =	vadd.s32 $0x4E20, v0  }
0x14e: {  	v1 =	vadd.s32 $0x2710, v1;
	v5 =	vshll.u32 v2, $0x10  }
0x14f: {  	v2 =	vand.u32 $0xFFFF0000, v2;
	v5 =	vmul.f32 v5, v3  }
0x150: {  	v2 =	vmul.f32 v2, v3  }
0x151: {  	[tilespmem:v0+s11+$0x0] =	vst.idx.add.f32.msk $0xffff, v5  }
0x152: {  	[tilespmem:v4+s11+$0x0] =	vst.idx.add.f32.msk $0xffff, v2  }
0x153: {  	v1 =	vld.idx.msk [tilespmem:v1+s2+$0x0], $0xffff;
	_ =	sdelay $0x2  }
0x154: {  	s26 =	sadd.s32 $0x10, s26;
	v62 =	vadd.s32 $0x2710, v0  }
0x155: {  	p0 =	slt.u32 s26, $0x1F30;
	v0 =	vadd.s32 $0x7530, v0  }
.Ltmp3:
0x156: {  	v63 =	vshll.u32 v1, $0x10;
	(pc) =	sbr.rel @p0 .LBB2_10-.Ltmp3, $4  }
0x157: {  	v1 =	vand.u32 $0xFFFF0000, v1;
	v4 =	vmul.f32 v63, v3  }
0x158: {  	v1 =	vmul.f32 v1, v3  }
0x159: {  	[tilespmem:v62+s11+$0x0] =	vst.idx.add.f32.msk $0xffff, v4  }
0x15a: {  	s22 =	sadd.s32 $0x10, s22;
	s23 =	sadd.s32 $0x10, s23;
	[tilespmem:v0+s11+$0x0] =	vst.idx.add.f32.msk $0xffff, v1  }
0x15b: {  	p0 =	seq.s32 s20, $0x14  }
.Ltmp4:
0x15c: {  	_ = 	snop;
	(pc) =	sbr.rel @!p0 .LBB2_3-.Ltmp4, $1  }
0x15d: {  	_ =	sdelay $0x3  }
0x15e: {  	[hbm4b:s7+s2] =	stream.linear.scatter [tilespmem:s11], [sflag:$0x3], $0x4E20, $0x38;
	[tilespmem:$0x16900] =	vst v63  }
0x15f: {  	s19 =	sadd.s32 $0x1, s19;
	_ =	swait.ge [sflag:s10], $0x4E20  }
0x160: {  	p0 =	sne.s32 s19, s9;
	[sflag:s10] =	ssyncset.done $0x0  }
.Ltmp5:
0x161: {  	[sflag:s10] =	ssyncadd.s32 $0xFFFFB1E0;
	(pc) =	sbr.rel @p0 .LBB2_1-.Ltmp5, $4  }
0x162: {  	[hbm4b:s8+s2] =	stream.linear.scatter [tilespmem:s18], [sflag:$0x3], $0x4E20, $0x38;
	[tilespmem:$0x16900] =	vst v63  }
0x163: {  	_ =	swait.ge [sflag:s10], $0x4E20  }
0x164: {  	[sflag:s10] =	ssyncset.done $0x0  }
0x165: {  	[sflag:s10] =	ssyncadd.s32 $0xFFFFB1E0  }
0x166: {  	_ =	sfence.sel $0x180000  }
0x167: {  	[bflag:$0x0] =	sbarrier.arrive $0xFFFF  }
0x168: {  	p0 =	sne.s32 s0, $0x0;
	_ =	strace $0x9000004D  }
0x169: {  	s0 =	sadd.s32 @!p0 $0x100000, s1;
	[bflag:$0x2] =	sbarrier.arrive $0xFFFF  }
0x16a: {  	[sflag:s0] =	ssyncadd.tile.s32 @!p0 $0x1;
	_ =	shalt  }
.Lfunc_end2:
_tile_overlayer_lowered:
.L_overlay_start_2:
0x16b: {  	(tag) =	ssettag $0x2  }
0x16c: {  	s0 =	rddreg [dreg:$0x0];
	s2 =	stileid.u32  }
0x16d: {  	s1 =	rddreg [dreg:$0x1];
	p0 =	sne.s32 s2, $0x0  }
0x16e: {  	s3 =	rddreg [dreg:$0x2];
	[bflag:$0x3] =	sbarrier.arrive $0xFFFF;
	s2 =	simm.s32 @!p0 $0x1C03  }
0x16f: {  	[timem:s3], [sflag:s2] =	dma.local @!p0 [hbm:s0], s1  }
0x170: {  	s0 =	simm.s32 @!p0 $0x3  }
0x171: {  	_ =	swait.ge @!p0 [sflag:s0], s1  }
0x172: {  	s1 =	ssub.s32 @!p0 $0x0, s1;
	[sflag:s0] =	ssyncset.done @!p0 $0x0  }
0x173: {  	[sflag:s0] =	ssyncadd.s32 @!p0 s1  }
0x174: {  	[bflag:$0x3] =	sbarrier.arrive $0xFFFF  }
0x175: {  	_ =	shalt  }

// kernel: kernel.21.cloned.1.call-start
scs
__scs_entry_jumppad:
0x0: {  	(pc) =	sbr.rel $0x88, $3  }
0x1: {  	(tag) =	ssettag $0x0;
	lr =	simm.s32 $0x1  }
0x2: {  	[smem:$0x3F95] =	sst lr;
	_ =	strace $0xD0000000  }
0x3: {  	_ = 	snop  }
0x4: {  	_ = 	snop  }
0x5: {  	_ = 	snop  }
0x6: {  	_ = 	snop  }
0x7: {  	_ = 	snop  }
__scs_overlays_trampoline_lowered:
0x8: {  	[smem:$0x3FA4] =	sst s0  }
0x9: {  	[smem:$0x3FA5] =	sst s1  }
0xa: {  	[smem:$0x3FA6] =	sst s2  }
0xb: {  	[smem:$0x3FA7] =	sst s3  }
0xc: {  	[smem:$0x3FA8] =	sst s4  }
0xd: {  	[smem:$0x3FA9] =	sst s5  }
0xe: {  	[smem:$0x3FAA] =	sst s6  }
0xf: {  	[smem:$0x3FAB] =	sst s7  }
0x10: {  	[smem:$0x3FAC] =	sst s8  }
0x11: {  	[smem:$0x3FAD] =	sst s9;
	s0 =	simm.s32 @!p0 $0x0  }
0x12: {  	s1 =	sld [smem:$0x3F93];
	s0 =	simm.s32 @p0 $0x1  }
0x13: {  	[smem:$0x3FAE] =	sst s0;
	s0 =	simm.s32 @!p1 $0x0  }
0x14: {  	s2 =	sld [smem:$0x3F92];
	s0 =	simm.s32 @p1 $0x1  }
0x15: {  	[smem:$0x3FAF] =	sst s0;
	s0 =	simm.s32 @!p2 $0x0  }
0x16: {  	s3 =	sld [smem:$0x3FDB];
	s0 =	simm.s32 @p2 $0x1  }
0x17: {  	s4 =	simm.s32 $0x1BF5;
	[smem:$0x3FB1] =	sst s0  }
0x18: {  	s0 =	sld [smem:$0x3F94];
	_ =	swait.ge [sflag:s4], $0x0  }
0x19: {  	s7 =	sld [smem:$0x3F95]  }
0x1a: {  	s8 =	sadd.s32 $0xFFFFE003, lr  }
0x1b: {  	s9 =	sadd.s32 $0xFFFFFEF7, lr;
	s5 =	simm.s32 $0xFFFFFFFF;
	p2 =	slt.u32 s8, $0xFFFFF086  }
0x1c: {  	p1 =	slt.u32 s9, $0xF7A;
	s5 =	simm.s32 @!p2 $0x0  }
0x1d: {  	s5 =	simm.s32 @p1 $0x1;
	p0 =	seq.s32 s7, s2  }
0x1e: {  	s7 =	smul.u32 @!p0 $0xF7A, s2;
	p2 =	seq.s32 @!p0 s5, $0x0  }
0x1f: {  	s9 =	smul.u32 $0xF7A, s1;
	s8 =	simm.s32 @!p0 $0x1BF5;
	p2 =	por !p2, p0  }
0x20: {  	[sflag:s8] =	ssyncset.s32 @!p0 $0xFFFFF086;
	s6 =	sadd.s32 @!p0 s3, s7;
	s7 =	simm.s32 @!p0 $0x108  }
0x21: {  	s3 =	sadd.s32 s3, s9;
	s6 =	sadd.s32 @!p0 $0x88, s6;
	s7 =	simm.s32 @p2 $0x1082  }
0x22: {  	[simem:s7], [sflag:s8] =	dma.local @!p0 [hbm:s6], $0xF7A  }
0x23: {  	s9 =	sor.u32 $0xD0000000, s2;
	s6 =	simm.s32 $0x108;
	_ =	swait.ge @!p0 [sflag:s8], $0x0  }
0x24: {  	s3 =	sadd.s32 $0x88, s3;
	s6 =	simm.s32 @!p1 $0x1082;
	[sflag:s4] =	ssyncset.s32 $0xFFFFF086  }
0x25: {  	[simem:s6], [sflag:s4] =	dma.local [hbm:s3], $0xF7A  }
0x26: {  	[smem:$0x3F95] =	sst s1;
	(tag) =	ssettag s2;
	_ =	strace s9  }
0x27: {  	s1 =	sld [smem:$0x3FA5]  }
0x28: {  	s2 =	sld [smem:$0x3FA6]  }
0x29: {  	s4 =	sld [smem:$0x3FA8]  }
0x2a: {  	p0 =	seq.s32 s5, $0x0;
	s5 =	sld [smem:$0x3FA9]  }
0x2b: {  	s6 =	sld [smem:$0x3FAA]  }
0x2c: {  	s7 =	sld [smem:$0x3FAB]  }
0x2d: {  	s3 =	simm.s32 $0x108;
	s8 =	sld [smem:$0x3FAC]  }
0x2e: {  	s3 =	simm.s32 @!p0 $0x1082;
	s9 =	sld [smem:$0x3FAD]  }
0x2f: {  	lr =	sadd.s32 s0, s3;
	s0 =	sld [smem:$0x3FA4]  }
0x30: {  	s3 =	sld [smem:$0x3FA7]  }
0x31: {  	[smem:$0x3FB0] =	sst s10  }
0x32: {  	s10 =	sld [smem:$0x3FAE];
	_ =	sdelay $0x3  }
0x33: {  	p0 =	seq.s32 s10, $0x1;
	s10 =	sld [smem:$0x3FB0];
	_ =	sdelay $0x3  }
0x34: {  	[smem:$0x3FB0] =	sst s10  }
0x35: {  	s10 =	sld [smem:$0x3FAF];
	_ =	sdelay $0x3  }
0x36: {  	p1 =	seq.s32 s10, $0x1;
	s10 =	sld [smem:$0x3FB0];
	_ =	sdelay $0x3  }
0x37: {  	[smem:$0x3FB0] =	sst s10  }
0x38: {  	s10 =	sld [smem:$0x3FB1]  }
0x39: {  	_ = 	snop;
	(pc) =	sbr.ind lr, $3  }
0x3a: {  	_ = 	snop  }
0x3b: {  	_ = 	snop  }
0x3c: {  	p2 =	seq.s32 s10, $0x1;
	s10 =	sld [smem:$0x3FB0]  }
0x3d: {  	_ =	shalt  }
0x3e: {  	_ =	shalt  }
0x3f: {  	_ =	shalt  }
0x40: {  	_ =	shalt  }
0x41: {  	_ =	shalt  }
0x42: {  	_ =	shalt  }
0x43: {  	_ =	shalt  }
0x44: {  	_ =	shalt  }
0x45: {  	_ =	shalt  }
0x46: {  	_ =	shalt  }
0x47: {  	_ =	shalt  }
0x48: {  	_ =	shalt  }
0x49: {  	_ =	shalt  }
0x4a: {  	_ =	shalt  }
0x4b: {  	_ =	shalt  }
0x4c: {  	_ =	shalt  }
0x4d: {  	_ =	shalt  }
0x4e: {  	_ =	shalt  }
0x4f: {  	_ =	shalt  }
0x50: {  	_ =	shalt  }
0x51: {  	_ =	shalt  }
0x52: {  	_ =	shalt  }
0x53: {  	_ =	shalt  }
0x54: {  	_ =	shalt  }
0x55: {  	_ =	shalt  }
0x56: {  	_ =	shalt  }
0x57: {  	_ =	shalt  }
0x58: {  	_ =	shalt  }
0x59: {  	_ =	shalt  }
0x5a: {  	_ =	shalt  }
0x5b: {  	_ =	shalt  }
0x5c: {  	_ =	shalt  }
0x5d: {  	_ =	shalt  }
0x5e: {  	_ =	shalt  }
0x5f: {  	_ =	shalt  }
0x60: {  	_ =	shalt  }
0x61: {  	_ =	shalt  }
0x62: {  	_ =	shalt  }
0x63: {  	_ =	shalt  }
0x64: {  	_ =	shalt  }
0x65: {  	_ =	shalt  }
0x66: {  	_ =	shalt  }
0x67: {  	_ =	shalt  }
0x68: {  	_ =	shalt  }
0x69: {  	_ =	shalt  }
0x6a: {  	_ =	shalt  }
0x6b: {  	_ =	shalt  }
0x6c: {  	_ =	shalt  }
0x6d: {  	_ =	shalt  }
0x6e: {  	_ =	shalt  }
0x6f: {  	_ =	shalt  }
0x70: {  	_ =	shalt  }
0x71: {  	_ =	shalt  }
0x72: {  	_ =	shalt  }
0x73: {  	_ =	shalt  }
0x74: {  	_ =	shalt  }
0x75: {  	_ =	shalt  }
0x76: {  	_ =	shalt  }
0x77: {  	_ =	shalt  }
0x78: {  	_ =	shalt  }
0x79: {  	_ =	shalt  }
0x7a: {  	_ =	shalt  }
0x7b: {  	_ =	shalt  }
0x7c: {  	_ =	shalt  }
0x7d: {  	_ =	shalt  }
0x7e: {  	_ =	shalt  }
0x7f: {  	_ =	shalt  }
0x80: {  	_ =	shalt  }
0x81: {  	_ =	shalt  }
0x82: {  	_ =	shalt  }
0x83: {  	_ =	shalt  }
0x84: {  	_ =	shalt  }
0x85: {  	_ =	shalt  }
0x86: {  	_ =	shalt  }
0x87: {  	_ =	shalt  }
.Lfunc_end0:
.L_simem_size_0:
called_computation.3_lowered:
.L_overlay_start_0:
0x88: {  	s2 =	sld [smem:$0x3FD9]  }
0x89: {  	s3 =	sld [smem:$0x3FFE];
	_ =	sdelay $0x1  }
0x8a: {  	s1 =	srdreg.scid  }
0x8b: {  	s0 =	sand.u32 $0x1, s1  }
0x8c: {  	s16 =	sshll.u32 s0, $0xA;
	s2 =	sadd.s32 s3, s2  }
0x8d: {  	s2 =	sadd.s32 s2, s16  }
0x8e: {  	[smem:$0x3FBC] =	sst s2  }
0x8f: {  	_ = 	snop  }
0x90: {  	(tm) =	ssettm $0x1  }
0x91: {  	s17 =	sld [smem:$0x3FFB];
	_ =	sdelay $0x3  }
0x92: {  	_ =	strace s17  }
0x93: {  	s2 =	sld [smem:$0x3FFC];
	_ =	sdelay $0x3  }
0x94: {  	_ =	strace s2  }
0x95: {  	s2 =	sld [smem:$0x3FFD];
	_ =	sdelay $0x3  }
0x96: {  	_ =	strace s2  }
0x97: {  	_ =	strace $0x8FFFFFFF  }
0x98: {  	s18 =	sld [smem:$0x3FDB];
	_ =	sdelay $0x1  }
0x99: {  	s19 =	simm.s32 $_scs_section_size  }
0x9a: {  	s4 =	simm.s32 $_size__tile_overlayer_lowered;
	s5 =	simm.s32 $_tile_overlayer_lowered  }
0x9b: {  	s22 =	simm.s32 $0x1BFF;
	s21 =	sshll.u32 s5, $0x1;
	s2 =	sadd.s32 s19, s18  }
0x9c: {  	s6 =	simm.s32 $0x0;
	s20 =	sshll.u32 s4, $0x1;
	s4 =	sadd.s32 s21, s2  }
0x9d: {  	[timem:s6], [sflag:s22] =	dma.local [hbm:s4], s20  }
0x9e: {  	_ =	swait.ge [sflag:s22], s20  }
0x9f: {  	s3 =	ssub.s32 $0x0, s20;
	[sflag:s22] =	ssyncset.done $0x0  }
0xa0: {  	[sflag:s22] =	ssyncadd.s32 s3;
	_ =	sdelay $0x1  }
0xa1: {  	s23 =	simm.s32 $0x1B8B  }
0xa2: {  	_ =	swait.ge [sflag:s23], $0x1  }
0xa3: {  	[sflag:s23] =	ssyncset.done $0x0  }
0xa4: {  	s25 =	simm.s32 $0x1B8E;
	s24 =	sld [smem:$0x3FFE];
	[sflag:s23] =	ssyncadd.s32 $0xFFFFFFFF  }
0xa5: {  	s26 =	simm.s32 $execute0_lowered;
	[smem:$0x3FD2] =	sst s25  }
0xa6: {  	s4 =	sshll.u32 s26, $0x1;
	_ =	strace $0x8000004F;
	[dreg:$0x1] =	wrdreg $0xFFFFFFFF  }
0xa7: {  	s28 =	simm.s32 $_size_execute0_lowered;
	s2 =	sadd.s32 s2, s4;
	[dreg:$0x0] =	wrdreg $0x0  }
0xa8: {  	s4 =	sshll.u32 s28, $0x1;
	[dreg:$0x2] =	wrdreg s2  }
0xa9: {  	[dreg:$0x3] =	wrdreg s4  }
0xaa: {  	[dreg:$0x4] =	wrdreg $0xC0  }
0xab: {  	_ =	task [dreg:s6], $0x5FFFF  }
0xac: {  	[dreg:$0x1] =	wrdreg $0xFFFFFFFF  }
0xad: {  	[dreg:$0x0] =	wrdreg $0x60  }
0xae: {  	[dreg:$0x2] =	wrdreg s24  }
0xaf: {  	[dreg:$0x3] =	wrdreg $0x9  }
0xb0: {  	_ =	task.clear_ibuf [dreg:s6], $0x4FFFF;
	_ =	strace $0x9000004F  }
0xb1: {  	s29 =	simm.s32 $0x9;
	_ =	strace $0x80000051  }
0xb2: {  	_ =	swait.ge [sflag:s29], $0x1  }
0xb3: {  	[sflag:s29] =	ssyncadd.s32 $0xFFFFFFFF  }
0xb4: {  	_ =	strace $0x90000051  }
0xb5: {  	_ =	sfence  }
0xb6: {  	s30 =	sld [smem:$0x0];
	_ =	sdelay $0x2  }
0xb7: {  	s31 =	sshll.u32 s1, $0xD;
	s1 =	sshrl.u32 s1, $0x2  }
0xb8: {  	s3 =	sand.u32 $0x4000, s31;
	s1 =	sadd.s32 s1, s30  }
0xb9: {  	s0 =	sor.u32 s3, s0;
	s1 =	sshll.u32 s1, $0x11  }
0xba: {  	s0 =	sor.u32 s1, s0  }
0xbb: {  	s0 =	sadd.s32 $0x8F2B, s0  }
0xbc: {  	[sflag:s0] =	ssyncadd.remote.s32 $0x1  }
0xbd: {  	_ =	sfence.sel $0xFFFF  }
0xbe: {  	[dreg:$0x0] =	wrdreg $0xFFFFFFFF;
	(pc) =	sbr.abs _section_cstart, $3  }
0xbf: {  	[dreg:$0x1] =	wrdreg $0xFFFFFFFF  }
0xc0: {  	_ =	task.clear_ibuf [dreg:s6], $0x2FFFF;
	_ =	strace $0x9FFFFFFF  }
0xc1: {  	(tm) =	ssettm $0x7FFFFFFF  }
tec
execute0_lowered:
.L_overlay_start_1:
0x0: {  	(tag) =	ssettag $0x1  }
0x1: {  	s1 =	srdreg.scid  }
0x2: {  	s0 =	stileid.u32;
	s6 =	rddreg [dreg:$0x0]  }
0x3: {  	s2 =	simm.s32 $0x0;
	s13 =	simm.s32 $0x12A00;
	s14 =	simm.s32 $0x10A80  }
0x4: {  	s15 =	simm.s32 $0x14980;
	s16 =	simm.s32 $0x1;
	s17 =	simm.s32 $0x2  }
0x5: {  	s18 =	simm.s32 $0x9CA0;
	s4 =	sand.u32 $0x1, s1;
	s1 =	rddreg [dreg:$0x1]  }
0x6: {  	s19 =	simm.s32 $0x0;
	s30 =	sshll.u32 s0, $0x1;
	[smem:$0x7FF] =	sst s2  }
0x7: {  	s3 =	sadd.s32 $0x22200, s6;
	s12 =	sadd.s32 $0x2C000, s6;
	s5 =	sor.u32 s4, s30  }
0x8: {  	_ =	strace $0x80000050;
	s9 =	ssub.s32 $0x2, s4;
	s7 =	smul.u32 $0x9C4, s5  }
0x9: {  	s4 =	sadd.s32 $0x18400, s6;
	s10 =	smul.u32 $0x4E20, s5;
	s11 =	sshrl.u32 s9, $0x1  }
0xa: {  	s5 =	sadd.s32 $0x16A00, s6;
	s9 =	ssub.s32 s9, s11;
	s11 =	simm.s32 $0x4E80  }
0xb: {  	s8 =	sadd.s32 s7, s6;
	s10 =	sshrl.u32 s10, $0x3;
	s7 =	sadd.s32 s12, s7  }
0xc: {  	s9 =	smax.u32 s9, $0x1;
	s6 =	sadd.s32 $0x2E00, s8;
	s31 =	sadd.s32 s12, s10  }
0xd: {  	s10 =	simm.s32 $0x3;
	s12 =	simm.s32 $0xEB00;
	s8 =	sadd.s32 $0x13880, s31  }
.LBB2_1:
0xe: {  	[tilespmem:s2], [sflag:$0x3] =	stream.linear.gather [hbm4b:s6+s2], $0x4E20, $0x38;
	[tilespmem:$0x16900] =	vst v63  }
0xf: {  	_ =	swait.ge [sflag:s10], $0x4E20  }
0x10: {  	[sflag:s10] =	ssyncset.done $0x0  }
0x11: {  	[sflag:s10] =	ssyncadd.s32 $0xFFFFB1E0  }
0x12: {  	[tilespmem:s11], [sflag:$0x3] =	stream.linear.gather [hbm4b:s5+s2], $0x9C80, $0x38;
	[tilespmem:$0x16900] =	vst v63  }
0x13: {  	_ =	swait.ge [sflag:s10], $0x9C80  }
0x14: {  	[sflag:s10] =	ssyncset.done $0x0  }
0x15: {  	[sflag:s10] =	ssyncadd.s32 $0xFFFF6380  }
0x16: {  	[tilespmem:s12], [sflag:$0x1] =	stream.linear.gather [hbm4b:s3+s2], $0x1F40, $0x38;
	[tilespmem:$0x16900] =	vst v63  }
0x17: {  	s20 =	simm.s32 $0x0  }
0x18: {  	[tilespmem:s13], [sflag:$0x1] =	stream.linear.gather [hbm4b:s4+s2], $0x1F40, $0x38;
	[tilespmem:$0x16900] =	vst v63  }
.LBB2_3:
0x19: {  	s21 =	smul.u32 $0x3E80, s20;
	_ =	sdelay $0x1  }
0x1a: {  	s22 =	sshrl.u32 s21, $0x3  }
0x1b: {  	s22 =	sadd.s32 $0x3E8, s22  }
0x1c: {  	s23 =	sadd.s32 s3, s22  }
0x1d: {  	[tilespmem:s14], [sflag:$0x2] =	stream.linear.gather [hbm4b:s23+s2], $0x1F40, $0x38;
	[tilespmem:$0x16900] =	vst v63  }
0x1e: {  	s22 =	sadd.s32 s4, s22  }
0x1f: {  	[tilespmem:s15], [sflag:$0x2] =	stream.linear.gather [hbm4b:s22+s2], $0x1F40, $0x38;
	[tilespmem:$0x16900] =	vst v63  }
0x20: {  	_ =	swait.ge [sflag:s16], $0x1F40  }
0x21: {  	[sflag:s16] =	ssyncset.done $0x0  }
0x22: {  	[sflag:s16] =	ssyncadd.s32 $0xFFFFE0C0  }
0x23: {  	_ =	swait.ge [sflag:s16], $0x1F40  }
0x24: {  	[sflag:s16] =	ssyncset.done $0x0  }
0x25: {  	s31 =	simm.s32 $0xEB40;
	[sflag:s16] =	ssyncadd.s32 $0xFFFFE0C0  }
0x26: {  	v0 =	vld [tilespmem:s31+$0x30]  }
0x27: {  	v1 =	vld [tilespmem:s31+$0xFFFFFFD0]  }
0x28: {  	v2 =	vld [tilespmem:s31+$0xFFFFFFE0]  }
0x29: {  	v3 =	vld [tilespmem:s31+$0xFFFFFFF0]  }
0x2a: {  	v4 =	vld [tilespmem:s31+$0x0]  }
0x2b: {  	v6 =	vld [tilespmem:s31+$0x10];
	v5 =	vand.u32 $0xFFFF, v0  }
0x2c: {  	v8 =	vld [tilespmem:s31+$0xFFFFFFC0]  }
0x2d: {  	s22 =	simm.s32 $0x12A40;
	v9 =	vld [tilespmem:s31+$0x20]  }
0x2e: {  	v17 =	vld [tilespmem:s22+$0x30]  }
0x2f: {  	v50 =	vld [tilespmem:s22+$0xFFFFFFD0]  }
0x30: {  	v13 =	vld.idx.msk [tilespmem:v5+s2+$0x0], $0xffff  }
0x31: {  	v51 =	vld [tilespmem:s22+$0xFFFFFFE0];
	v7 =	vand.u32 $0xFFFF, v1  }
0x32: {  	v27 =	vld [tilespmem:s22+$0xFFFFFFF0];
	v16 =	vand.u32 $0xFFFF, v8  }
0x33: {  	v30 =	vld [tilespmem:s22+$0x0];
	v0 =	vshrl.u32 v0, $0x10  }
0x34: {  	v32 =	vld [tilespmem:s22+$0x10];
	v22 =	vadd.s32 $0x4E20, v0  }
0x35: {  	v34 =	vld [tilespmem:s22+$0x20];
	v24 =	vshll.u32 v13, $0x10  }
0x36: {  	v15 =	vld.idx.msk [tilespmem:v7+s2+$0x0], $0xffff;
	v5 =	vadd.s32 $0x2710, v5;
	v13 =	vand.u32 $0xFFFF0000, v13;
	v24 =	vmul.f32 v24, v17  }
0x37: {  	v10 =	vand.u32 $0xFFFF, v2;
	v25 =	vld.idx.msk [tilespmem:v16+s2+$0x0], $0xffff;
	v13 =	vmul.f32 v13, v17  }
0x38: {  	v11 =	vand.u32 $0xFFFF, v3;
	[tilespmem:v0+s11+$0x0] =	vst.idx.add.f32.msk $0xffff, v24  }
0x39: {  	v12 =	vand.u32 $0xFFFF, v4;
	[tilespmem:v22+s11+$0x0] =	vst.idx.add.f32.msk $0xffff, v13  }
0x3a: {  	v14 =	vand.u32 $0xFFFF, v6;
	v13 =	vld [tilespmem:s22+$0xFFFFFFC0]  }
0x3b: {  	v18 =	vand.u32 $0xFFFF, v9;
	v5 =	vld.idx.msk [tilespmem:v5+s2+$0x0], $0xffff  }
0x3c: {  	v8 =	vshrl.u32 v8, $0x10;
	v19 =	vld.idx.msk [tilespmem:v10+s2+$0x0], $0xffff  }
0x3d: {  	v31 =	vadd.s32 $0x4E20, v8;
	v20 =	vld.idx.msk [tilespmem:v11+s2+$0x0], $0xffff  }
0x3e: {  	v1 =	vshrl.u32 v1, $0x10;
	v28 =	vadd.s32 $0x2710, v0;
	v21 =	vld.idx.msk [tilespmem:v12+s2+$0x0], $0xffff;
	v29 =	vshll.u32 v25, $0x10  }
0x3f: {  	v23 =	vld.idx.msk [tilespmem:v14+s2+$0x0], $0xffff;
	v25 =	vand.u32 $0xFFFF0000, v25;
	v0 =	vadd.s32 $0x7530, v0;
	v29 =	vmul.f32 v29, v13  }
0x40: {  	v2 =	vshrl.u32 v2, $0x10;
	v26 =	vld.idx.msk [tilespmem:v18+s2+$0x0], $0xffff;
	v25 =	vmul.f32 v25, v13;
	v33 =	vshll.u32 v5, $0x10  }
0x41: {  	v35 =	vadd.s32 $0x4E20, v1;
	v5 =	vand.u32 $0xFFFF0000, v5;
	v33 =	vmul.f32 v33, v17;
	[tilespmem:v8+s11+$0x0] =	vst.idx.add.f32.msk $0xffff, v29  }
0x42: {  	v4 =	vshrl.u32 v4, $0x10;
	v52 =	vshll.u32 v15, $0x10;
	v5 =	vmul.f32 v5, v17;
	[tilespmem:v31+s11+$0x0] =	vst.idx.add.f32.msk $0xffff, v25  }
0x43: {  	v53 =	vadd.s32 $0x4E20, v2;
	v15 =	vand.u32 $0xFFFF0000, v15;
	v17 =	vmul.f32 v52, v50;
	[tilespmem:v28+s11+$0x0] =	vst.idx.add.f32.msk $0xffff, v33  }
0x44: {  	[tilespmem:v0+s11+$0x0] =	vst.idx.add.f32.msk $0xffff, v5;
	v0 =	vshrl.u32 v3, $0x10;
	v3 =	vshll.u32 v19, $0x10;
	v5 =	vmul.f32 v15, v50  }
0x45: {  	[tilespmem:v1+s11+$0x0] =	vst.idx.add.f32.msk $0xffff, v17;
	v19 =	vand.u32 $0xFFFF0000, v19;
	v15 =	vadd.s32 $0x4E20, v0;
	v3 =	vmul.f32 v3, v51  }
0x46: {  	v11 =	vadd.s32 $0x2710, v11;
	v54 =	vshll.u32 v20, $0x10;
	v19 =	vmul.f32 v19, v51;
	[tilespmem:v35+s11+$0x0] =	vst.idx.add.f32.msk $0xffff, v5  }
0x47: {  	v20 =	vand.u32 $0xFFFF0000, v20;
	v17 =	vmul.f32 v54, v27;
	v5 =	vadd.s32 $0x4E20, v4;
	[tilespmem:v2+s11+$0x0] =	vst.idx.add.f32.msk $0xffff, v3  }
0x48: {  	v20 =	vmul.f32 v20, v27;
	v3 =	vshrl.u32 v6, $0x10;
	v6 =	vshll.u32 v21, $0x10;
	[tilespmem:v53+s11+$0x0] =	vst.idx.add.f32.msk $0xffff, v19  }
0x49: {  	v21 =	vand.u32 $0xFFFF0000, v21;
	v6 =	vmul.f32 v6, v30;
	[tilespmem:v0+s11+$0x0] =	vst.idx.add.f32.msk $0xffff, v17  }
0x4a: {  	v56 =	vshrl.u32 v9, $0x10;
	v21 =	vmul.f32 v21, v30;
	[tilespmem:v15+s11+$0x0] =	vst.idx.add.f32.msk $0xffff, v20  }
0x4b: {  	v9 =	vshll.u32 v23, $0x10;
	v15 =	vadd.s32 $0x2710, v16;
	[tilespmem:v4+s11+$0x0] =	vst.idx.add.f32.msk $0xffff, v6  }
0x4c: {  	v58 =	vshll.u32 v26, $0x10;
	v9 =	vmul.f32 v9, v32;
	v6 =	vadd.s32 $0x4E20, v56;
	[tilespmem:v5+s11+$0x0] =	vst.idx.add.f32.msk $0xffff, v21  }
0x4d: {  	v5 =	vadd.s32 $0x2710, v7;
	v7 =	vmul.f32 v58, v34;
	v11 =	vld.idx.msk [tilespmem:v11+s2+$0x0], $0xffff  }
0x4e: {  	v55 =	vadd.s32 $0x4E20, v3;
	[tilespmem:v3+s11+$0x0] =	vst.idx.add.f32.msk $0xffff, v9;
	v9 =	vadd.s32 $0x2710, v10;
	v10 =	vand.u32 $0xFFFF0000, v26  }
0x4f: {  	v10 =	vmul.f32 v10, v34;
	[tilespmem:v56+s11+$0x0] =	vst.idx.add.f32.msk $0xffff, v7  }
0x50: {  	v14 =	vadd.s32 $0x2710, v14;
	v57 =	vand.u32 $0xFFFF0000, v23;
	v7 =	vadd.s32 $0x2710, v12;
	v12 =	vld.idx.msk [tilespmem:v15+s2+$0x0], $0xffff  }
0x51: {  	v16 =	vmul.f32 v57, v32;
	[tilespmem:v6+s11+$0x0] =	vst.idx.add.f32.msk $0xffff, v10  }
0x52: {  	v6 =	vadd.s32 $0x2710, v18;
	v5 =	vld.idx.msk [tilespmem:v5+s2+$0x0], $0xffff  }
0x53: {  	[tilespmem:v55+s11+$0x0] =	vst.idx.add.f32.msk $0xffff, v16;
	v10 =	vadd.s32 $0x2710, v8  }
0x54: {  	v59 =	vadd.s32 $0x2710, v2;
	v8 =	vadd.s32 $0x7530, v8;
	v9 =	vld.idx.msk [tilespmem:v9+s2+$0x0], $0xffff  }
0x55: {  	v61 =	vadd.s32 $0x2710, v0;
	v14 =	vld.idx.msk [tilespmem:v14+s2+$0x0], $0xffff;
	v15 =	vadd.s32 $0x2710, v1;
	v60 =	vshll.u32 v12, $0x10  }
0x56: {  	v1 =	vadd.s32 $0x7530, v1;
	v7 =	vld.idx.msk [tilespmem:v7+s2+$0x0], $0xffff;
	v12 =	vand.u32 $0xFFFF0000, v12;
	v18 =	vmul.f32 v60, v13  }
0x57: {  	v2 =	vadd.s32 $0x7530, v2;
	v6 =	vld.idx.msk [tilespmem:v6+s2+$0x0], $0xffff;
	v62 =	vshll.u32 v5, $0x10;
	v12 =	vmul.f32 v12, v13  }
0x58: {  	v13 =	vadd.s32 $0x7530, v0;
	v0 =	vand.u32 $0xFFFF0000, v5;
	v5 =	vmul.f32 v62, v50;
	[tilespmem:v10+s11+$0x0] =	vst.idx.add.f32.msk $0xffff, v18  }
0x59: {  	v63 =	vshll.u32 v9, $0x10;
	v0 =	vmul.f32 v0, v50;
	v9 =	vand.u32 $0xFFFF0000, v9;
	[tilespmem:v8+s11+$0x0] =	vst.idx.add.f32.msk $0xffff, v12  }
0x5a: {  	v10 =	vadd.s32 $0x2710, v4;
	v8 =	vadd.s32 $0x7530, v4;
	[tilespmem:v15+s11+$0x0] =	vst.idx.add.f32.msk $0xffff, v5;
	v12 =	vmul.f32 v63, v51  }
0x5b: {  	v4 =	vadd.s32 $0x2710, v3;
	v15 =	vshll.u32 v11, $0x10;
	[tilespmem:v1+s11+$0x0] =	vst.idx.add.f32.msk $0xffff, v0;
	v1 =	vmul.f32 v9, v51  }
0x5c: {  	v5 =	vadd.s32 $0x7530, v3;
	v3 =	vand.u32 $0xFFFF0000, v11;
	v9 =	vmul.f32 v15, v27;
	[tilespmem:v59+s11+$0x0] =	vst.idx.add.f32.msk $0xffff, v12  }
0x5d: {  	v11 =	vshll.u32 v7, $0x10;
	v0 =	vadd.s32 $0x2710, v56;
	v3 =	vmul.f32 v3, v27;
	[tilespmem:v2+s11+$0x0] =	vst.idx.add.f32.msk $0xffff, v1  }
0x5e: {  	v12 =	vshll.u32 v6, $0x10;
	v1 =	vand.u32 $0xFFFF0000, v7;
	v7 =	vmul.f32 v11, v30;
	[tilespmem:v61+s11+$0x0] =	vst.idx.add.f32.msk $0xffff, v9  }
0x5f: {  	v2 =	vshll.u32 v14, $0x10;
	v11 =	vand.u32 $0xFFFF0000, v14;
	v14 =	vmul.f32 v1, v30;
	[tilespmem:v13+s11+$0x0] =	vst.idx.add.f32.msk $0xffff, v3  }
0x60: {  	s26 =	simm.s32 $0x0;
	s24 =	simm.s32 $0x14900;
	v6 =	vand.u32 $0xFFFF0000, v6;
	v9 =	vmul.f32 v2, v32;
	v13 =	vmul.f32 v11, v32;
	[tilespmem:v10+s11+$0x0] =	vst.idx.add.f32.msk $0xffff, v7  }
0x61: {  	s25 =	simm.s32 $0x10A00;
	s28 =	simm.s32 $0xEBC0;
	s23 =	simm.s32 $0x1EF0;
	v1 =	vadd.s32 $0x7530, v56;
	v3 =	vmul.f32 v12, v34;
	v2 =	vmul.f32 v6, v34;
	[tilespmem:v8+s11+$0x0] =	vst.idx.add.f32.msk $0xffff, v14  }
.LBB2_4:
0x62: {  	v17 =	vld [tilespmem:s28+$0x30]  }
0x63: {  	v6 =	vld [tilespmem:s28+$0xFFFFFFD0]  }
0x64: {  	s26 =	sadd.s32 $0x80, s26;
	v7 =	vld [tilespmem:s28+$0xFFFFFFE0]  }
0x65: {  	p0 =	slt.u32 s26, $0x1E80;
	v8 =	vld [tilespmem:s28+$0xFFFFFFF0]  }
0x66: {  	v10 =	vld [tilespmem:s28+$0x0]  }
0x67: {  	v14 =	vld [tilespmem:s28+$0x10];
	v18 =	vand.u32 $0xFFFF, v17  }
0x68: {  	v19 =	vand.u32 $0xFFFF, v6;
	v11 =	vshrl.u32 v6, $0x10;
	v16 =	vld [tilespmem:s28+$0x20]  }
0x69: {  	v20 =	vld [tilespmem:s28+$0xFFFFFFC0];
	v12 =	vadd.s32 $0x4E20, v11;
	v21 =	vand.u32 $0xFFFF, v7;
	v6 =	vshrl.u32 v7, $0x10  }
0x6a: {  	v7 =	vadd.s32 $0x4E20, v6;
	v22 =	vand.u32 $0xFFFF, v8;
	v8 =	vshrl.u32 v8, $0x10;
	[tilespmem:v4+s11+$0x0] =	vst.idx.add.f32.msk $0xffff, v9  }
0x6b: {  	v9 =	vadd.s32 $0x4E20, v8;
	v4 =	vand.u32 $0xFFFF, v10;
	v10 =	vshrl.u32 v10, $0x10;
	[tilespmem:v5+s11+$0x0] =	vst.idx.add.f32.msk $0xffff, v13  }
0x6c: {  	v13 =	vadd.s32 $0x4E20, v10;
	v5 =	vand.u32 $0xFFFF, v14;
	v14 =	vshrl.u32 v14, $0x10;
	v23 =	vld.idx.msk [tilespmem:v18+s2+$0x0], $0xffff  }
0x6d: {  	s22 =	sadd.s32 $0x80, s22;
	v24 =	vld.idx.msk [tilespmem:v19+s2+$0x0], $0xffff;
	v15 =	vadd.s32 $0x4E20, v14;
	v25 =	vand.u32 $0xFFFF, v16;
	v16 =	vshrl.u32 v16, $0x10  }
0x6e: {  	v26 =	vand.u32 $0xFFFF, v20;
	v27 =	vshrl.u32 v20, $0x10;
	v28 =	vadd.s32 $0x4E20, v16;
	v29 =	vld [tilespmem:s22+$0x30]  }
0x6f: {  	v32 =	vadd.s32 $0x2710, v19;
	v30 =	vadd.s32 $0x4E20, v27;
	v31 =	vadd.s32 $0x2710, v26;
	v19 =	vld.idx.msk [tilespmem:v21+s2+$0x0], $0xffff  }
0x70: {  	v35 =	vshrl.u32 v17, $0x10;
	v33 =	vadd.s32 $0x2710, v21;
	v34 =	vadd.s32 $0x2710, v22;
	v20 =	vld.idx.msk [tilespmem:v22+s2+$0x0], $0xffff  }
0x71: {  	v36 =	vadd.s32 $0x2710, v4;
	v37 =	vadd.s32 $0x2710, v5;
	v21 =	vld.idx.msk [tilespmem:v4+s2+$0x0], $0xffff;
	v4 =	vadd.s32 $0x4E20, v35  }
0x72: {  	v38 =	vadd.s32 $0x2710, v25;
	v22 =	vadd.s32 $0x2710, v18;
	v17 =	vshll.u32 v23, $0x10;
	v5 =	vld.idx.msk [tilespmem:v5+s2+$0x0], $0xffff  }
0x73: {  	v18 =	vand.u32 $0xFFFF0000, v23;
	v39 =	vshll.u32 v24, $0x10;
	v26 =	vld.idx.msk [tilespmem:v26+s2+$0x0], $0xffff;
	v23 =	vmul.f32 v17, v29  }
0x74: {  	v24 =	vand.u32 $0xFFFF0000, v24;
	v17 =	vadd.s32 $0x2710, v27;
	v40 =	vmul.f32 v18, v29;
	v25 =	vld.idx.msk [tilespmem:v25+s2+$0x0], $0xffff  }
0x75: {  	v18 =	vadd.s32 $0x7530, v27;
	v41 =	vshll.u32 v19, $0x10;
	v42 =	vand.u32 $0xFFFF0000, v19;
	[tilespmem:v35+s11+$0x0] =	vst.idx.add.f32.msk $0xffff, v23  }
0x76: {  	v19 =	vadd.s32 $0x2710, v11;
	v23 =	vshll.u32 v20, $0x10;
	v43 =	vand.u32 $0xFFFF0000, v20;
	[tilespmem:v4+s11+$0x0] =	vst.idx.add.f32.msk $0xffff, v40  }
0x77: {  	v20 =	vadd.s32 $0x7530, v11;
	v40 =	vshll.u32 v21, $0x10;
	v44 =	vand.u32 $0xFFFF0000, v21;
	v45 =	vld.idx.msk [tilespmem:v22+s2+$0x0], $0xffff  }
0x78: {  	v21 =	vadd.s32 $0x2710, v6;
	v47 =	vshll.u32 v5, $0x10;
	v48 =	vand.u32 $0xFFFF0000, v5;
	v46 =	vld [tilespmem:s22+$0xFFFFFFC0]  }
0x79: {  	v50 =	vadd.s32 $0x7530, v6;
	v5 =	vshll.u32 v26, $0x10;
	v26 =	vand.u32 $0xFFFF0000, v26;
	v49 =	vld [tilespmem:s22+$0xFFFFFFD0]  }
0x7a: {  	v52 =	vadd.s32 $0x2710, v8;
	v53 =	vshll.u32 v25, $0x10;
	v25 =	vand.u32 $0xFFFF0000, v25;
	v51 =	vld [tilespmem:s22+$0xFFFFFFE0]  }
0x7b: {  	v56 =	vadd.s32 $0x2710, v35;
	v55 =	vadd.s32 $0x7530, v8;
	v22 =	vadd.s32 $0x2710, v10;
	v54 =	vld [tilespmem:s22+$0xFFFFFFF0]  }
0x7c: {  	v58 =	vadd.s32 $0x7530, v10;
	v35 =	vadd.s32 $0x7530, v35;
	v4 =	vadd.s32 $0x2710, v14;
	v57 =	vld [tilespmem:s22+$0x0]  }
0x7d: {  	v60 =	vshll.u32 v45, $0x10;
	v5 =	vmul.f32 v5, v46;
	v26 =	vmul.f32 v26, v46;
	v59 =	vld [tilespmem:s22+$0x10]  }
0x7e: {  	v45 =	vand.u32 $0xFFFF0000, v45;
	v60 =	vmul.f32 v60, v29;
	v39 =	vmul.f32 v39, v49;
	v61 =	vld [tilespmem:s22+$0x20]  }
0x7f: {  	v24 =	vmul.f32 v24, v49;
	[tilespmem:v27+s11+$0x0] =	vst.idx.add.f32.msk $0xffff, v5;
	v5 =	vadd.s32 $0x7530, v14;
	v27 =	vmul.f32 v45, v29  }
0x80: {  	v29 =	vmul.f32 v41, v51;
	v41 =	vmul.f32 v42, v51;
	v42 =	vadd.s32 $0x2710, v16;
	[tilespmem:v56+s11+$0x0] =	vst.idx.add.f32.msk $0xffff, v60  }
0x81: {  	v45 =	vadd.s32 $0x7530, v16;
	v23 =	vmul.f32 v23, v54;
	v43 =	vmul.f32 v43, v54;
	[tilespmem:v35+s11+$0x0] =	vst.idx.add.f32.msk $0xffff, v27  }
0x82: {  	v27 =	vmul.f32 v44, v57;
	[tilespmem:v30+s11+$0x0] =	vst.idx.add.f32.msk $0xffff, v26;
	v26 =	vmul.f32 v40, v57  }
0x83: {  	v30 =	vmul.f32 v48, v59;
	[tilespmem:v11+s11+$0x0] =	vst.idx.add.f32.msk $0xffff, v39;
	v11 =	vmul.f32 v47, v59  }
0x84: {  	[tilespmem:v12+s11+$0x0] =	vst.idx.add.f32.msk $0xffff, v24;
	v12 =	vmul.f32 v53, v61;
	v24 =	vmul.f32 v25, v61  }
0x85: {  	[tilespmem:v6+s11+$0x0] =	vst.idx.add.f32.msk $0xffff, v29  }
0x86: {  	[tilespmem:v7+s11+$0x0] =	vst.idx.add.f32.msk $0xffff, v41  }
0x87: {  	[tilespmem:v8+s11+$0x0] =	vst.idx.add.f32.msk $0xffff, v23  }
0x88: {  	[tilespmem:v9+s11+$0x0] =	vst.idx.add.f32.msk $0xffff, v43  }
0x89: {  	[tilespmem:v10+s11+$0x0] =	vst.idx.add.f32.msk $0xffff, v26  }
0x8a: {  	[tilespmem:v13+s11+$0x0] =	vst.idx.add.f32.msk $0xffff, v27  }
0x8b: {  	[tilespmem:v14+s11+$0x0] =	vst.idx.add.f32.msk $0xffff, v11  }
0x8c: {  	[tilespmem:v15+s11+$0x0] =	vst.idx.add.f32.msk $0xffff, v30  }
0x8d: {  	[tilespmem:v16+s11+$0x0] =	vst.idx.add.f32.msk $0xffff, v12  }
0x8e: {  	[tilespmem:v28+s11+$0x0] =	vst.idx.add.f32.msk $0xffff, v24  }
0x8f: {  	v6 =	vld.idx.msk [tilespmem:v31+s2+$0x0], $0xffff  }
0x90: {  	v7 =	vld.idx.msk [tilespmem:v32+s2+$0x0], $0xffff  }
0x91: {  	v8 =	vld.idx.msk [tilespmem:v33+s2+$0x0], $0xffff  }
0x92: {  	v9 =	vld.idx.msk [tilespmem:v34+s2+$0x0], $0xffff  }
0x93: {  	v10 =	vld.idx.msk [tilespmem:v36+s2+$0x0], $0xffff  }
0x94: {  	v11 =	vld.idx.msk [tilespmem:v37+s2+$0x0], $0xffff  }
0x95: {  	v12 =	vshll.u32 v6, $0x10;
	v6 =	vand.u32 $0xFFFF0000, v6;
	v13 =	vld.idx.msk [tilespmem:v38+s2+$0x0], $0xffff  }
0x96: {  	v12 =	vmul.f32 v12, v46;
	v14 =	vshll.u32 v7, $0x10;
	v7 =	vand.u32 $0xFFFF0000, v7;
	[tilespmem:v0+s11+$0x0] =	vst.idx.add.f32.msk $0xffff, v3;
	v0 =	vmovc v42  }
0x97: {  	v3 =	vmul.f32 v6, v46;
	v6 =	vshll.u32 v8, $0x10;
	v8 =	vand.u32 $0xFFFF0000, v8;
	[tilespmem:v1+s11+$0x0] =	vst.idx.add.f32.msk $0xffff, v2;
	v1 =	vmovc v45  }
0x98: {  	v2 =	vmul.f32 v14, v49;
	[tilespmem:v17+s11+$0x0] =	vst.idx.add.f32.msk $0xffff, v12;
	v12 =	vshll.u32 v9, $0x10;
	v9 =	vand.u32 $0xFFFF0000, v9  }
0x99: {  	[tilespmem:v18+s11+$0x0] =	vst.idx.add.f32.msk $0xffff, v3;
	v3 =	vmul.f32 v7, v49;
	v7 =	vshll.u32 v10, $0x10;
	v10 =	vand.u32 $0xFFFF0000, v10  }
0x9a: {  	[tilespmem:v19+s11+$0x0] =	vst.idx.add.f32.msk $0xffff, v2;
	v2 =	vmul.f32 v6, v51;
	v6 =	vshll.u32 v11, $0x10;
	v11 =	vand.u32 $0xFFFF0000, v11  }
0x9b: {  	v14 =	vand.u32 $0xFFFF0000, v13;
	[tilespmem:v20+s11+$0x0] =	vst.idx.add.f32.msk $0xffff, v3;
	v3 =	vmul.f32 v8, v51;
	v8 =	vshll.u32 v13, $0x10  }
0x9c: {  	[tilespmem:v21+s11+$0x0] =	vst.idx.add.f32.msk $0xffff, v2;
	v2 =	vmul.f32 v12, v54;
	v12 =	vmul.f32 v9, v54  }
.Ltmp0:
0x9d: {  	v7 =	vmul.f32 v7, v57;
	v10 =	vmul.f32 v10, v57;
	[tilespmem:v50+s11+$0x0] =	vst.idx.add.f32.msk $0xffff, v3;
	(pc) =	sbr.rel @p0 .LBB2_4-.Ltmp0, $4  }
0x9e: {  	v13 =	vmul.f32 v11, v59;
	v9 =	vmul.f32 v6, v59;
	[tilespmem:v52+s11+$0x0] =	vst.idx.add.f32.msk $0xffff, v2  }
0x9f: {  	v3 =	vmul.f32 v8, v61;
	v2 =	vmul.f32 v14, v61;
	[tilespmem:v55+s11+$0x0] =	vst.idx.add.f32.msk $0xffff, v12  }
0xa0: {  	[tilespmem:v22+s11+$0x0] =	vst.idx.add.f32.msk $0xffff, v7  }
0xa1: {  	s28 =	sadd.s32 $0x80, s28;
	[tilespmem:v58+s11+$0x0] =	vst.idx.add.f32.msk $0xffff, v10  }
0xa2: {  	_ =	sdelay $0x3  }
0xa3: {  	[tilespmem:v4+s11+$0x0] =	vst.idx.add.f32.msk $0xffff, v9  }
0xa4: {  	[tilespmem:v0+s11+$0x0] =	vst.idx.add.f32.msk $0xffff, v3  }
0xa5: {  	[tilespmem:v5+s11+$0x0] =	vst.idx.add.f32.msk $0xffff, v13  }
0xa6: {  	[tilespmem:v1+s11+$0x0] =	vst.idx.add.f32.msk $0xffff, v2  }
.LBB2_6:
0xa7: {  	v0 =	vld [tilespmem:s25+$0x0];
	_ =	sdelay $0x4  }
0xa8: {  	v1 =	vand.u32 $0xFFFF, v0;
	_ =	sdelay $0x4  }
0xa9: {  	v2 =	vld.idx.msk [tilespmem:v1+s2+$0x0], $0xffff  }
0xaa: {  	v3 =	vld [tilespmem:s24+$0x0];
	_ =	sdelay $0x1  }
0xab: {  	v0 =	vshrl.u32 v0, $0x10  }
0xac: {  	v4 =	vadd.s32 $0x4E20, v0  }
0xad: {  	v1 =	vadd.s32 $0x2710, v1;
	v5 =	vshll.u32 v2, $0x10  }
0xae: {  	v2 =	vand.u32 $0xFFFF0000, v2;
	v5 =	vmul.f32 v5, v3  }
0xaf: {  	v2 =	vmul.f32 v2, v3  }
0xb0: {  	[tilespmem:v0+s11+$0x0] =	vst.idx.add.f32.msk $0xffff, v5  }
0xb1: {  	[tilespmem:v4+s11+$0x0] =	vst.idx.add.f32.msk $0xffff, v2  }
0xb2: {  	v1 =	vld.idx.msk [tilespmem:v1+s2+$0x0], $0xffff;
	_ =	sdelay $0x2  }
0xb3: {  	s23 =	sadd.s32 $0x10, s23;
	v62 =	vadd.s32 $0x2710, v0  }
0xb4: {  	p0 =	slt.u32 s23, $0x1F30;
	v0 =	vadd.s32 $0x7530, v0  }
.Ltmp1:
0xb5: {  	v63 =	vshll.u32 v1, $0x10;
	(pc) =	sbr.rel @p0 .LBB2_6-.Ltmp1, $4  }
0xb6: {  	v1 =	vand.u32 $0xFFFF0000, v1;
	v4 =	vmul.f32 v63, v3  }
0xb7: {  	v1 =	vmul.f32 v1, v3  }
0xb8: {  	[tilespmem:v62+s11+$0x0] =	vst.idx.add.f32.msk $0xffff, v4  }
0xb9: {  	s24 =	sadd.s32 $0x10, s24;
	s25 =	sadd.s32 $0x10, s25;
	[tilespmem:v0+s11+$0x0] =	vst.idx.add.f32.msk $0xffff, v1  }
0xba: {  	p0 =	seq.s32 s20, $0x13  }
0xbb: {  	s21 =	sshrl.u32 @!p0 s21, $0x3  }
0xbc: {  	s21 =	sadd.s32 @!p0 $0x7D0, s21  }
0xbd: {  	s23 =	simm.s32 @!p0 $0x0;
	s24 =	simm.s32 @!p0 $0xEB00;
	s22 =	sadd.s32 @!p0 s3, s21  }
0xbe: {  	[tilespmem:s24], [sflag:$0x1] =	stream.linear.gather @!p0 [hbm4b:s22+s23], $0x1F40, $0x38;
	[tilespmem:$0x16900] =	vst v63  }
0xbf: {  	s21 =	sadd.s32 @!p0 s4, s21;
	s22 =	simm.s32 @!p0 $0x12A00  }
0xc0: {  	[tilespmem:s22], [sflag:$0x1] =	stream.linear.gather @!p0 [hbm4b:s21+s23], $0x1F40, $0x38;
	[tilespmem:$0x16900] =	vst v63  }
0xc1: {  	_ =	swait.ge [sflag:s17], $0x1F40  }
0xc2: {  	[sflag:s17] =	ssyncset.done $0x0  }
0xc3: {  	[sflag:s17] =	ssyncadd.s32 $0xFFFFE0C0  }
0xc4: {  	_ =	swait.ge [sflag:s17], $0x1F40  }
0xc5: {  	[sflag:s17] =	ssyncset.done $0x0  }
0xc6: {  	s31 =	simm.s32 $0x10AC0;
	[sflag:s17] =	ssyncadd.s32 $0xFFFFE0C0  }
0xc7: {  	v0 =	vld [tilespmem:s31+$0x30]  }
0xc8: {  	v1 =	vld [tilespmem:s31+$0xFFFFFFD0]  }
0xc9: {  	v2 =	vld [tilespmem:s31+$0xFFFFFFE0]  }
0xca: {  	v3 =	vld [tilespmem:s31+$0xFFFFFFF0]  }
0xcb: {  	v4 =	vld [tilespmem:s31+$0x0]  }
0xcc: {  	v6 =	vld [tilespmem:s31+$0x10];
	v5 =	vand.u32 $0xFFFF, v0  }
0xcd: {  	v8 =	vld [tilespmem:s31+$0xFFFFFFC0]  }
0xce: {  	s21 =	simm.s32 $0x149C0;
	v9 =	vld [tilespmem:s31+$0x20]  }
0xcf: {  	v17 =	vld [tilespmem:s21+$0x30]  }
0xd0: {  	v50 =	vld [tilespmem:s21+$0xFFFFFFD0]  }
0xd1: {  	v13 =	vld.idx.msk [tilespmem:v5+s2+$0x0], $0xffff  }
0xd2: {  	v51 =	vld [tilespmem:s21+$0xFFFFFFE0];
	v7 =	vand.u32 $0xFFFF, v1  }
0xd3: {  	v27 =	vld [tilespmem:s21+$0xFFFFFFF0];
	v16 =	vand.u32 $0xFFFF, v8  }
0xd4: {  	v30 =	vld [tilespmem:s21+$0x0];
	v0 =	vshrl.u32 v0, $0x10  }
0xd5: {  	v32 =	vld [tilespmem:s21+$0x10];
	v22 =	vadd.s32 $0x4E20, v0  }
0xd6: {  	v34 =	vld [tilespmem:s21+$0x20];
	v24 =	vshll.u32 v13, $0x10  }
0xd7: {  	v15 =	vld.idx.msk [tilespmem:v7+s2+$0x0], $0xffff;
	v5 =	vadd.s32 $0x2710, v5;
	v13 =	vand.u32 $0xFFFF0000, v13;
	v24 =	vmul.f32 v24, v17  }
0xd8: {  	v10 =	vand.u32 $0xFFFF, v2;
	v25 =	vld.idx.msk [tilespmem:v16+s2+$0x0], $0xffff;
	v13 =	vmul.f32 v13, v17  }
0xd9: {  	v11 =	vand.u32 $0xFFFF, v3;
	[tilespmem:v0+s11+$0x0] =	vst.idx.add.f32.msk $0xffff, v24  }
0xda: {  	v12 =	vand.u32 $0xFFFF, v4;
	[tilespmem:v22+s11+$0x0] =	vst.idx.add.f32.msk $0xffff, v13  }
0xdb: {  	v14 =	vand.u32 $0xFFFF, v6;
	v13 =	vld [tilespmem:s21+$0xFFFFFFC0]  }
0xdc: {  	v18 =	vand.u32 $0xFFFF, v9;
	v5 =	vld.idx.msk [tilespmem:v5+s2+$0x0], $0xffff  }
0xdd: {  	v8 =	vshrl.u32 v8, $0x10;
	v19 =	vld.idx.msk [tilespmem:v10+s2+$0x0], $0xffff  }
0xde: {  	v31 =	vadd.s32 $0x4E20, v8;
	v20 =	vld.idx.msk [tilespmem:v11+s2+$0x0], $0xffff  }
0xdf: {  	v1 =	vshrl.u32 v1, $0x10;
	v28 =	vadd.s32 $0x2710, v0;
	v21 =	vld.idx.msk [tilespmem:v12+s2+$0x0], $0xffff;
	v29 =	vshll.u32 v25, $0x10  }
0xe0: {  	v23 =	vld.idx.msk [tilespmem:v14+s2+$0x0], $0xffff;
	v25 =	vand.u32 $0xFFFF0000, v25;
	v0 =	vadd.s32 $0x7530, v0;
	v29 =	vmul.f32 v29, v13  }
0xe1: {  	v2 =	vshrl.u32 v2, $0x10;
	v26 =	vld.idx.msk [tilespmem:v18+s2+$0x0], $0xffff;
	v25 =	vmul.f32 v25, v13;
	v33 =	vshll.u32 v5, $0x10  }
0xe2: {  	v35 =	vadd.s32 $0x4E20, v1;
	v5 =	vand.u32 $0xFFFF0000, v5;
	v33 =	vmul.f32 v33, v17;
	[tilespmem:v8+s11+$0x0] =	vst.idx.add.f32.msk $0xffff, v29  }
0xe3: {  	v4 =	vshrl.u32 v4, $0x10;
	v52 =	vshll.u32 v15, $0x10;
	v5 =	vmul.f32 v5, v17;
	[tilespmem:v31+s11+$0x0] =	vst.idx.add.f32.msk $0xffff, v25  }
0xe4: {  	v53 =	vadd.s32 $0x4E20, v2;
	v15 =	vand.u32 $0xFFFF0000, v15;
	v17 =	vmul.f32 v52, v50;
	[tilespmem:v28+s11+$0x0] =	vst.idx.add.f32.msk $0xffff, v33  }
0xe5: {  	[tilespmem:v0+s11+$0x0] =	vst.idx.add.f32.msk $0xffff, v5;
	v0 =	vshrl.u32 v3, $0x10;
	v3 =	vshll.u32 v19, $0x10;
	v5 =	vmul.f32 v15, v50  }
0xe6: {  	[tilespmem:v1+s11+$0x0] =	vst.idx.add.f32.msk $0xffff, v17;
	v19 =	vand.u32 $0xFFFF0000, v19;
	v15 =	vadd.s32 $0x4E20, v0;
	v3 =	vmul.f32 v3, v51  }
0xe7: {  	v11 =	vadd.s32 $0x2710, v11;
	v54 =	vshll.u32 v20, $0x10;
	v19 =	vmul.f32 v19, v51;
	[tilespmem:v35+s11+$0x0] =	vst.idx.add.f32.msk $0xffff, v5  }
0xe8: {  	v20 =	vand.u32 $0xFFFF0000, v20;
	v17 =	vmul.f32 v54, v27;
	v5 =	vadd.s32 $0x4E20, v4;
	[tilespmem:v2+s11+$0x0] =	vst.idx.add.f32.msk $0xffff, v3  }
0xe9: {  	v20 =	vmul.f32 v20, v27;
	v3 =	vshrl.u32 v6, $0x10;
	v6 =	vshll.u32 v21, $0x10;
	[tilespmem:v53+s11+$0x0] =	vst.idx.add.f32.msk $0xffff, v19  }
0xea: {  	v21 =	vand.u32 $0xFFFF0000, v21;
	v6 =	vmul.f32 v6, v30;
	[tilespmem:v0+s11+$0x0] =	vst.idx.add.f32.msk $0xffff, v17  }
0xeb: {  	v56 =	vshrl.u32 v9, $0x10;
	v21 =	vmul.f32 v21, v30;
	[tilespmem:v15+s11+$0x0] =	vst.idx.add.f32.msk $0xffff, v20  }
0xec: {  	v9 =	vshll.u32 v23, $0x10;
	v15 =	vadd.s32 $0x2710, v16;
	[tilespmem:v4+s11+$0x0] =	vst.idx.add.f32.msk $0xffff, v6  }
0xed: {  	v58 =	vshll.u32 v26, $0x10;
	v9 =	vmul.f32 v9, v32;
	v6 =	vadd.s32 $0x4E20, v56;
	[tilespmem:v5+s11+$0x0] =	vst.idx.add.f32.msk $0xffff, v21  }
0xee: {  	v5 =	vadd.s32 $0x2710, v7;
	v7 =	vmul.f32 v58, v34;
	v11 =	vld.idx.msk [tilespmem:v11+s2+$0x0], $0xffff  }
0xef: {  	v55 =	vadd.s32 $0x4E20, v3;
	[tilespmem:v3+s11+$0x0] =	vst.idx.add.f32.msk $0xffff, v9;
	v9 =	vadd.s32 $0x2710, v10;
	v10 =	vand.u32 $0xFFFF0000, v26  }
0xf0: {  	v10 =	vmul.f32 v10, v34;
	[tilespmem:v56+s11+$0x0] =	vst.idx.add.f32.msk $0xffff, v7  }
0xf1: {  	v14 =	vadd.s32 $0x2710, v14;
	v57 =	vand.u32 $0xFFFF0000, v23;
	v7 =	vadd.s32 $0x2710, v12;
	v12 =	vld.idx.msk [tilespmem:v15+s2+$0x0], $0xffff  }
0xf2: {  	v16 =	vmul.f32 v57, v32;
	[tilespmem:v6+s11+$0x0] =	vst.idx.add.f32.msk $0xffff, v10  }
0xf3: {  	v6 =	vadd.s32 $0x2710, v18;
	v5 =	vld.idx.msk [tilespmem:v5+s2+$0x0], $0xffff  }
0xf4: {  	[tilespmem:v55+s11+$0x0] =	vst.idx.add.f32.msk $0xffff, v16;
	v10 =	vadd.s32 $0x2710, v8  }
0xf5: {  	v59 =	vadd.s32 $0x2710, v2;
	v8 =	vadd.s32 $0x7530, v8;
	v9 =	vld.idx.msk [tilespmem:v9+s2+$0x0], $0xffff  }
0xf6: {  	v61 =	vadd.s32 $0x2710, v0;
	v14 =	vld.idx.msk [tilespmem:v14+s2+$0x0], $0xffff;
	v15 =	vadd.s32 $0x2710, v1;
	v60 =	vshll.u32 v12, $0x10  }
0xf7: {  	v1 =	vadd.s32 $0x7530, v1;
	v7 =	vld.idx.msk [tilespmem:v7+s2+$0x0], $0xffff;
	v12 =	vand.u32 $0xFFFF0000, v12;
	v18 =	vmul.f32 v60, v13  }
0xf8: {  	v2 =	vadd.s32 $0x7530, v2;
	v6 =	vld.idx.msk [tilespmem:v6+s2+$0x0], $0xffff;
	v62 =	vshll.u32 v5, $0x10;
	v12 =	vmul.f32 v12, v13  }
0xf9: {  	v13 =	vadd.s32 $0x7530, v0;
	v0 =	vand.u32 $0xFFFF0000, v5;
	v5 =	vmul.f32 v62, v50;
	[tilespmem:v10+s11+$0x0] =	vst.idx.add.f32.msk $0xffff, v18  }
0xfa: {  	v63 =	vshll.u32 v9, $0x10;
	v0 =	vmul.f32 v0, v50;
	v9 =	vand.u32 $0xFFFF0000, v9;
	[tilespmem:v8+s11+$0x0] =	vst.idx.add.f32.msk $0xffff, v12  }
0xfb: {  	v10 =	vadd.s32 $0x2710, v4;
	v8 =	vadd.s32 $0x7530, v4;
	[tilespmem:v15+s11+$0x0] =	vst.idx.add.f32.msk $0xffff, v5;
	v12 =	vmul.f32 v63, v51  }
0xfc: {  	v4 =	vadd.s32 $0x2710, v3;
	v15 =	vshll.u32 v11, $0x10;
	[tilespmem:v1+s11+$0x0] =	vst.idx.add.f32.msk $0xffff, v0;
	v1 =	vmul.f32 v9, v51  }
0xfd: {  	v5 =	vadd.s32 $0x7530, v3;
	v3 =	vand.u32 $0xFFFF0000, v11;
	v9 =	vmul.f32 v15, v27;
	[tilespmem:v59+s11+$0x0] =	vst.idx.add.f32.msk $0xffff, v12  }
0xfe: {  	v11 =	vshll.u32 v7, $0x10;
	v0 =	vadd.s32 $0x2710, v56;
	v3 =	vmul.f32 v3, v27;
	[tilespmem:v2+s11+$0x0] =	vst.idx.add.f32.msk $0xffff, v1  }
0xff: {  	v12 =	vshll.u32 v6, $0x10;
	v1 =	vand.u32 $0xFFFF0000, v7;
	v7 =	vmul.f32 v11, v30;
	[tilespmem:v61+s11+$0x0] =	vst.idx.add.f32.msk $0xffff, v9  }
0x100: {  	v2 =	vshll.u32 v14, $0x10;
	v11 =	vand.u32 $0xFFFF0000, v14;
	v14 =	vmul.f32 v1, v30;
	[tilespmem:v13+s11+$0x0] =	vst.idx.add.f32.msk $0xffff, v3  }
0x101: {  	s20 =	sadd.s32 $0x1, s20;
	s25 =	simm.s32 $0x10B40;
	v6 =	vand.u32 $0xFFFF0000, v6;
	v9 =	vmul.f32 v2, v32;
	v13 =	vmul.f32 v11, v32;
	[tilespmem:v10+s11+$0x0] =	vst.idx.add.f32.msk $0xffff, v7  }
0x102: {  	s24 =	simm.s32 $0x0;
	s22 =	simm.s32 $0x16880;
	s23 =	simm.s32 $0x12980;
	v1 =	vadd.s32 $0x7530, v56;
	v3 =	vmul.f32 v12, v34;
	v2 =	vmul.f32 v6, v34;
	[tilespmem:v8+s11+$0x0] =	vst.idx.add.f32.msk $0xffff, v14  }
.LBB2_8:
0x103: {  	v17 =	vld [tilespmem:s25+$0x30]  }
0x104: {  	v6 =	vld [tilespmem:s25+$0xFFFFFFD0]  }
0x105: {  	s24 =	sadd.s32 $0x80, s24;
	v7 =	vld [tilespmem:s25+$0xFFFFFFE0]  }
0x106: {  	p0 =	slt.u32 s24, $0x1E80;
	v8 =	vld [tilespmem:s25+$0xFFFFFFF0]  }
0x107: {  	v10 =	vld [tilespmem:s25+$0x0]  }
0x108: {  	v14 =	vld [tilespmem:s25+$0x10];
	v18 =	vand.u32 $0xFFFF, v17  }
0x109: {  	v19 =	vand.u32 $0xFFFF, v6;
	v11 =	vshrl.u32 v6, $0x10;
	v16 =	vld [tilespmem:s25+$0x20]  }
0x10a: {  	v20 =	vld [tilespmem:s25+$0xFFFFFFC0];
	v12 =	vadd.s32 $0x4E20, v11;
	v21 =	vand.u32 $0xFFFF, v7;
	v6 =	vshrl.u32 v7, $0x10  }
0x10b: {  	v7 =	vadd.s32 $0x4E20, v6;
	v22 =	vand.u32 $0xFFFF, v8;
	v8 =	vshrl.u32 v8, $0x10;
	[tilespmem:v4+s11+$0x0] =	vst.idx.add.f32.msk $0xffff, v9  }
0x10c: {  	v9 =	vadd.s32 $0x4E20, v8;
	v4 =	vand.u32 $0xFFFF, v10;
	v10 =	vshrl.u32 v10, $0x10;
	[tilespmem:v5+s11+$0x0] =	vst.idx.add.f32.msk $0xffff, v13  }
0x10d: {  	v13 =	vadd.s32 $0x4E20, v10;
	v5 =	vand.u32 $0xFFFF, v14;
	v14 =	vshrl.u32 v14, $0x10;
	v24 =	vld.idx.msk [tilespmem:v18+s2+$0x0], $0xffff  }
0x10e: {  	s21 =	sadd.s32 $0x80, s21;
	v25 =	vld.idx.msk [tilespmem:v19+s2+$0x0], $0xffff;
	v15 =	vadd.s32 $0x4E20, v14;
	v26 =	vand.u32 $0xFFFF, v16;
	v16 =	vshrl.u32 v16, $0x10  }
0x10f: {  	v27 =	vand.u32 $0xFFFF, v20;
	v28 =	vshrl.u32 v20, $0x10;
	v23 =	vadd.s32 $0x4E20, v16;
	v29 =	vld [tilespmem:s21+$0x30]  }
0x110: {  	v32 =	vadd.s32 $0x2710, v19;
	v30 =	vadd.s32 $0x4E20, v28;
	v31 =	vadd.s32 $0x2710, v27;
	v19 =	vld.idx.msk [tilespmem:v21+s2+$0x0], $0xffff  }
0x111: {  	v35 =	vshrl.u32 v17, $0x10;
	v33 =	vadd.s32 $0x2710, v21;
	v34 =	vadd.s32 $0x2710, v22;
	v20 =	vld.idx.msk [tilespmem:v22+s2+$0x0], $0xffff  }
0x112: {  	v36 =	vadd.s32 $0x2710, v4;
	v37 =	vadd.s32 $0x2710, v5;
	v21 =	vld.idx.msk [tilespmem:v4+s2+$0x0], $0xffff;
	v4 =	vadd.s32 $0x4E20, v35  }
0x113: {  	v38 =	vadd.s32 $0x2710, v26;
	v22 =	vadd.s32 $0x2710, v18;
	v17 =	vshll.u32 v24, $0x10;
	v5 =	vld.idx.msk [tilespmem:v5+s2+$0x0], $0xffff  }
0x114: {  	v18 =	vand.u32 $0xFFFF0000, v24;
	v39 =	vshll.u32 v25, $0x10;
	v27 =	vld.idx.msk [tilespmem:v27+s2+$0x0], $0xffff;
	v24 =	vmul.f32 v17, v29  }
0x115: {  	v25 =	vand.u32 $0xFFFF0000, v25;
	v17 =	vadd.s32 $0x2710, v28;
	v40 =	vmul.f32 v18, v29;
	v26 =	vld.idx.msk [tilespmem:v26+s2+$0x0], $0xffff  }
0x116: {  	v18 =	vadd.s32 $0x7530, v28;
	v41 =	vshll.u32 v19, $0x10;
	v42 =	vand.u32 $0xFFFF0000, v19;
	[tilespmem:v35+s11+$0x0] =	vst.idx.add.f32.msk $0xffff, v24  }
0x117: {  	v19 =	vadd.s32 $0x2710, v11;
	v24 =	vshll.u32 v20, $0x10;
	v43 =	vand.u32 $0xFFFF0000, v20;
	[tilespmem:v4+s11+$0x0] =	vst.idx.add.f32.msk $0xffff, v40  }
0x118: {  	v20 =	vadd.s32 $0x7530, v11;
	v40 =	vshll.u32 v21, $0x10;
	v44 =	vand.u32 $0xFFFF0000, v21;
	v45 =	vld.idx.msk [tilespmem:v22+s2+$0x0], $0xffff  }
0x119: {  	v21 =	vadd.s32 $0x2710, v6;
	v47 =	vshll.u32 v5, $0x10;
	v48 =	vand.u32 $0xFFFF0000, v5;
	v46 =	vld [tilespmem:s21+$0xFFFFFFC0]  }
0x11a: {  	v50 =	vadd.s32 $0x7530, v6;
	v5 =	vshll.u32 v27, $0x10;
	v27 =	vand.u32 $0xFFFF0000, v27;
	v49 =	vld [tilespmem:s21+$0xFFFFFFD0]  }
0x11b: {  	v52 =	vadd.s32 $0x2710, v8;
	v53 =	vshll.u32 v26, $0x10;
	v26 =	vand.u32 $0xFFFF0000, v26;
	v51 =	vld [tilespmem:s21+$0xFFFFFFE0]  }
0x11c: {  	v56 =	vadd.s32 $0x2710, v35;
	v55 =	vadd.s32 $0x7530, v8;
	v22 =	vadd.s32 $0x2710, v10;
	v54 =	vld [tilespmem:s21+$0xFFFFFFF0]  }
0x11d: {  	v58 =	vadd.s32 $0x7530, v10;
	v35 =	vadd.s32 $0x7530, v35;
	v4 =	vadd.s32 $0x2710, v14;
	v57 =	vld [tilespmem:s21+$0x0]  }
0x11e: {  	v60 =	vshll.u32 v45, $0x10;
	v5 =	vmul.f32 v5, v46;
	v27 =	vmul.f32 v27, v46;
	v59 =	vld [tilespmem:s21+$0x10]  }
0x11f: {  	v45 =	vand.u32 $0xFFFF0000, v45;
	v60 =	vmul.f32 v60, v29;
	v39 =	vmul.f32 v39, v49;
	v61 =	vld [tilespmem:s21+$0x20]  }
0x120: {  	v25 =	vmul.f32 v25, v49;
	[tilespmem:v28+s11+$0x0] =	vst.idx.add.f32.msk $0xffff, v5;
	v5 =	vadd.s32 $0x7530, v14;
	v28 =	vmul.f32 v45, v29  }
0x121: {  	v29 =	vmul.f32 v41, v51;
	v41 =	vmul.f32 v42, v51;
	v42 =	vadd.s32 $0x2710, v16;
	[tilespmem:v56+s11+$0x0] =	vst.idx.add.f32.msk $0xffff, v60  }
0x122: {  	s26 =	simm.s32 $0x1EF0;
	v45 =	vadd.s32 $0x7530, v16;
	v24 =	vmul.f32 v24, v54;
	v43 =	vmul.f32 v43, v54;
	[tilespmem:v35+s11+$0x0] =	vst.idx.add.f32.msk $0xffff, v28  }
0x123: {  	v28 =	vmul.f32 v44, v57;
	[tilespmem:v30+s11+$0x0] =	vst.idx.add.f32.msk $0xffff, v27;
	v27 =	vmul.f32 v40, v57  }
0x124: {  	v30 =	vmul.f32 v48, v59;
	[tilespmem:v11+s11+$0x0] =	vst.idx.add.f32.msk $0xffff, v39;
	v11 =	vmul.f32 v47, v59  }
0x125: {  	[tilespmem:v12+s11+$0x0] =	vst.idx.add.f32.msk $0xffff, v25;
	v12 =	vmul.f32 v53, v61;
	v25 =	vmul.f32 v26, v61  }
0x126: {  	[tilespmem:v6+s11+$0x0] =	vst.idx.add.f32.msk $0xffff, v29  }
0x127: {  	[tilespmem:v7+s11+$0x0] =	vst.idx.add.f32.msk $0xffff, v41  }
0x128: {  	[tilespmem:v8+s11+$0x0] =	vst.idx.add.f32.msk $0xffff, v24  }
0x129: {  	[tilespmem:v9+s11+$0x0] =	vst.idx.add.f32.msk $0xffff, v43  }
0x12a: {  	[tilespmem:v10+s11+$0x0] =	vst.idx.add.f32.msk $0xffff, v27  }
0x12b: {  	[tilespmem:v13+s11+$0x0] =	vst.idx.add.f32.msk $0xffff, v28  }
0x12c: {  	[tilespmem:v14+s11+$0x0] =	vst.idx.add.f32.msk $0xffff, v11  }
0x12d: {  	[tilespmem:v15+s11+$0x0] =	vst.idx.add.f32.msk $0xffff, v30  }
0x12e: {  	[tilespmem:v16+s11+$0x0] =	vst.idx.add.f32.msk $0xffff, v12  }
0x12f: {  	[tilespmem:v23+s11+$0x0] =	vst.idx.add.f32.msk $0xffff, v25  }
0x130: {  	v6 =	vld.idx.msk [tilespmem:v31+s2+$0x0], $0xffff  }
0x131: {  	v7 =	vld.idx.msk [tilespmem:v32+s2+$0x0], $0xffff  }
0x132: {  	v8 =	vld.idx.msk [tilespmem:v33+s2+$0x0], $0xffff  }
0x133: {  	v9 =	vld.idx.msk [tilespmem:v34+s2+$0x0], $0xffff  }
0x134: {  	v10 =	vld.idx.msk [tilespmem:v36+s2+$0x0], $0xffff  }
0x135: {  	v11 =	vld.idx.msk [tilespmem:v37+s2+$0x0], $0xffff  }
0x136: {  	v12 =	vshll.u32 v6, $0x10;
	v6 =	vand.u32 $0xFFFF0000, v6;
	v13 =	vld.idx.msk [tilespmem:v38+s2+$0x0], $0xffff  }
0x137: {  	v12 =	vmul.f32 v12, v46;
	v14 =	vshll.u32 v7, $0x10;
	v7 =	vand.u32 $0xFFFF0000, v7;
	[tilespmem:v0+s11+$0x0] =	vst.idx.add.f32.msk $0xffff, v3;
	v0 =	vmovc v42  }
0x138: {  	v3 =	vmul.f32 v6, v46;
	v6 =	vshll.u32 v8, $0x10;
	v8 =	vand.u32 $0xFFFF0000, v8;
	[tilespmem:v1+s11+$0x0] =	vst.idx.add.f32.msk $0xffff, v2;
	v1 =	vmovc v45  }
0x139: {  	v2 =	vmul.f32 v14, v49;
	[tilespmem:v17+s11+$0x0] =	vst.idx.add.f32.msk $0xffff, v12;
	v12 =	vshll.u32 v9, $0x10;
	v9 =	vand.u32 $0xFFFF0000, v9  }
0x13a: {  	[tilespmem:v18+s11+$0x0] =	vst.idx.add.f32.msk $0xffff, v3;
	v3 =	vmul.f32 v7, v49;
	v7 =	vshll.u32 v10, $0x10;
	v10 =	vand.u32 $0xFFFF0000, v10  }
0x13b: {  	[tilespmem:v19+s11+$0x0] =	vst.idx.add.f32.msk $0xffff, v2;
	v2 =	vmul.f32 v6, v51;
	v6 =	vshll.u32 v11, $0x10;
	v11 =	vand.u32 $0xFFFF0000, v11  }
0x13c: {  	v14 =	vand.u32 $0xFFFF0000, v13;
	[tilespmem:v20+s11+$0x0] =	vst.idx.add.f32.msk $0xffff, v3;
	v3 =	vmul.f32 v8, v51;
	v8 =	vshll.u32 v13, $0x10  }
0x13d: {  	[tilespmem:v21+s11+$0x0] =	vst.idx.add.f32.msk $0xffff, v2;
	v2 =	vmul.f32 v12, v54;
	v12 =	vmul.f32 v9, v54  }
.Ltmp2:
0x13e: {  	v7 =	vmul.f32 v7, v57;
	v10 =	vmul.f32 v10, v57;
	[tilespmem:v50+s11+$0x0] =	vst.idx.add.f32.msk $0xffff, v3;
	(pc) =	sbr.rel @p0 .LBB2_8-.Ltmp2, $4  }
0x13f: {  	v13 =	vmul.f32 v11, v59;
	v9 =	vmul.f32 v6, v59;
	[tilespmem:v52+s11+$0x0] =	vst.idx.add.f32.msk $0xffff, v2  }
0x140: {  	v3 =	vmul.f32 v8, v61;
	v2 =	vmul.f32 v14, v61;
	[tilespmem:v55+s11+$0x0] =	vst.idx.add.f32.msk $0xffff, v12  }
0x141: {  	[tilespmem:v22+s11+$0x0] =	vst.idx.add.f32.msk $0xffff, v7  }
0x142: {  	s25 =	sadd.s32 $0x80, s25;
	[tilespmem:v58+s11+$0x0] =	vst.idx.add.f32.msk $0xffff, v10  }
0x143: {  	_ =	sdelay $0x3  }
0x144: {  	[tilespmem:v4+s11+$0x0] =	vst.idx.add.f32.msk $0xffff, v9  }
0x145: {  	[tilespmem:v0+s11+$0x0] =	vst.idx.add.f32.msk $0xffff, v3  }
0x146: {  	[tilespmem:v5+s11+$0x0] =	vst.idx.add.f32.msk $0xffff, v13  }
0x147: {  	[tilespmem:v1+s11+$0x0] =	vst.idx.add.f32.msk $0xffff, v2  }
.LBB2_10:
0x148: {  	v0 =	vld [tilespmem:s23+$0x0];
	_ =	sdelay $0x4  }
0x149: {  	v1 =	vand.u32 $0xFFFF, v0;
	_ =	sdelay $0x4  }
0x14a: {  	v2 =	vld.idx.msk [tilespmem:v1+s2+$0x0], $0xffff  }
0x14b: {  	v3 =	vld [tilespmem:s22+$0x0];
	_ =	sdelay $0x1  }
0x14c: {  	v0 =	vshrl.u32 v0, $0x10  }
0x14d: {  	v4 =	vadd.s32 $0x4E20, v0  }
0x14e: {  	v1 =	vadd.s32 $0x2710, v1;
	v5 =	vshll.u32 v2, $0x10  }
0x14f: {  	v2 =	vand.u32 $0xFFFF0000, v2;
	v5 =	vmul.f32 v5, v3  }
0x150: {  	v2 =	vmul.f32 v2, v3  }
0x151: {  	[tilespmem:v0+s11+$0x0] =	vst.idx.add.f32.msk $0xffff, v5  }
0x152: {  	[tilespmem:v4+s11+$0x0] =	vst.idx.add.f32.msk $0xffff, v2  }
0x153: {  	v1 =	vld.idx.msk [tilespmem:v1+s2+$0x0], $0xffff;
	_ =	sdelay $0x2  }
0x154: {  	s26 =	sadd.s32 $0x10, s26;
	v62 =	vadd.s32 $0x2710, v0  }
0x155: {  	p0 =	slt.u32 s26, $0x1F30;
	v0 =	vadd.s32 $0x7530, v0  }
.Ltmp3:
0x156: {  	v63 =	vshll.u32 v1, $0x10;
	(pc) =	sbr.rel @p0 .LBB2_10-.Ltmp3, $4  }
0x157: {  	v1 =	vand.u32 $0xFFFF0000, v1;
	v4 =	vmul.f32 v63, v3  }
0x158: {  	v1 =	vmul.f32 v1, v3  }
0x159: {  	[tilespmem:v62+s11+$0x0] =	vst.idx.add.f32.msk $0xffff, v4  }
0x15a: {  	s22 =	sadd.s32 $0x10, s22;
	s23 =	sadd.s32 $0x10, s23;
	[tilespmem:v0+s11+$0x0] =	vst.idx.add.f32.msk $0xffff, v1  }
0x15b: {  	p0 =	seq.s32 s20, $0x14  }
.Ltmp4:
0x15c: {  	_ = 	snop;
	(pc) =	sbr.rel @!p0 .LBB2_3-.Ltmp4, $1  }
0x15d: {  	_ =	sdelay $0x3  }
0x15e: {  	[hbm4b:s7+s2] =	stream.linear.scatter [tilespmem:s11], [sflag:$0x3], $0x4E20, $0x38;
	[tilespmem:$0x16900] =	vst v63  }
0x15f: {  	s19 =	sadd.s32 $0x1, s19;
	_ =	swait.ge [sflag:s10], $0x4E20  }
0x160: {  	p0 =	sne.s32 s19, s9;
	[sflag:s10] =	ssyncset.done $0x0  }
.Ltmp5:
0x161: {  	[sflag:s10] =	ssyncadd.s32 $0xFFFFB1E0;
	(pc) =	sbr.rel @p0 .LBB2_1-.Ltmp5, $4  }
0x162: {  	[hbm4b:s8+s2] =	stream.linear.scatter [tilespmem:s18], [sflag:$0x3], $0x4E20, $0x38;
	[tilespmem:$0x16900] =	vst v63  }
0x163: {  	_ =	swait.ge [sflag:s10], $0x4E20  }
0x164: {  	[sflag:s10] =	ssyncset.done $0x0  }
0x165: {  	[sflag:s10] =	ssyncadd.s32 $0xFFFFB1E0  }
0x166: {  	_ =	sfence.sel $0x180000  }
0x167: {  	[bflag:$0x0] =	sbarrier.arrive $0xFFFF  }
0x168: {  	p0 =	sne.s32 s0, $0x0;
	_ =	strace $0x90000050  }
0x169: {  	s0 =	sadd.s32 @!p0 $0x100000, s1;
	[bflag:$0x2] =	sbarrier.arrive $0xFFFF  }
0x16a: {  	[sflag:s0] =	ssyncadd.tile.s32 @!p0 $0x1;
	_ =	shalt  }
.Lfunc_end2:
_tile_overlayer_lowered:
.L_overlay_start_2:
0x16b: {  	(tag) =	ssettag $0x2  }
0x16c: {  	s0 =	rddreg [dreg:$0x0];
	s2 =	stileid.u32  }
0x16d: {  	s1 =	rddreg [dreg:$0x1];
	p0 =	sne.s32 s2, $0x0  }
0x16e: {  	s3 =	rddreg [dreg:$0x2];
	[bflag:$0x3] =	sbarrier.arrive $0xFFFF;
	s2 =	simm.s32 @!p0 $0x1C03  }
0x16f: {  	[timem:s3], [sflag:s2] =	dma.local @!p0 [hbm:s0], s1  }
0x170: {  	s0 =	simm.s32 @!p0 $0x3  }
0x171: {  	_ =	swait.ge @!p0 [sflag:s0], s1  }
0x172: {  	s1 =	ssub.s32 @!p0 $0x0, s1;
	[sflag:s0] =	ssyncset.done @!p0 $0x0  }
0x173: {  	[sflag:s0] =	ssyncadd.s32 @!p0 s1  }
0x174: {  	[bflag:$0x3] =	sbarrier.arrive $0xFFFF  }
0x175: {  	_ =	shalt  }

// kernel: kernel.24.cloned.1.call-start
scs
__scs_entry_jumppad:
0x0: {  	(pc) =	sbr.rel $0x88, $3  }
0x1: {  	(tag) =	ssettag $0x0;
	lr =	simm.s32 $0x1  }
0x2: {  	[smem:$0x3F95] =	sst lr;
	_ =	strace $0xD0000000  }
0x3: {  	_ = 	snop  }
0x4: {  	_ = 	snop  }
0x5: {  	_ = 	snop  }
0x6: {  	_ = 	snop  }
0x7: {  	_ = 	snop  }
__scs_overlays_trampoline_lowered:
0x8: {  	[smem:$0x3FA4] =	sst s0  }
0x9: {  	[smem:$0x3FA5] =	sst s1  }
0xa: {  	[smem:$0x3FA6] =	sst s2  }
0xb: {  	[smem:$0x3FA7] =	sst s3  }
0xc: {  	[smem:$0x3FA8] =	sst s4  }
0xd: {  	[smem:$0x3FA9] =	sst s5  }
0xe: {  	[smem:$0x3FAA] =	sst s6  }
0xf: {  	[smem:$0x3FAB] =	sst s7  }
0x10: {  	[smem:$0x3FAC] =	sst s8  }
0x11: {  	[smem:$0x3FAD] =	sst s9;
	s0 =	simm.s32 @!p0 $0x0  }
0x12: {  	s1 =	sld [smem:$0x3F93];
	s0 =	simm.s32 @p0 $0x1  }
0x13: {  	[smem:$0x3FAE] =	sst s0;
	s0 =	simm.s32 @!p1 $0x0  }
0x14: {  	s2 =	sld [smem:$0x3F92];
	s0 =	simm.s32 @p1 $0x1  }
0x15: {  	[smem:$0x3FAF] =	sst s0;
	s0 =	simm.s32 @!p2 $0x0  }
0x16: {  	s3 =	sld [smem:$0x3FDB];
	s0 =	simm.s32 @p2 $0x1  }
0x17: {  	s4 =	simm.s32 $0x1BF5;
	[smem:$0x3FB1] =	sst s0  }
0x18: {  	s0 =	sld [smem:$0x3F94];
	_ =	swait.ge [sflag:s4], $0x0  }
0x19: {  	s7 =	sld [smem:$0x3F95]  }
0x1a: {  	s8 =	sadd.s32 $0xFFFFE003, lr  }
0x1b: {  	s9 =	sadd.s32 $0xFFFFFEF7, lr;
	s5 =	simm.s32 $0xFFFFFFFF;
	p2 =	slt.u32 s8, $0xFFFFF086  }
0x1c: {  	p1 =	slt.u32 s9, $0xF7A;
	s5 =	simm.s32 @!p2 $0x0  }
0x1d: {  	s5 =	simm.s32 @p1 $0x1;
	p0 =	seq.s32 s7, s2  }
0x1e: {  	s7 =	smul.u32 @!p0 $0xF7A, s2;
	p2 =	seq.s32 @!p0 s5, $0x0  }
0x1f: {  	s9 =	smul.u32 $0xF7A, s1;
	s8 =	simm.s32 @!p0 $0x1BF5;
	p2 =	por !p2, p0  }
0x20: {  	[sflag:s8] =	ssyncset.s32 @!p0 $0xFFFFF086;
	s6 =	sadd.s32 @!p0 s3, s7;
	s7 =	simm.s32 @!p0 $0x108  }
0x21: {  	s3 =	sadd.s32 s3, s9;
	s6 =	sadd.s32 @!p0 $0x88, s6;
	s7 =	simm.s32 @p2 $0x1082  }
0x22: {  	[simem:s7], [sflag:s8] =	dma.local @!p0 [hbm:s6], $0xF7A  }
0x23: {  	s9 =	sor.u32 $0xD0000000, s2;
	s6 =	simm.s32 $0x108;
	_ =	swait.ge @!p0 [sflag:s8], $0x0  }
0x24: {  	s3 =	sadd.s32 $0x88, s3;
	s6 =	simm.s32 @!p1 $0x1082;
	[sflag:s4] =	ssyncset.s32 $0xFFFFF086  }
0x25: {  	[simem:s6], [sflag:s4] =	dma.local [hbm:s3], $0xF7A  }
0x26: {  	[smem:$0x3F95] =	sst s1;
	(tag) =	ssettag s2;
	_ =	strace s9  }
0x27: {  	s1 =	sld [smem:$0x3FA5]  }
0x28: {  	s2 =	sld [smem:$0x3FA6]  }
0x29: {  	s4 =	sld [smem:$0x3FA8]  }
0x2a: {  	p0 =	seq.s32 s5, $0x0;
	s5 =	sld [smem:$0x3FA9]  }
0x2b: {  	s6 =	sld [smem:$0x3FAA]  }
0x2c: {  	s7 =	sld [smem:$0x3FAB]  }
0x2d: {  	s3 =	simm.s32 $0x108;
	s8 =	sld [smem:$0x3FAC]  }
0x2e: {  	s3 =	simm.s32 @!p0 $0x1082;
	s9 =	sld [smem:$0x3FAD]  }
0x2f: {  	lr =	sadd.s32 s0, s3;
	s0 =	sld [smem:$0x3FA4]  }
0x30: {  	s3 =	sld [smem:$0x3FA7]  }
0x31: {  	[smem:$0x3FB0] =	sst s10  }
0x32: {  	s10 =	sld [smem:$0x3FAE];
	_ =	sdelay $0x3  }
0x33: {  	p0 =	seq.s32 s10, $0x1;
	s10 =	sld [smem:$0x3FB0];
	_ =	sdelay $0x3  }
0x34: {  	[smem:$0x3FB0] =	sst s10  }
0x35: {  	s10 =	sld [smem:$0x3FAF];
	_ =	sdelay $0x3  }
0x36: {  	p1 =	seq.s32 s10, $0x1;
	s10 =	sld [smem:$0x3FB0];
	_ =	sdelay $0x3  }
0x37: {  	[smem:$0x3FB0] =	sst s10  }
0x38: {  	s10 =	sld [smem:$0x3FB1]  }
0x39: {  	_ = 	snop;
	(pc) =	sbr.ind lr, $3  }
0x3a: {  	_ = 	snop  }
0x3b: {  	_ = 	snop  }
0x3c: {  	p2 =	seq.s32 s10, $0x1;
	s10 =	sld [smem:$0x3FB0]  }
0x3d: {  	_ =	shalt  }
0x3e: {  	_ =	shalt  }
0x3f: {  	_ =	shalt  }
0x40: {  	_ =	shalt  }
0x41: {  	_ =	shalt  }
0x42: {  	_ =	shalt  }
0x43: {  	_ =	shalt  }
0x44: {  	_ =	shalt  }
0x45: {  	_ =	shalt  }
0x46: {  	_ =	shalt  }
0x47: {  	_ =	shalt  }
0x48: {  	_ =	shalt  }
0x49: {  	_ =	shalt  }
0x4a: {  	_ =	shalt  }
0x4b: {  	_ =	shalt  }
0x4c: {  	_ =	shalt  }
0x4d: {  	_ =	shalt  }
0x4e: {  	_ =	shalt  }
0x4f: {  	_ =	shalt  }
0x50: {  	_ =	shalt  }
0x51: {  	_ =	shalt  }
0x52: {  	_ =	shalt  }
0x53: {  	_ =	shalt  }
0x54: {  	_ =	shalt  }
0x55: {  	_ =	shalt  }
0x56: {  	_ =	shalt  }
0x57: {  	_ =	shalt  }
0x58: {  	_ =	shalt  }
0x59: {  	_ =	shalt  }
0x5a: {  	_ =	shalt  }
0x5b: {  	_ =	shalt  }
0x5c: {  	_ =	shalt  }
0x5d: {  	_ =	shalt  }
0x5e: {  	_ =	shalt  }
0x5f: {  	_ =	shalt  }
0x60: {  	_ =	shalt  }
0x61: {  	_ =	shalt  }
0x62: {  	_ =	shalt  }
0x63: {  	_ =	shalt  }
0x64: {  	_ =	shalt  }
0x65: {  	_ =	shalt  }
0x66: {  	_ =	shalt  }
0x67: {  	_ =	shalt  }
0x68: {  	_ =	shalt  }
0x69: {  	_ =	shalt  }
0x6a: {  	_ =	shalt  }
0x6b: {  	_ =	shalt  }
0x6c: {  	_ =	shalt  }
0x6d: {  	_ =	shalt  }
0x6e: {  	_ =	shalt  }
0x6f: {  	_ =	shalt  }
0x70: {  	_ =	shalt  }
0x71: {  	_ =	shalt  }
0x72: {  	_ =	shalt  }
0x73: {  	_ =	shalt  }
0x74: {  	_ =	shalt  }
0x75: {  	_ =	shalt  }
0x76: {  	_ =	shalt  }
0x77: {  	_ =	shalt  }
0x78: {  	_ =	shalt  }
0x79: {  	_ =	shalt  }
0x7a: {  	_ =	shalt  }
0x7b: {  	_ =	shalt  }
0x7c: {  	_ =	shalt  }
0x7d: {  	_ =	shalt  }
0x7e: {  	_ =	shalt  }
0x7f: {  	_ =	shalt  }
0x80: {  	_ =	shalt  }
0x81: {  	_ =	shalt  }
0x82: {  	_ =	shalt  }
0x83: {  	_ =	shalt  }
0x84: {  	_ =	shalt  }
0x85: {  	_ =	shalt  }
0x86: {  	_ =	shalt  }
0x87: {  	_ =	shalt  }
.Lfunc_end0:
.L_simem_size_0:
called_computation.4_lowered:
.L_overlay_start_0:
0x88: {  	s2 =	sld [smem:$0x3FD9]  }
0x89: {  	s3 =	sld [smem:$0x3FFE];
	_ =	sdelay $0x1  }
0x8a: {  	s1 =	srdreg.scid  }
0x8b: {  	s0 =	sand.u32 $0x1, s1  }
0x8c: {  	s16 =	sshll.u32 s0, $0xA;
	s2 =	sadd.s32 s3, s2  }
0x8d: {  	s2 =	sadd.s32 s2, s16  }
0x8e: {  	[smem:$0x3FBC] =	sst s2  }
0x8f: {  	_ = 	snop  }
0x90: {  	(tm) =	ssettm $0x1  }
0x91: {  	s17 =	sld [smem:$0x3FFB];
	_ =	sdelay $0x3  }
0x92: {  	_ =	strace s17  }
0x93: {  	s2 =	sld [smem:$0x3FFC];
	_ =	sdelay $0x3  }
0x94: {  	_ =	strace s2  }
0x95: {  	s2 =	sld [smem:$0x3FFD];
	_ =	sdelay $0x3  }
0x96: {  	_ =	strace s2  }
0x97: {  	_ =	strace $0x8FFFFFFF  }
0x98: {  	s18 =	sld [smem:$0x3FDB];
	_ =	sdelay $0x1  }
0x99: {  	s19 =	simm.s32 $_scs_section_size  }
0x9a: {  	s4 =	simm.s32 $_size__tile_overlayer_lowered;
	s5 =	simm.s32 $_tile_overlayer_lowered  }
0x9b: {  	s22 =	simm.s32 $0x1BFF;
	s21 =	sshll.u32 s5, $0x1;
	s2 =	sadd.s32 s19, s18  }
0x9c: {  	s6 =	simm.s32 $0x0;
	s20 =	sshll.u32 s4, $0x1;
	s4 =	sadd.s32 s21, s2  }
0x9d: {  	[timem:s6], [sflag:s22] =	dma.local [hbm:s4], s20  }
0x9e: {  	_ =	swait.ge [sflag:s22], s20  }
0x9f: {  	s3 =	ssub.s32 $0x0, s20;
	[sflag:s22] =	ssyncset.done $0x0  }
0xa0: {  	[sflag:s22] =	ssyncadd.s32 s3;
	_ =	sdelay $0x1  }
0xa1: {  	s23 =	simm.s32 $0x1B8B  }
0xa2: {  	_ =	swait.ge [sflag:s23], $0x1  }
0xa3: {  	[sflag:s23] =	ssyncset.done $0x0  }
0xa4: {  	s25 =	simm.s32 $0x1B8E;
	s24 =	sld [smem:$0x3FFE];
	[sflag:s23] =	ssyncadd.s32 $0xFFFFFFFF  }
0xa5: {  	s26 =	simm.s32 $execute0_lowered;
	[smem:$0x3FD2] =	sst s25  }
0xa6: {  	s4 =	sshll.u32 s26, $0x1;
	_ =	strace $0x80000052;
	[dreg:$0x1] =	wrdreg $0xFFFFFFFF  }
0xa7: {  	s28 =	simm.s32 $_size_execute0_lowered;
	s2 =	sadd.s32 s2, s4;
	[dreg:$0x0] =	wrdreg $0x0  }
0xa8: {  	s4 =	sshll.u32 s28, $0x1;
	[dreg:$0x2] =	wrdreg s2  }
0xa9: {  	[dreg:$0x3] =	wrdreg s4  }
0xaa: {  	[dreg:$0x4] =	wrdreg $0xC0  }
0xab: {  	_ =	task [dreg:s6], $0x5FFFF  }
0xac: {  	[dreg:$0x1] =	wrdreg $0xFFFFFFFF  }
0xad: {  	[dreg:$0x0] =	wrdreg $0x60  }
0xae: {  	[dreg:$0x2] =	wrdreg s24  }
0xaf: {  	[dreg:$0x3] =	wrdreg $0x9  }
0xb0: {  	_ =	task.clear_ibuf [dreg:s6], $0x4FFFF;
	_ =	strace $0x90000052  }
0xb1: {  	s29 =	simm.s32 $0x9;
	_ =	strace $0x80000054  }
0xb2: {  	_ =	swait.ge [sflag:s29], $0x1  }
0xb3: {  	[sflag:s29] =	ssyncadd.s32 $0xFFFFFFFF  }
0xb4: {  	_ =	strace $0x90000054  }
0xb5: {  	_ =	sfence  }
0xb6: {  	s30 =	sld [smem:$0x0];
	_ =	sdelay $0x2  }
0xb7: {  	s31 =	sshll.u32 s1, $0xD;
	s1 =	sshrl.u32 s1, $0x2  }
0xb8: {  	s3 =	sand.u32 $0x4000, s31;
	s1 =	sadd.s32 s1, s30  }
0xb9: {  	s0 =	sor.u32 s3, s0;
	s1 =	sshll.u32 s1, $0x11  }
0xba: {  	s0 =	sor.u32 s1, s0  }
0xbb: {  	s0 =	sadd.s32 $0x8F2B, s0  }
0xbc: {  	[sflag:s0] =	ssyncadd.remote.s32 $0x1  }
0xbd: {  	_ =	sfence.sel $0xFFFF  }
0xbe: {  	[dreg:$0x0] =	wrdreg $0xFFFFFFFF;
	(pc) =	sbr.abs _section_cstart, $3  }
0xbf: {  	[dreg:$0x1] =	wrdreg $0xFFFFFFFF  }
0xc0: {  	_ =	task.clear_ibuf [dreg:s6], $0x2FFFF;
	_ =	strace $0x9FFFFFFF  }
0xc1: {  	(tm) =	ssettm $0x7FFFFFFF  }
tec
execute0_lowered:
.L_overlay_start_1:
0x0: {  	(tag) =	ssettag $0x1  }
0x1: {  	s6 =	rddreg [dreg:$0x0]  }
0x2: {  	s0 =	rddreg [dreg:$0x1];
	s2 =	simm.s32 $0x0;
	s1 =	srdreg.scid  }
0x3: {  	s4 =	simm.s32 $0x4E2;
	s11 =	simm.s32 $0x2780;
	s12 =	simm.s32 $0x4F00  }
0x4: {  	s13 =	simm.s32 $0x5F00;
	s14 =	simm.s32 $0x0;
	s3 =	sand.u32 $0x1, s1  }
0x5: {  	[smem:$0x7FF] =	sst s2;
	s1 =	stileid.u32;
	p0 =	seq.s32 s3, $0x1  }
0x6: {  	s5 =	sshll.u32 s1, $0x1;
	_ =	strace $0x80000053;
	s9 =	ssub.s32 $0x2, s3  }
0x7: {  	s4 =	simm.s32 @!p0 $0x0;
	s5 =	sor.u32 s3, s5;
	s3 =	sadd.s32 $0x22200, s6  }
0x8: {  	s10 =	sshrl.u32 s9, $0x1;
	s7 =	sadd.s32 s4, s6;
	s8 =	smul.u32 $0x4E2, s5  }
0x9: {  	s4 =	sadd.s32 $0x18400, s6;
	s5 =	sadd.s32 $0x16A00, s6;
	s9 =	ssub.s32 s9, s10  }
0xa: {  	s10 =	simm.s32 $0x1;
	s7 =	sadd.s32 $0x2E00, s7;
	s8 =	sadd.s32 s8, s6  }
0xb: {  	s9 =	smax.u32 s9, $0x1;
	s6 =	smul.u32 $0x4E20, s1;
	s8 =	sadd.s32 $0x3800, s8  }
.LBB2_1:
0xc: {  	[tilespmem:s2], [sflag:$0x1] =	stream.linear.gather [hbm4b:s7+s2], $0x2710, $0x38;
	[tilespmem:$0x6F00] =	vst v63  }
0xd: {  	_ =	swait.ge [sflag:s10], $0x2710  }
0xe: {  	[sflag:s10] =	ssyncset.done $0x0  }
0xf: {  	[sflag:s10] =	ssyncadd.s32 $0xFFFFD8F0  }
0x10: {  	[tilespmem:s11], [sflag:$0x1] =	stream.linear.gather [hbm4b:s5+s2], $0x2710, $0x38;
	[tilespmem:$0x6F00] =	vst v63  }
0x11: {  	_ =	swait.ge [sflag:s10], $0x2710  }
0x12: {  	[sflag:s10] =	ssyncset.done $0x0  }
0x13: {  	s15 =	simm.s32 $0x0;
	[sflag:s10] =	ssyncadd.s32 $0xFFFFD8F0  }
.LBB2_2:
0x14: {  	s16 =	smul.u32 $0xFA0, s15;
	_ =	sdelay $0x1  }
0x15: {  	s16 =	sadd.s32 s6, s16  }
0x16: {  	s16 =	sshrl.u32 s16, $0x3  }
0x17: {  	s17 =	sadd.s32 s3, s16  }
0x18: {  	[tilespmem:s12], [sflag:$0x1] =	stream.linear.gather [hbm4b:s17+s2], $0xFA0, $0x38;
	[tilespmem:$0x6F00] =	vst v63  }
0x19: {  	_ =	swait.ge [sflag:s10], $0xFA0  }
0x1a: {  	[sflag:s10] =	ssyncset.done $0x0  }
0x1b: {  	s16 =	sadd.s32 s4, s16;
	[sflag:s10] =	ssyncadd.s32 $0xFFFFF060  }
0x1c: {  	[tilespmem:s13], [sflag:$0x1] =	stream.linear.gather [hbm4b:s16+s2], $0xFA0, $0x38;
	[tilespmem:$0x6F00] =	vst v63  }
0x1d: {  	_ =	swait.ge [sflag:s10], $0xFA0  }
0x1e: {  	[sflag:s10] =	ssyncset.done $0x0  }
0x1f: {  	s31 =	simm.s32 $0x4F40;
	[sflag:s10] =	ssyncadd.s32 $0xFFFFF060  }
0x20: {  	v0 =	vld [tilespmem:s31+$0x30]  }
0x21: {  	v1 =	vld [tilespmem:s31+$0xFFFFFFD0]  }
0x22: {  	v2 =	vld [tilespmem:s31+$0xFFFFFFE0]  }
0x23: {  	v3 =	vld [tilespmem:s31+$0xFFFFFFF0]  }
0x24: {  	v4 =	vld [tilespmem:s31+$0x0]  }
0x25: {  	v6 =	vld [tilespmem:s31+$0x10]  }
0x26: {  	v8 =	vld [tilespmem:s31+$0xFFFFFFC0]  }
0x27: {  	s16 =	simm.s32 $0x5F40;
	v10 =	vld [tilespmem:s31+$0x20];
	v5 =	vand.u32 $0xFFFF, v0  }
0x28: {  	v14 =	vld [tilespmem:s16+$0x30]  }
0x29: {  	v59 =	vld [tilespmem:s16+$0xFFFFFFD0]  }
0x2a: {  	v60 =	vld [tilespmem:s16+$0xFFFFFFE0]  }
0x2b: {  	v17 =	vld [tilespmem:s16+$0xFFFFFFF0];
	v7 =	vand.u32 $0xFFFF, v1  }
0x2c: {  	v12 =	vand.u32 $0xFFFF, v4;
	v5 =	vld.idx.msk [tilespmem:v5+s2+$0x0], $0xffff  }
0x2d: {  	v18 =	vld [tilespmem:s16+$0x0];
	v15 =	vand.u32 $0xFFFF, v8  }
0x2e: {  	v61 =	vld [tilespmem:s16+$0x10];
	v0 =	vshrl.u32 v0, $0x10  }
0x2f: {  	v62 =	vld [tilespmem:s16+$0x20]  }
0x30: {  	v11 =	vand.u32 $0xFFFF, v3;
	v7 =	vld.idx.msk [tilespmem:v7+s2+$0x0], $0xffff  }
0x31: {  	v9 =	vand.u32 $0xFFFF, v2;
	v12 =	vld.idx.msk [tilespmem:v12+s2+$0x0], $0xffff;
	v5 =	vmul.f32 v5, v14  }
0x32: {  	v13 =	vand.u32 $0xFFFF, v6;
	v58 =	vld.idx.msk [tilespmem:v15+s2+$0x0], $0xffff  }
0x33: {  	v16 =	vand.u32 $0xFFFF, v10;
	[tilespmem:v0+s11+$0x0] =	vst.idx.add.f32.msk $0xffff, v5  }
0x34: {  	v1 =	vshrl.u32 v1, $0x10;
	v0 =	vld [tilespmem:s16+$0xFFFFFFC0]  }
0x35: {  	v4 =	vshrl.u32 v4, $0x10;
	v11 =	vld.idx.msk [tilespmem:v11+s2+$0x0], $0xffff  }
0x36: {  	v8 =	vshrl.u32 v8, $0x10;
	v9 =	vld.idx.msk [tilespmem:v9+s2+$0x0], $0xffff  }
0x37: {  	v3 =	vshrl.u32 v3, $0x10;
	v13 =	vld.idx.msk [tilespmem:v13+s2+$0x0], $0xffff;
	v7 =	vmul.f32 v7, v59  }
0x38: {  	v2 =	vshrl.u32 v2, $0x10;
	v63 =	vmul.f32 v12, v18;
	v5 =	vld.idx.msk [tilespmem:v16+s2+$0x0], $0xffff  }
0x39: {  	[tilespmem:v1+s11+$0x0] =	vst.idx.add.f32.msk $0xffff, v7;
	v0 =	vmul.f32 v58, v0  }
0x3a: {  	v1 =	vmul.f32 v11, v17;
	[tilespmem:v4+s11+$0x0] =	vst.idx.add.f32.msk $0xffff, v63  }
0x3b: {  	[tilespmem:v8+s11+$0x0] =	vst.idx.add.f32.msk $0xffff, v0;
	v0 =	vmul.f32 v9, v60  }
0x3c: {  	s20 =	simm.s32 $0x0;
	s18 =	simm.s32 $0x6E80;
	[tilespmem:v3+s11+$0x0] =	vst.idx.add.f32.msk $0xffff, v1;
	v1 =	vshrl.u32 v10, $0x10  }
0x3d: {  	s19 =	simm.s32 $0x5E80;
	s21 =	simm.s32 $0x4FC0;
	s17 =	simm.s32 $0xF70;
	v3 =	vmul.f32 v5, v62;
	[tilespmem:v2+s11+$0x0] =	vst.idx.add.f32.msk $0xffff, v0;
	v0 =	vshrl.u32 v6, $0x10;
	v2 =	vmul.f32 v13, v61  }
.LBB2_3:
0x3e: {  	v4 =	vld [tilespmem:s21+$0x30];
	s20 =	sadd.s32 $0x80, s20  }
0x3f: {  	v5 =	vld [tilespmem:s21+$0xFFFFFFD0];
	p0 =	slt.u32 s20, $0xF00  }
0x40: {  	v6 =	vld [tilespmem:s21+$0xFFFFFFE0]  }
0x41: {  	v7 =	vld [tilespmem:s21+$0xFFFFFFF0]  }
0x42: {  	v8 =	vld [tilespmem:s21+$0x0]  }
0x43: {  	v9 =	vld [tilespmem:s21+$0x10];
	v10 =	vand.u32 $0xFFFF, v4  }
0x44: {  	v11 =	vshrl.u32 v5, $0x10;
	v5 =	vand.u32 $0xFFFF, v5;
	v12 =	vld [tilespmem:s21+$0x20]  }
0x45: {  	v13 =	vld [tilespmem:s21+$0xFFFFFFC0];
	v14 =	vshrl.u32 v6, $0x10;
	v6 =	vand.u32 $0xFFFF, v6  }
0x46: {  	v15 =	vshrl.u32 v7, $0x10;
	v7 =	vand.u32 $0xFFFF, v7;
	[tilespmem:v0+s11+$0x0] =	vst.idx.add.f32.msk $0xffff, v2  }
0x47: {  	v16 =	vshrl.u32 v8, $0x10;
	v2 =	vand.u32 $0xFFFF, v8;
	[tilespmem:v1+s11+$0x0] =	vst.idx.add.f32.msk $0xffff, v3  }
0x48: {  	s16 =	sadd.s32 $0x80, s16;
	v0 =	vshrl.u32 v9, $0x10;
	v3 =	vand.u32 $0xFFFF, v9;
	v8 =	vld.idx.msk [tilespmem:v10+s2+$0x0], $0xffff  }
0x49: {  	v1 =	vshrl.u32 v12, $0x10;
	v9 =	vand.u32 $0xFFFF, v12;
	v10 =	vld [tilespmem:s16+$0x30]  }
0x4a: {  	v12 =	vshrl.u32 v13, $0x10;
	v13 =	vand.u32 $0xFFFF, v13;
	v5 =	vld.idx.msk [tilespmem:v5+s2+$0x0], $0xffff  }
0x4b: {  	v4 =	vshrl.u32 v4, $0x10;
	v6 =	vld.idx.msk [tilespmem:v6+s2+$0x0], $0xffff  }
0x4c: {  	v7 =	vld.idx.msk [tilespmem:v7+s2+$0x0], $0xffff  }
0x4d: {  	v2 =	vld.idx.msk [tilespmem:v2+s2+$0x0], $0xffff  }
0x4e: {  	v3 =	vld.idx.msk [tilespmem:v3+s2+$0x0], $0xffff;
	v8 =	vmul.f32 v8, v10  }
0x4f: {  	v10 =	vld.idx.msk [tilespmem:v13+s2+$0x0], $0xffff  }
0x50: {  	[tilespmem:v4+s11+$0x0] =	vst.idx.add.f32.msk $0xffff, v8  }
0x51: {  	v4 =	vld.idx.msk [tilespmem:v9+s2+$0x0], $0xffff  }
0x52: {  	v8 =	vld [tilespmem:s16+$0xFFFFFFC0]  }
0x53: {  	v9 =	vld [tilespmem:s16+$0xFFFFFFD0]  }
0x54: {  	v13 =	vld [tilespmem:s16+$0xFFFFFFE0]  }
0x55: {  	v17 =	vld [tilespmem:s16+$0xFFFFFFF0]  }
0x56: {  	v18 =	vld [tilespmem:s16+$0x0]  }
0x57: {  	v8 =	vmul.f32 v10, v8;
	v10 =	vld [tilespmem:s16+$0x10]  }
0x58: {  	v5 =	vmul.f32 v5, v9;
	v9 =	vld [tilespmem:s16+$0x20]  }
.Ltmp0:
0x59: {  	[tilespmem:v12+s11+$0x0] =	vst.idx.add.f32.msk $0xffff, v8;
	v6 =	vmul.f32 v6, v13;
	(pc) =	sbr.rel @p0 .LBB2_3-.Ltmp0, $4  }
0x5a: {  	[tilespmem:v11+s11+$0x0] =	vst.idx.add.f32.msk $0xffff, v5;
	v5 =	vmul.f32 v7, v17  }
0x5b: {  	[tilespmem:v14+s11+$0x0] =	vst.idx.add.f32.msk $0xffff, v6;
	v6 =	vmul.f32 v2, v18  }
0x5c: {  	[tilespmem:v15+s11+$0x0] =	vst.idx.add.f32.msk $0xffff, v5;
	v2 =	vmul.f32 v3, v10  }
0x5d: {  	s21 =	sadd.s32 $0x80, s21;
	[tilespmem:v16+s11+$0x0] =	vst.idx.add.f32.msk $0xffff, v6;
	v3 =	vmul.f32 v4, v9  }
0x5e: {  	_ =	sdelay $0x3  }
0x5f: {  	[tilespmem:v0+s11+$0x0] =	vst.idx.add.f32.msk $0xffff, v2  }
0x60: {  	[tilespmem:v1+s11+$0x0] =	vst.idx.add.f32.msk $0xffff, v3  }
.LBB2_5:
0x61: {  	v0 =	vld [tilespmem:s19+$0x0];
	_ =	sdelay $0x4  }
0x62: {  	v1 =	vand.u32 $0xFFFF, v0;
	_ =	sdelay $0x3  }
0x63: {  	v2 =	vld [tilespmem:s18+$0x0]  }
0x64: {  	v1 =	vld.idx.msk [tilespmem:v1+s2+$0x0], $0xffff  }
0x65: {  	s17 =	sadd.s32 $0x10, s17  }
0x66: {  	p0 =	slt.u32 s17, $0xF90;
	v0 =	vshrl.u32 v0, $0x10  }
.Ltmp1:
0x67: {  	_ = 	snop;
	(pc) =	sbr.rel @p0 .LBB2_5-.Ltmp1, $3  }
0x68: {  	_ = 	snop  }
0x69: {  	v1 =	vmul.f32 v1, v2;
	_ =	sdelay $0x1  }
0x6a: {  	s18 =	sadd.s32 $0x10, s18;
	s19 =	sadd.s32 $0x10, s19;
	[tilespmem:v0+s11+$0x0] =	vst.idx.add.f32.msk $0xffff, v1  }
0x6b: {  	s15 =	sadd.s32 $0x1, s15  }
0x6c: {  	p0 =	sne.s32 s15, $0x5  }
.Ltmp2:
0x6d: {  	_ = 	snop;
	(pc) =	sbr.rel @p0 .LBB2_2-.Ltmp2, $1  }
0x6e: {  	_ =	sdelay $0x3  }
0x6f: {  	s14 =	sadd.s32 $0x1, s14  }
0x70: {  	p0 =	sne.s32 s14, s9  }
.Ltmp3:
0x71: {  	_ = 	snop;
	(pc) =	sbr.rel @p0 .LBB2_1-.Ltmp3, $4  }
0x72: {  	[hbm4b:s8+s2] =	stream.linear.scatter [tilespmem:s11], [sflag:$0x1], $0x2710, $0x38;
	[tilespmem:$0x6F00] =	vst v63  }
0x73: {  	_ =	swait.ge [sflag:s10], $0x2710  }
0x74: {  	[sflag:s10] =	ssyncset.done $0x0  }
0x75: {  	[sflag:s10] =	ssyncadd.s32 $0xFFFFD8F0  }
0x76: {  	_ =	sfence.sel $0x180000  }
0x77: {  	[bflag:$0x0] =	sbarrier.arrive $0xFFFF  }
0x78: {  	p0 =	sne.s32 s1, $0x0;
	_ =	strace $0x90000053  }
0x79: {  	s0 =	sadd.s32 @!p0 $0x100000, s0;
	[bflag:$0x2] =	sbarrier.arrive $0xFFFF  }
0x7a: {  	[sflag:s0] =	ssyncadd.tile.s32 @!p0 $0x1;
	_ =	shalt  }
.Lfunc_end2:
_tile_overlayer_lowered:
.L_overlay_start_2:
0x7b: {  	(tag) =	ssettag $0x2  }
0x7c: {  	s0 =	rddreg [dreg:$0x0];
	s2 =	stileid.u32  }
0x7d: {  	s1 =	rddreg [dreg:$0x1];
	p0 =	sne.s32 s2, $0x0  }
0x7e: {  	s3 =	rddreg [dreg:$0x2];
	[bflag:$0x3] =	sbarrier.arrive $0xFFFF;
	s2 =	simm.s32 @!p0 $0x1C01  }
0x7f: {  	[timem:s3], [sflag:s2] =	dma.local @!p0 [hbm:s0], s1  }
0x80: {  	s0 =	simm.s32 @!p0 $0x1  }
0x81: {  	_ =	swait.ge @!p0 [sflag:s0], s1  }
0x82: {  	s1 =	ssub.s32 @!p0 $0x0, s1;
	[sflag:s0] =	ssyncset.done @!p0 $0x0  }
0x83: {  	[sflag:s0] =	ssyncadd.s32 @!p0 s1  }
0x84: {  	[bflag:$0x3] =	sbarrier.arrive $0xFFFF  }
0x85: {  	_ =	shalt  }

</sc_bundles>
